<compile_context>
chip_gen: v7x
topology: tpu7x:2x2x1
jax: 0.10.2.dev20260603
libtpu: 0.0.44.dev20260713+nightly
codegen_flags: <defaults>
</compile_context>

<pallas_src>
import functools

import jax
import jax.numpy as jnp
from jax import lax
from jax.experimental import pallas as pl
from jax.experimental.pallas import tpu as pltpu
from jax.experimental.pallas import tpu_sc as plsc

_BB = 8


def _idx_body(z_ref, e_ref, i_ref):
    e = e_ref[...]
    K, C = e.shape
    HW = z_ref.shape[2]
    e_sq = jnp.sum(e * e, axis=1)[:, None]
    em2b = (e * (-2.0)).astype(jnp.bfloat16)
    iota_f = lax.broadcasted_iota(jnp.int32, (K, HW), 0).astype(jnp.float32)
    for b in range(_BB):
        zc = z_ref[b]
        s2 = lax.dot_general(em2b, zc.astype(jnp.bfloat16),
                             (((1,), (0,)), ((), ())),
                             preferred_element_type=jnp.float32)
        d = s2 + e_sq
        m = jnp.min(d, axis=0, keepdims=True)
        ival = jnp.where(d == m, iota_f, float(K))
        i_ref[b] = jnp.min(ival, axis=0).astype(jnp.int32)


def _tc_indices(z, embedding):
    B, C, HW = z.shape
    K = embedding.shape[0]
    return pl.pallas_call(
        _idx_body,
        grid=(B // _BB,),
        in_specs=[
            pl.BlockSpec((_BB, C, HW), lambda b: (b, 0, 0)),
            pl.BlockSpec((K, C), lambda b: (0, 0)),
        ],
        out_specs=pl.BlockSpec((_BB, HW), lambda b: (b, 0)),
        out_shape=jax.ShapeDtypeStruct((B, HW), jnp.int32),
    )(z, embedding)


def _sc_gather(embedding, idx):
    K, C = embedding.shape
    B, HW = idx.shape
    L = 16
    info = plsc.get_sparse_core_info()
    nc, ns = info.num_cores, info.num_subcores
    mesh = plsc.VectorSubcoreMesh(core_axis_name="c", subcore_axis_name="s")

    nw = nc * ns
    wpb = nw // B
    cs = C // wpb

    @functools.partial(
        pl.kernel, mesh=mesh,
        compiler_params=pltpu.CompilerParams(needs_layout_passes=False),
        out_type=jax.ShapeDtypeStruct((B, C, HW), jnp.float32),
        scratch_types=[
            pltpu.VMEM((HW,), jnp.int32),
            pltpu.VMEM((K * C,), jnp.float32),
            pltpu.VMEM((cs, HW), jnp.float32),
        ],
    )
    def k(e_hbm, idx_hbm, out_hbm, idx_v, e_v, out_v):
        wid = lax.axis_index("s") * nc + lax.axis_index("c")
        b = wid // wpb
        c0 = (wid % wpb) * cs
        pltpu.sync_copy(idx_hbm.at[b], idx_v)
        pltpu.sync_copy(e_hbm, e_v)

        @plsc.parallel_loop(0, HW // L, unroll=2)
        def body(j):
            row = idx_v[pl.ds(j * L, L)]
            for c in range(cs):
                out_v[c, pl.ds(j * L, L)] = plsc.load_gather(
                    e_v, [row + (c0 + c) * K])
        pltpu.sync_copy(out_v, out_hbm.at[b, pl.ds(c0, cs), :])

    return k(embedding.T.reshape(C * K), idx)


def kernel(z_e, embedding):
    B, C, H, W = z_e.shape
    z = z_e.reshape(B, C, H * W)
    idx = _tc_indices(z, embedding)
    out = _sc_gather(embedding, idx)
    return out.reshape(B, C, H, W)

# --- scband reference (transcript-rebuilt; emitter-appended) ---
"""Pipeline reference for scband-vector-quantizer-ema-29497835389284 (READ-ONLY COPY).

The authoritative reference and input builder live on the scoring server;
editing this copy changes nothing except your own understanding.
"""

import jax, jax.numpy as jnp
import numpy as np


def setup_inputs(seed: int = 0) -> dict:
    key = jax.random.key(seed)
    k1, k2 = jax.random.split(key)
    z_e = jax.random.normal(k1, (32, 64, 32, 32), dtype=jnp.float32)
    embedding = jax.random.normal(k2, (512, 64), dtype=jnp.float32)
    return {"z_e": z_e, "embedding": embedding}


def reference(z_e, embedding):
    B, C, H, W = z_e.shape
    z_flat = jnp.transpose(z_e, (0, 2, 3, 1)).reshape(-1, C)
    n = z_flat.shape[0]
    e_sq = jnp.sum(embedding ** 2, axis=1)[None, :]
    idxs = []
    for i in range(0, n, 1024):
        chunk = z_flat[i:i + 1024]
        d2 = jnp.sum(chunk ** 2, axis=1, keepdims=True) - 2.0 * (chunk @ embedding.T) + e_sq
        dist = jnp.sqrt(jnp.maximum(d2, 0.0))
        idxs.append(jnp.argmin(dist, axis=1))
    indices = jnp.concatenate(idxs)
    z_q = jnp.take(embedding, indices, axis=0).reshape(B, H, W, C)
    z_q = jnp.transpose(z_q, (0, 3, 1, 2))
    return z_q

if __name__ == "__main__":
    import jax
    _d = setup_inputs()
    print(jax.jit(kernel)(*tuple(_d.values())))

</pallas_src>

<mosaic_0001>
#map = affine_map<(d0, d1) -> (0)>
#map1 = affine_map<(d0, d1) -> (0, 0)>
#map2 = affine_map<(d0, d1) -> (0, 0, 0)>
module attributes {stable_mosaic.version = 14 : i64} {
  func.func @k(%arg0: i32, %arg1: i32, %arg2: memref<32768xf32, #tpu.memory_space<hbm>>, %arg3: memref<32x1024xi32, #tpu.memory_space<hbm>>, %arg4: memref<32x64x1024xf32, #tpu.memory_space<hbm>>, %arg5: memref<1024xi32, #tpu.memory_space<vmem>>, %arg6: memref<32768xf32, #tpu.memory_space<vmem>>, %arg7: memref<64x1024xf32, #tpu.memory_space<vmem>>) attributes {dimension_semantics = [#tpu.dimension_semantics<core_parallel>, #tpu.dimension_semantics<subcore_parallel>], iteration_bounds = array<i64: 2, 16>, scalar_prefetch = 0 : i64, scratch_operands = 3 : i64, tpu.core_type = #tpu.core_type<sc_vector_subcore>, window_params = [{transform_indices = #map}, {transform_indices = #map1}, {transform_indices = #map2}]} {
    %mul3A = arith.constant 2 : i32
    %mul3A_0 = arith.muli %arg1, %mul3A : i32
    %add3A = arith.addi %mul3A_0, %arg0 : i32
    %jit3A = arith.constant 1 : i32
    %div3A = arith.divsi %add3A, %jit3A : i32
    %sign3A = arith.constant 0 : i32
    %sign3A_1 = arith.cmpi sgt, %add3A, %sign3A : i32
    %sign3A_2 = arith.extui %sign3A_1 : i1 to i32
    %sign3A_3 = arith.constant 0 : i32
    %sign3A_4 = arith.cmpi slt, %add3A, %sign3A_3 : i32
    %sign3A_5 = arith.extui %sign3A_4 : i1 to i32
    %sign3A_6 = arith.subi %sign3A_2, %sign3A_5 : i32
    %sign3A_7 = arith.constant 0 : i32
    %sign3A_8 = arith.cmpi sgt, %jit3A, %sign3A_7 : i32
    %sign3A_9 = arith.extui %sign3A_8 : i1 to i32
    %sign3A_10 = arith.constant 0 : i32
    %sign3A_11 = arith.cmpi slt, %jit3A, %sign3A_10 : i32
    %sign3A_12 = arith.extui %sign3A_11 : i1 to i32
    %sign3A_13 = arith.subi %sign3A_9, %sign3A_12 : i32
    %ne3A = arith.cmpi ne, %sign3A_6, %sign3A_13 : i32
    %rem3A = arith.remsi %add3A, %jit3A : i32
    %ne3A_14 = arith.constant 0 : i32
    %ne3A_15 = arith.cmpi ne, %rem3A, %ne3A_14 : i32
    %and3A = arith.andi %ne3A, %ne3A_15 : i1
    %sub3A = arith.constant 1 : i32
    %sub3A_16 = arith.subi %div3A, %sub3A : i32
    %select_n3A = arith.select %and3A, %sub3A_16, %div3A : i32
    %jit3A_17 = arith.constant 1 : i32
    %eq3A = arith.constant 0 : i32
    %eq3A_18 = arith.cmpi eq, %jit3A_17, %eq3A : i32
    %jit3A_19 = arith.constant 1 : i32
    %select_n3A_20 = arith.select %eq3A_18, %jit3A_19, %jit3A_17 : i32
    %rem3A_21 = arith.remsi %add3A, %select_n3A_20 : i32
    %ne3A_22 = arith.constant 0 : i32
    %ne3A_23 = arith.cmpi ne, %rem3A_21, %ne3A_22 : i32
    %lt3A = arith.constant 0 : i32
    %lt3A_24 = arith.cmpi slt, %rem3A_21, %lt3A : i32
    %lt3A_25 = arith.constant 0 : i32
    %lt3A_26 = arith.cmpi slt, %select_n3A_20, %lt3A_25 : i32
    %ne3A_27 = arith.xori %lt3A_24, %lt3A_26 : i1
    %and3A_28 = arith.andi %ne3A_27, %ne3A_23 : i1
    %add3A_29 = arith.addi %rem3A_21, %select_n3A_20 : i32
    %select_n3A_30 = arith.select %and3A_28, %add3A_29, %rem3A_21 : i32
    %mul3A_31 = arith.constant 64 : i32
    %mul3A_32 = arith.muli %select_n3A_30, %mul3A_31 : i32
    "tpu.region"() ({
      %run_scoped3A = tpu.sem_alloc : memref<!tpu.dma_semaphore, #tpu.memory_space<semaphore_mem>>
      %dma_start3A = arith.constant 0 : i32
      %dma_start3A_35 = tpu.memref_slice %arg3[%select_n3A, %dma_start3A] : memref<32x1024xi32, #tpu.memory_space<hbm>> -> memref<1x1024xi32, #tpu.memory_space<hbm>>
      %dma_start3A_36 = tpu.memref_squeeze %dma_start3A_35 : memref<1x1024xi32, #tpu.memory_space<hbm>> -> memref<1024xi32, #tpu.memory_space<hbm>>
      %dma_start3A_37 = arith.constant 0 : i32
      %dma_start3A_38 = tpu.memref_slice %arg3[%select_n3A, %dma_start3A_37] : memref<32x1024xi32, #tpu.memory_space<hbm>> -> memref<1x1024xi32, #tpu.memory_space<hbm>>
      %dma_start3A_39 = tpu.memref_squeeze %dma_start3A_38 : memref<1x1024xi32, #tpu.memory_space<hbm>> -> memref<1024xi32, #tpu.memory_space<hbm>>
      tpu.enqueue_dma source(%dma_start3A_39 : memref<1024xi32, #tpu.memory_space<hbm>>) target(%arg5 : memref<1024xi32, #tpu.memory_space<vmem>>) target_semaphore(%run_scoped3A : memref<!tpu.dma_semaphore, #tpu.memory_space<semaphore_mem>>)
      %dma_wait3A = arith.constant 0 : i32
      %dma_wait3A_40 = tpu.memref_slice %arg3[%select_n3A, %dma_wait3A] : memref<32x1024xi32, #tpu.memory_space<hbm>> -> memref<1x1024xi32, #tpu.memory_space<hbm>>
      %dma_wait3A_41 = tpu.memref_squeeze %dma_wait3A_40 : memref<1x1024xi32, #tpu.memory_space<hbm>> -> memref<1024xi32, #tpu.memory_space<hbm>>
      %dma_wait3A_42 = arith.constant 0 : i32
      %dma_wait3A_43 = tpu.memref_slice %arg3[%select_n3A, %dma_wait3A_42] : memref<32x1024xi32, #tpu.memory_space<hbm>> -> memref<1x1024xi32, #tpu.memory_space<hbm>>
      %dma_wait3A_44 = tpu.memref_squeeze %dma_wait3A_43 : memref<1x1024xi32, #tpu.memory_space<hbm>> -> memref<1024xi32, #tpu.memory_space<hbm>>
      tpu.wait_dma2 semaphore(%run_scoped3A : memref<!tpu.dma_semaphore, #tpu.memory_space<semaphore_mem>>) src(%dma_wait3A_44 : memref<1024xi32, #tpu.memory_space<hbm>>) dst(%arg5 : memref<1024xi32, #tpu.memory_space<vmem>>)
      tpu.yield
    }) : () -> ()
    "tpu.region"() ({
      %run_scoped3A = tpu.sem_alloc : memref<!tpu.dma_semaphore, #tpu.memory_space<semaphore_mem>>
      tpu.enqueue_dma source(%arg2 : memref<32768xf32, #tpu.memory_space<hbm>>) target(%arg6 : memref<32768xf32, #tpu.memory_space<vmem>>) target_semaphore(%run_scoped3A : memref<!tpu.dma_semaphore, #tpu.memory_space<semaphore_mem>>)
      tpu.wait_dma2 semaphore(%run_scoped3A : memref<!tpu.dma_semaphore, #tpu.memory_space<semaphore_mem>>) src(%arg2 : memref<32768xf32, #tpu.memory_space<hbm>>) dst(%arg6 : memref<32768xf32, #tpu.memory_space<vmem>>)
      tpu.yield
    }) : () -> ()
    %parallel_loop3A = arith.constant 0 : i32
    %parallel_loop3A_33 = arith.constant 64 : i32
    %parallel_loop3A_34 = arith.constant 1 : i32
    scf.for %parallel_loop3A_35 = %parallel_loop3A to %parallel_loop3A_33 step %parallel_loop3A_34  : i32 {
      %parallel_loop3A_36 = arith.constant 16 : i32
      %parallel_loop3A_37 = arith.muli %parallel_loop3A_35, %parallel_loop3A_36 : i32
      %parallel_loop3A_38 = arith.index_cast %parallel_loop3A_37 : i32 to index
      %parallel_loop3A_39 = tpu.vector_load %arg5[%parallel_loop3A_38] {strides = array<i32>} : memref<1024xi32, #tpu.memory_space<vmem>>, vector<16xi32>,
      %parallel_loop3A_40 = arith.constant 0 : i32
      %parallel_loop3A_41 = arith.addi %mul3A_32, %parallel_loop3A_40 : i32
      %parallel_loop3A_42 = arith.constant 512 : i32
      %parallel_loop3A_43 = arith.muli %parallel_loop3A_41, %parallel_loop3A_42 : i32
      %parallel_loop3A_44 = vector.broadcast %parallel_loop3A_43 : i32 to vector<16xi32>
      %parallel_loop3A_45 = arith.addi %parallel_loop3A_39, %parallel_loop3A_44 : vector<16xi32>
      %parallel_loop3A_46 = tpu.vector_load_idx %arg6[%parallel_loop3A_45] : memref<32768xf32, #tpu.memory_space<vmem>>[vector<16xi32>], vector<16xf32>,
      %parallel_loop3A_47 = arith.constant 16 : i32
      %parallel_loop3A_48 = arith.muli %parallel_loop3A_35, %parallel_loop3A_47 : i32
      %parallel_loop3A_49 = arith.constant 0 : i32
      %parallel_loop3A_50 = arith.index_cast %parallel_loop3A_49 : i32 to index
      %parallel_loop3A_51 = arith.index_cast %parallel_loop3A_48 : i32 to index
      %parallel_loop3A_52 = tpu.vector_load %arg7[%parallel_loop3A_50, %parallel_loop3A_51] {strides = array<i32>} : memref<64x1024xf32, #tpu.memory_space<vmem>>, vector<16xf32>,
      tpu.vector_store %arg7[%parallel_loop3A_50, %parallel_loop3A_51], %parallel_loop3A_46 {strides = array<i32>} : memref<64x1024xf32, #tpu.memory_space<vmem>>, vector<16xf32>,
      %parallel_loop3A_53 = arith.constant 1 : i32
      %parallel_loop3A_54 = arith.addi %mul3A_32, %parallel_loop3A_53 : i32
      %parallel_loop3A_55 = arith.constant 512 : i32
      %parallel_loop3A_56 = arith.muli %parallel_loop3A_54, %parallel_loop3A_55 : i32
      %parallel_loop3A_57 = vector.broadcast %parallel_loop3A_56 : i32 to vector<16xi32>
      %parallel_loop3A_58 = arith.addi %parallel_loop3A_39, %parallel_loop3A_57 : vector<16xi32>
      %parallel_loop3A_59 = tpu.vector_load_idx %arg6[%parallel_loop3A_58] : memref<32768xf32, #tpu.memory_space<vmem>>[vector<16xi32>], vector<16xf32>,
      %parallel_loop3A_60 = arith.constant 16 : i32
      %parallel_loop3A_61 = arith.muli %parallel_loop3A_35, %parallel_loop3A_60 : i32
      %parallel_loop3A_62 = arith.constant 1 : i32
      %parallel_loop3A_63 = arith.index_cast %parallel_loop3A_62 : i32 to index
      %parallel_loop3A_64 = arith.index_cast %parallel_loop3A_61 : i32 to index
      %parallel_loop3A_65 = tpu.vector_load %arg7[%parallel_loop3A_63, %parallel_loop3A_64] {strides = array<i32>} : memref<64x1024xf32, #tpu.memory_space<vmem>>, vector<16xf32>,
      tpu.vector_store %arg7[%parallel_loop3A_63, %parallel_loop3A_64], %parallel_loop3A_59 {strides = array<i32>} : memref<64x1024xf32, #tpu.memory_space<vmem>>, vector<16xf32>,
      %parallel_loop3A_66 = arith.constant 2 : i32
      %parallel_loop3A_67 = arith.addi %mul3A_32, %parallel_loop3A_66 : i32
      %parallel_loop3A_68 = arith.constant 512 : i32
      %parallel_loop3A_69 = arith.muli %parallel_loop3A_67, %parallel_loop3A_68 : i32
      %parallel_loop3A_70 = vector.broadcast %parallel_loop3A_69 : i32 to vector<16xi32>
      %parallel_loop3A_71 = arith.addi %parallel_loop3A_39, %parallel_loop3A_70 : vector<16xi32>
      %parallel_loop3A_72 = tpu.vector_load_idx %arg6[%parallel_loop3A_71] : memref<32768xf32, #tpu.memory_space<vmem>>[vector<16xi32>], vector<16xf32>,
      %parallel_loop3A_73 = arith.constant 16 : i32
      %parallel_loop3A_74 = arith.muli %parallel_loop3A_35, %parallel_loop3A_73 : i32
      %parallel_loop3A_75 = arith.constant 2 : i32
      %parallel_loop3A_76 = arith.index_cast %parallel_loop3A_75 : i32 to index
      %parallel_loop3A_77 = arith.index_cast %parallel_loop3A_74 : i32 to index
      %parallel_loop3A_78 = tpu.vector_load %arg7[%parallel_loop3A_76, %parallel_loop3A_77] {strides = array<i32>} : memref<64x1024xf32, #tpu.memory_space<vmem>>, vector<16xf32>,
      tpu.vector_store %arg7[%parallel_loop3A_76, %parallel_loop3A_77], %parallel_loop3A_72 {strides = array<i32>} : memref<64x1024xf32, #tpu.memory_space<vmem>>, vector<16xf32>,
      %parallel_loop3A_79 = arith.constant 3 : i32
      %parallel_loop3A_80 = arith.addi %mul3A_32, %parallel_loop3A_79 : i32
      %parallel_loop3A_81 = arith.constant 512 : i32
      %parallel_loop3A_82 = arith.muli %parallel_loop3A_80, %parallel_loop3A_81 : i32
      %parallel_loop3A_83 = vector.broadcast %parallel_loop3A_82 : i32 to vector<16xi32>
      %parallel_loop3A_84 = arith.addi %parallel_loop3A_39, %parallel_loop3A_83 : vector<16xi32>
      %parallel_loop3A_85 = tpu.vector_load_idx %arg6[%parallel_loop3A_84] : memref<32768xf32, #tpu.memory_space<vmem>>[vector<16xi32>], vector<16xf32>,
      %parallel_loop3A_86 = arith.constant 16 : i32
      %parallel_loop3A_87 = arith.muli %parallel_loop3A_35, %parallel_loop3A_86 : i32
      %parallel_loop3A_88 = arith.constant 3 : i32
      %parallel_loop3A_89 = arith.index_cast %parallel_loop3A_88 : i32 to index
      %parallel_loop3A_90 = arith.index_cast %parallel_loop3A_87 : i32 to index
      %parallel_loop3A_91 = tpu.vector_load %arg7[%parallel_loop3A_89, %parallel_loop3A_90] {strides = array<i32>} : memref<64x1024xf32, #tpu.memory_space<vmem>>, vector<16xf32>,
      tpu.vector_store %arg7[%parallel_loop3A_89, %parallel_loop3A_90], %parallel_loop3A_85 {strides = array<i32>} : memref<64x1024xf32, #tpu.memory_space<vmem>>, vector<16xf32>,
      %parallel_loop3A_92 = arith.constant 4 : i32
      %parallel_loop3A_93 = arith.addi %mul3A_32, %parallel_loop3A_92 : i32
      %parallel_loop3A_94 = arith.constant 512 : i32
      %parallel_loop3A_95 = arith.muli %parallel_loop3A_93, %parallel_loop3A_94 : i32
      %parallel_loop3A_96 = vector.broadcast %parallel_loop3A_95 : i32 to vector<16xi32>
      %parallel_loop3A_97 = arith.addi %parallel_loop3A_39, %parallel_loop3A_96 : vector<16xi32>
      %parallel_loop3A_98 = tpu.vector_load_idx %arg6[%parallel_loop3A_97] : memref<32768xf32, #tpu.memory_space<vmem>>[vector<16xi32>], vector<16xf32>,
      %parallel_loop3A_99 = arith.constant 16 : i32
      %parallel_loop3A_100 = arith.muli %parallel_loop3A_35, %parallel_loop3A_99 : i32
      %parallel_loop3A_101 = arith.constant 4 : i32
      %parallel_loop3A_102 = arith.index_cast %parallel_loop3A_101 : i32 to index
      %parallel_loop3A_103 = arith.index_cast %parallel_loop3A_100 : i32 to index
      %parallel_loop3A_104 = tpu.vector_load %arg7[%parallel_loop3A_102, %parallel_loop3A_103] {strides = array<i32>} : memref<64x1024xf32, #tpu.memory_space<vmem>>, vector<16xf32>,
      tpu.vector_store %arg7[%parallel_loop3A_102, %parallel_loop3A_103], %parallel_loop3A_98 {strides = array<i32>} : memref<64x1024xf32, #tpu.memory_space<vmem>>, vector<16xf32>,
      %parallel_loop3A_105 = arith.constant 5 : i32
      %parallel_loop3A_106 = arith.addi %mul3A_32, %parallel_loop3A_105 : i32
      %parallel_loop3A_107 = arith.constant 512 : i32
      %parallel_loop3A_108 = arith.muli %parallel_loop3A_106, %parallel_loop3A_107 : i32
      %parallel_loop3A_109 = vector.broadcast %parallel_loop3A_108 : i32 to vector<16xi32>
      %parallel_loop3A_110 = arith.addi %parallel_loop3A_39, %parallel_loop3A_109 : vector<16xi32>
      %parallel_loop3A_111 = tpu.vector_load_idx %arg6[%parallel_loop3A_110] : memref<32768xf32, #tpu.memory_space<vmem>>[vector<16xi32>], vector<16xf32>,
      %parallel_loop3A_112 = arith.constant 16 : i32
      %parallel_loop3A_113 = arith.muli %parallel_loop3A_35, %parallel_loop3A_112 : i32
      %parallel_loop3A_114 = arith.constant 5 : i32
      %parallel_loop3A_115 = arith.index_cast %parallel_loop3A_114 : i32 to index
      %parallel_loop3A_116 = arith.index_cast %parallel_loop3A_113 : i32 to index
      %parallel_loop3A_117 = tpu.vector_load %arg7[%parallel_loop3A_115, %parallel_loop3A_116] {strides = array<i32>} : memref<64x1024xf32, #tpu.memory_space<vmem>>, vector<16xf32>,
      tpu.vector_store %arg7[%parallel_loop3A_115, %parallel_loop3A_116], %parallel_loop3A_111 {strides = array<i32>} : memref<64x1024xf32, #tpu.memory_space<vmem>>, vector<16xf32>,
      %parallel_loop3A_118 = arith.constant 6 : i32
      %parallel_loop3A_119 = arith.addi %mul3A_32, %parallel_loop3A_118 : i32
      %parallel_loop3A_120 = arith.constant 512 : i32
      %parallel_loop3A_121 = arith.muli %parallel_loop3A_119, %parallel_loop3A_120 : i32
      %parallel_loop3A_122 = vector.broadcast %parallel_loop3A_121 : i32 to vector<16xi32>
      %parallel_loop3A_123 = arith.addi %parallel_loop3A_39, %parallel_loop3A_122 : vector<16xi32>
      %parallel_loop3A_124 = tpu.vector_load_idx %arg6[%parallel_loop3A_123] : memref<32768xf32, #tpu.memory_space<vmem>>[vector<16xi32>], vector<16xf32>,
      %parallel_loop3A_125 = arith.constant 16 : i32
      %parallel_loop3A_126 = arith.muli %parallel_loop3A_35, %parallel_loop3A_125 : i32
      %parallel_loop3A_127 = arith.constant 6 : i32
      %parallel_loop3A_128 = arith.index_cast %parallel_loop3A_127 : i32 to index
      %parallel_loop3A_129 = arith.index_cast %parallel_loop3A_126 : i32 to index
      %parallel_loop3A_130 = tpu.vector_load %arg7[%parallel_loop3A_128, %parallel_loop3A_129] {strides = array<i32>} : memref<64x1024xf32, #tpu.memory_space<vmem>>, vector<16xf32>,
      tpu.vector_store %arg7[%parallel_loop3A_128, %parallel_loop3A_129], %parallel_loop3A_124 {strides = array<i32>} : memref<64x1024xf32, #tpu.memory_space<vmem>>, vector<16xf32>,
      %parallel_loop3A_131 = arith.constant 7 : i32
      %parallel_loop3A_132 = arith.addi %mul3A_32, %parallel_loop3A_131 : i32
      %parallel_loop3A_133 = arith.constant 512 : i32
      %parallel_loop3A_134 = arith.muli %parallel_loop3A_132, %parallel_loop3A_133 : i32
      %parallel_loop3A_135 = vector.broadcast %parallel_loop3A_134 : i32 to vector<16xi32>
      %parallel_loop3A_136 = arith.addi %parallel_loop3A_39, %parallel_loop3A_135 : vector<16xi32>
      %parallel_loop3A_137 = tpu.vector_load_idx %arg6[%parallel_loop3A_136] : memref<32768xf32, #tpu.memory_space<vmem>>[vector<16xi32>], vector<16xf32>,
      %parallel_loop3A_138 = arith.constant 16 : i32
      %parallel_loop3A_139 = arith.muli %parallel_loop3A_35, %parallel_loop3A_138 : i32
      %parallel_loop3A_140 = arith.constant 7 : i32
      %parallel_loop3A_141 = arith.index_cast %parallel_loop3A_140 : i32 to index
      %parallel_loop3A_142 = arith.index_cast %parallel_loop3A_139 : i32 to index
      %parallel_loop3A_143 = tpu.vector_load %arg7[%parallel_loop3A_141, %parallel_loop3A_142] {strides = array<i32>} : memref<64x1024xf32, #tpu.memory_space<vmem>>, vector<16xf32>,
      tpu.vector_store %arg7[%parallel_loop3A_141, %parallel_loop3A_142], %parallel_loop3A_137 {strides = array<i32>} : memref<64x1024xf32, #tpu.memory_space<vmem>>, vector<16xf32>,
      %parallel_loop3A_144 = arith.constant 8 : i32
      %parallel_loop3A_145 = arith.addi %mul3A_32, %parallel_loop3A_144 : i32
      %parallel_loop3A_146 = arith.constant 512 : i32
      %parallel_loop3A_147 = arith.muli %parallel_loop3A_145, %parallel_loop3A_146 : i32
      %parallel_loop3A_148 = vector.broadcast %parallel_loop3A_147 : i32 to vector<16xi32>
      %parallel_loop3A_149 = arith.addi %parallel_loop3A_39, %parallel_loop3A_148 : vector<16xi32>
      %parallel_loop3A_150 = tpu.vector_load_idx %arg6[%parallel_loop3A_149] : memref<32768xf32, #tpu.memory_space<vmem>>[vector<16xi32>], vector<16xf32>,
      %parallel_loop3A_151 = arith.constant 16 : i32
      %parallel_loop3A_152 = arith.muli %parallel_loop3A_35, %parallel_loop3A_151 : i32
      %parallel_loop3A_153 = arith.constant 8 : i32
      %parallel_loop3A_154 = arith.index_cast %parallel_loop3A_153 : i32 to index
      %parallel_loop3A_155 = arith.index_cast %parallel_loop3A_152 : i32 to index
      %parallel_loop3A_156 = tpu.vector_load %arg7[%parallel_loop3A_154, %parallel_loop3A_155] {strides = array<i32>} : memref<64x1024xf32, #tpu.memory_space<vmem>>, vector<16xf32>,
      tpu.vector_store %arg7[%parallel_loop3A_154, %parallel_loop3A_155], %parallel_loop3A_150 {strides = array<i32>} : memref<64x1024xf32, #tpu.memory_space<vmem>>, vector<16xf32>,
      %parallel_loop3A_157 = arith.constant 9 : i32
      %parallel_loop3A_158 = arith.addi %mul3A_32, %parallel_loop3A_157 : i32
      %parallel_loop3A_159 = arith.constant 512 : i32
      %parallel_loop3A_160 = arith.muli %parallel_loop3A_158, %parallel_loop3A_159 : i32
      %parallel_loop3A_161 = vector.broadcast %parallel_loop3A_160 : i32 to vector<16xi32>
      %parallel_loop3A_162 = arith.addi %parallel_loop3A_39, %parallel_loop3A_161 : vector<16xi32>
      %parallel_loop3A_163 = tpu.vector_load_idx %arg6[%parallel_loop3A_162] : memref<32768xf32, #tpu.memory_space<vmem>>[vector<16xi32>], vector<16xf32>,
      %parallel_loop3A_164 = arith.constant 16 : i32
      %parallel_loop3A_165 = arith.muli %parallel_loop3A_35, %parallel_loop3A_164 : i32
      %parallel_loop3A_166 = arith.constant 9 : i32
      %parallel_loop3A_167 = arith.index_cast %parallel_loop3A_166 : i32 to index
      %parallel_loop3A_168 = arith.index_cast %parallel_loop3A_165 : i32 to index
      %parallel_loop3A_169 = tpu.vector_load %arg7[%parallel_loop3A_167, %parallel_loop3A_168] {strides = array<i32>} : memref<64x1024xf32, #tpu.memory_space<vmem>>, vector<16xf32>,
      tpu.vector_store %arg7[%parallel_loop3A_167, %parallel_loop3A_168], %parallel_loop3A_163 {strides = array<i32>} : memref<64x1024xf32, #tpu.memory_space<vmem>>, vector<16xf32>,
      %parallel_loop3A_170 = arith.constant 10 : i32
      %parallel_loop3A_171 = arith.addi %mul3A_32, %parallel_loop3A_170 : i32
      %parallel_loop3A_172 = arith.constant 512 : i32
      %parallel_loop3A_173 = arith.muli %parallel_loop3A_171, %parallel_loop3A_172 : i32
      %parallel_loop3A_174 = vector.broadcast %parallel_loop3A_173 : i32 to vector<16xi32>
      %parallel_loop3A_175 = arith.addi %parallel_loop3A_39, %parallel_loop3A_174 : vector<16xi32>
      %parallel_loop3A_176 = tpu.vector_load_idx %arg6[%parallel_loop3A_175] : memref<32768xf32, #tpu.memory_space<vmem>>[vector<16xi32>], vector<16xf32>,
      %parallel_loop3A_177 = arith.constant 16 : i32
      %parallel_loop3A_178 = arith.muli %parallel_loop3A_35, %parallel_loop3A_177 : i32
      %parallel_loop3A_179 = arith.constant 10 : i32
      %parallel_loop3A_180 = arith.index_cast %parallel_loop3A_179 : i32 to index
      %parallel_loop3A_181 = arith.index_cast %parallel_loop3A_178 : i32 to index
      %parallel_loop3A_182 = tpu.vector_load %arg7[%parallel_loop3A_180, %parallel_loop3A_181] {strides = array<i32>} : memref<64x1024xf32, #tpu.memory_space<vmem>>, vector<16xf32>,
      tpu.vector_store %arg7[%parallel_loop3A_180, %parallel_loop3A_181], %parallel_loop3A_176 {strides = array<i32>} : memref<64x1024xf32, #tpu.memory_space<vmem>>, vector<16xf32>,
      %parallel_loop3A_183 = arith.constant 11 : i32
      %parallel_loop3A_184 = arith.addi %mul3A_32, %parallel_loop3A_183 : i32
      %parallel_loop3A_185 = arith.constant 512 : i32
      %parallel_loop3A_186 = arith.muli %parallel_loop3A_184, %parallel_loop3A_185 : i32
      %parallel_loop3A_187 = vector.broadcast %parallel_loop3A_186 : i32 to vector<16xi32>
      %parallel_loop3A_188 = arith.addi %parallel_loop3A_39, %parallel_loop3A_187 : vector<16xi32>
      %parallel_loop3A_189 = tpu.vector_load_idx %arg6[%parallel_loop3A_188] : memref<32768xf32, #tpu.memory_space<vmem>>[vector<16xi32>], vector<16xf32>,
      %parallel_loop3A_190 = arith.constant 16 : i32
      %parallel_loop3A_191 = arith.muli %parallel_loop3A_35, %parallel_loop3A_190 : i32
      %parallel_loop3A_192 = arith.constant 11 : i32
      %parallel_loop3A_193 = arith.index_cast %parallel_loop3A_192 : i32 to index
      %parallel_loop3A_194 = arith.index_cast %parallel_loop3A_191 : i32 to index
      %parallel_loop3A_195 = tpu.vector_load %arg7[%parallel_loop3A_193, %parallel_loop3A_194] {strides = array<i32>} : memref<64x1024xf32, #tpu.memory_space<vmem>>, vector<16xf32>,
      tpu.vector_store %arg7[%parallel_loop3A_193, %parallel_loop3A_194], %parallel_loop3A_189 {strides = array<i32>} : memref<64x1024xf32, #tpu.memory_space<vmem>>, vector<16xf32>,
      %parallel_loop3A_196 = arith.constant 12 : i32
      %parallel_loop3A_197 = arith.addi %mul3A_32, %parallel_loop3A_196 : i32
      %parallel_loop3A_198 = arith.constant 512 : i32
      %parallel_loop3A_199 = arith.muli %parallel_loop3A_197, %parallel_loop3A_198 : i32
      %parallel_loop3A_200 = vector.broadcast %parallel_loop3A_199 : i32 to vector<16xi32>
      %parallel_loop3A_201 = arith.addi %parallel_loop3A_39, %parallel_loop3A_200 : vector<16xi32>
      %parallel_loop3A_202 = tpu.vector_load_idx %arg6[%parallel_loop3A_201] : memref<32768xf32, #tpu.memory_space<vmem>>[vector<16xi32>], vector<16xf32>,
      %parallel_loop3A_203 = arith.constant 16 : i32
      %parallel_loop3A_204 = arith.muli %parallel_loop3A_35, %parallel_loop3A_203 : i32
      %parallel_loop3A_205 = arith.constant 12 : i32
      %parallel_loop3A_206 = arith.index_cast %parallel_loop3A_205 : i32 to index
      %parallel_loop3A_207 = arith.index_cast %parallel_loop3A_204 : i32 to index
      %parallel_loop3A_208 = tpu.vector_load %arg7[%parallel_loop3A_206, %parallel_loop3A_207] {strides = array<i32>} : memref<64x1024xf32, #tpu.memory_space<vmem>>, vector<16xf32>,
      tpu.vector_store %arg7[%parallel_loop3A_206, %parallel_loop3A_207], %parallel_loop3A_202 {strides = array<i32>} : memref<64x1024xf32, #tpu.memory_space<vmem>>, vector<16xf32>,
      %parallel_loop3A_209 = arith.constant 13 : i32
      %parallel_loop3A_210 = arith.addi %mul3A_32, %parallel_loop3A_209 : i32
      %parallel_loop3A_211 = arith.constant 512 : i32
      %parallel_loop3A_212 = arith.muli %parallel_loop3A_210, %parallel_loop3A_211 : i32
      %parallel_loop3A_213 = vector.broadcast %parallel_loop3A_212 : i32 to vector<16xi32>
      %parallel_loop3A_214 = arith.addi %parallel_loop3A_39, %parallel_loop3A_213 : vector<16xi32>
      %parallel_loop3A_215 = tpu.vector_load_idx %arg6[%parallel_loop3A_214] : memref<32768xf32, #tpu.memory_space<vmem>>[vector<16xi32>], vector<16xf32>,
      %parallel_loop3A_216 = arith.constant 16 : i32
      %parallel_loop3A_217 = arith.muli %parallel_loop3A_35, %parallel_loop3A_216 : i32
      %parallel_loop3A_218 = arith.constant 13 : i32
      %parallel_loop3A_219 = arith.index_cast %parallel_loop3A_218 : i32 to index
      %parallel_loop3A_220 = arith.index_cast %parallel_loop3A_217 : i32 to index
      %parallel_loop3A_221 = tpu.vector_load %arg7[%parallel_loop3A_219, %parallel_loop3A_220] {strides = array<i32>} : memref<64x1024xf32, #tpu.memory_space<vmem>>, vector<16xf32>,
      tpu.vector_store %arg7[%parallel_loop3A_219, %parallel_loop3A_220], %parallel_loop3A_215 {strides = array<i32>} : memref<64x1024xf32, #tpu.memory_space<vmem>>, vector<16xf32>,
      %parallel_loop3A_222 = arith.constant 14 : i32
      %parallel_loop3A_223 = arith.addi %mul3A_32, %parallel_loop3A_222 : i32
      %parallel_loop3A_224 = arith.constant 512 : i32
      %parallel_loop3A_225 = arith.muli %parallel_loop3A_223, %parallel_loop3A_224 : i32
      %parallel_loop3A_226 = vector.broadcast %parallel_loop3A_225 : i32 to vector<16xi32>
      %parallel_loop3A_227 = arith.addi %parallel_loop3A_39, %parallel_loop3A_226 : vector<16xi32>
      %parallel_loop3A_228 = tpu.vector_load_idx %arg6[%parallel_loop3A_227] : memref<32768xf32, #tpu.memory_space<vmem>>[vector<16xi32>], vector<16xf32>,
      %parallel_loop3A_229 = arith.constant 16 : i32
      %parallel_loop3A_230 = arith.muli %parallel_loop3A_35, %parallel_loop3A_229 : i32
      %parallel_loop3A_231 = arith.constant 14 : i32
      %parallel_loop3A_232 = arith.index_cast %parallel_loop3A_231 : i32 to index
      %parallel_loop3A_233 = arith.index_cast %parallel_loop3A_230 : i32 to index
      %parallel_loop3A_234 = tpu.vector_load %arg7[%parallel_loop3A_232, %parallel_loop3A_233] {strides = array<i32>} : memref<64x1024xf32, #tpu.memory_space<vmem>>, vector<16xf32>,
      tpu.vector_store %arg7[%parallel_loop3A_232, %parallel_loop3A_233], %parallel_loop3A_228 {strides = array<i32>} : memref<64x1024xf32, #tpu.memory_space<vmem>>, vector<16xf32>,
      %parallel_loop3A_235 = arith.constant 15 : i32
      %parallel_loop3A_236 = arith.addi %mul3A_32, %parallel_loop3A_235 : i32
      %parallel_loop3A_237 = arith.constant 512 : i32
      %parallel_loop3A_238 = arith.muli %parallel_loop3A_236, %parallel_loop3A_237 : i32
      %parallel_loop3A_239 = vector.broadcast %parallel_loop3A_238 : i32 to vector<16xi32>
      %parallel_loop3A_240 = arith.addi %parallel_loop3A_39, %parallel_loop3A_239 : vector<16xi32>
      %parallel_loop3A_241 = tpu.vector_load_idx %arg6[%parallel_loop3A_240] : memref<32768xf32, #tpu.memory_space<vmem>>[vector<16xi32>], vector<16xf32>,
      %parallel_loop3A_242 = arith.constant 16 : i32
      %parallel_loop3A_243 = arith.muli %parallel_loop3A_35, %parallel_loop3A_242 : i32
      %parallel_loop3A_244 = arith.constant 15 : i32
      %parallel_loop3A_245 = arith.index_cast %parallel_loop3A_244 : i32 to index
      %parallel_loop3A_246 = arith.index_cast %parallel_loop3A_243 : i32 to index
      %parallel_loop3A_247 = tpu.vector_load %arg7[%parallel_loop3A_245, %parallel_loop3A_246] {strides = array<i32>} : memref<64x1024xf32, #tpu.memory_space<vmem>>, vector<16xf32>,
      tpu.vector_store %arg7[%parallel_loop3A_245, %parallel_loop3A_246], %parallel_loop3A_241 {strides = array<i32>} : memref<64x1024xf32, #tpu.memory_space<vmem>>, vector<16xf32>,
      %parallel_loop3A_248 = arith.constant 16 : i32
      %parallel_loop3A_249 = arith.addi %mul3A_32, %parallel_loop3A_248 : i32
      %parallel_loop3A_250 = arith.constant 512 : i32
      %parallel_loop3A_251 = arith.muli %parallel_loop3A_249, %parallel_loop3A_250 : i32
      %parallel_loop3A_252 = vector.broadcast %parallel_loop3A_251 : i32 to vector<16xi32>
      %parallel_loop3A_253 = arith.addi %parallel_loop3A_39, %parallel_loop3A_252 : vector<16xi32>
      %parallel_loop3A_254 = tpu.vector_load_idx %arg6[%parallel_loop3A_253] : memref<32768xf32, #tpu.memory_space<vmem>>[vector<16xi32>], vector<16xf32>,
      %parallel_loop3A_255 = arith.constant 16 : i32
      %parallel_loop3A_256 = arith.muli %parallel_loop3A_35, %parallel_loop3A_255 : i32
      %parallel_loop3A_257 = arith.constant 16 : i32
      %parallel_loop3A_258 = arith.index_cast %parallel_loop3A_257 : i32 to index
      %parallel_loop3A_259 = arith.index_cast %parallel_loop3A_256 : i32 to index
      %parallel_loop3A_260 = tpu.vector_load %arg7[%parallel_loop3A_258, %parallel_loop3A_259] {strides = array<i32>} : memref<64x1024xf32, #tpu.memory_space<vmem>>, vector<16xf32>,
      tpu.vector_store %arg7[%parallel_loop3A_258, %parallel_loop3A_259], %parallel_loop3A_254 {strides = array<i32>} : memref<64x1024xf32, #tpu.memory_space<vmem>>, vector<16xf32>,
      %parallel_loop3A_261 = arith.constant 17 : i32
      %parallel_loop3A_262 = arith.addi %mul3A_32, %parallel_loop3A_261 : i32
      %parallel_loop3A_263 = arith.constant 512 : i32
      %parallel_loop3A_264 = arith.muli %parallel_loop3A_262, %parallel_loop3A_263 : i32
      %parallel_loop3A_265 = vector.broadcast %parallel_loop3A_264 : i32 to vector<16xi32>
      %parallel_loop3A_266 = arith.addi %parallel_loop3A_39, %parallel_loop3A_265 : vector<16xi32>
      %parallel_loop3A_267 = tpu.vector_load_idx %arg6[%parallel_loop3A_266] : memref<32768xf32, #tpu.memory_space<vmem>>[vector<16xi32>], vector<16xf32>,
      %parallel_loop3A_268 = arith.constant 16 : i32
      %parallel_loop3A_269 = arith.muli %parallel_loop3A_35, %parallel_loop3A_268 : i32
      %parallel_loop3A_270 = arith.constant 17 : i32
      %parallel_loop3A_271 = arith.index_cast %parallel_loop3A_270 : i32 to index
      %parallel_loop3A_272 = arith.index_cast %parallel_loop3A_269 : i32 to index
      %parallel_loop3A_273 = tpu.vector_load %arg7[%parallel_loop3A_271, %parallel_loop3A_272] {strides = array<i32>} : memref<64x1024xf32, #tpu.memory_space<vmem>>, vector<16xf32>,
      tpu.vector_store %arg7[%parallel_loop3A_271, %parallel_loop3A_272], %parallel_loop3A_267 {strides = array<i32>} : memref<64x1024xf32, #tpu.memory_space<vmem>>, vector<16xf32>,
      %parallel_loop3A_274 = arith.constant 18 : i32
      %parallel_loop3A_275 = arith.addi %mul3A_32, %parallel_loop3A_274 : i32
      %parallel_loop3A_276 = arith.constant 512 : i32
      %parallel_loop3A_277 = arith.muli %parallel_loop3A_275, %parallel_loop3A_276 : i32
      %parallel_loop3A_278 = vector.broadcast %parallel_loop3A_277 : i32 to vector<16xi32>
      %parallel_loop3A_279 = arith.addi %parallel_loop3A_39, %parallel_loop3A_278 : vector<16xi32>
      %parallel_loop3A_280 = tpu.vector_load_idx %arg6[%parallel_loop3A_279] : memref<32768xf32, #tpu.memory_space<vmem>>[vector<16xi32>], vector<16xf32>,
      %parallel_loop3A_281 = arith.constant 16 : i32
      %parallel_loop3A_282 = arith.muli %parallel_loop3A_35, %parallel_loop3A_281 : i32
      %parallel_loop3A_283 = arith.constant 18 : i32
      %parallel_loop3A_284 = arith.index_cast %parallel_loop3A_283 : i32 to index
      %parallel_loop3A_285 = arith.index_cast %parallel_loop3A_282 : i32 to index
      %parallel_loop3A_286 = tpu.vector_load %arg7[%parallel_loop3A_284, %parallel_loop3A_285] {strides = array<i32>} : memref<64x1024xf32, #tpu.memory_space<vmem>>, vector<16xf32>,
      tpu.vector_store %arg7[%parallel_loop3A_284, %parallel_loop3A_285], %parallel_loop3A_280 {strides = array<i32>} : memref<64x1024xf32, #tpu.memory_space<vmem>>, vector<16xf32>,
      %parallel_loop3A_287 = arith.constant 19 : i32
      %parallel_loop3A_288 = arith.addi %mul3A_32, %parallel_loop3A_287 : i32
      %parallel_loop3A_289 = arith.constant 512 : i32
      %parallel_loop3A_290 = arith.muli %parallel_loop3A_288, %parallel_loop3A_289 : i32
      %parallel_loop3A_291 = vector.broadcast %parallel_loop3A_290 : i32 to vector<16xi32>
      %parallel_loop3A_292 = arith.addi %parallel_loop3A_39, %parallel_loop3A_291 : vector<16xi32>
      %parallel_loop3A_293 = tpu.vector_load_idx %arg6[%parallel_loop3A_292] : memref<32768xf32, #tpu.memory_space<vmem>>[vector<16xi32>], vector<16xf32>,
      %parallel_loop3A_294 = arith.constant 16 : i32
      %parallel_loop3A_295 = arith.muli %parallel_loop3A_35, %parallel_loop3A_294 : i32
      %parallel_loop3A_296 = arith.constant 19 : i32
      %parallel_loop3A_297 = arith.index_cast %parallel_loop3A_296 : i32 to index
      %parallel_loop3A_298 = arith.index_cast %parallel_loop3A_295 : i32 to index
      %parallel_loop3A_299 = tpu.vector_load %arg7[%parallel_loop3A_297, %parallel_loop3A_298] {strides = array<i32>} : memref<64x1024xf32, #tpu.memory_space<vmem>>, vector<16xf32>,
      tpu.vector_store %arg7[%parallel_loop3A_297, %parallel_loop3A_298], %parallel_loop3A_293 {strides = array<i32>} : memref<64x1024xf32, #tpu.memory_space<vmem>>, vector<16xf32>,
      %parallel_loop3A_300 = arith.constant 20 : i32
      %parallel_loop3A_301 = arith.addi %mul3A_32, %parallel_loop3A_300 : i32
      %parallel_loop3A_302 = arith.constant 512 : i32
      %parallel_loop3A_303 = arith.muli %parallel_loop3A_301, %parallel_loop3A_302 : i32
      %parallel_loop3A_304 = vector.broadcast %parallel_loop3A_303 : i32 to vector<16xi32>
      %parallel_loop3A_305 = arith.addi %parallel_loop3A_39, %parallel_loop3A_304 : vector<16xi32>
      %parallel_loop3A_306 = tpu.vector_load_idx %arg6[%parallel_loop3A_305] : memref<32768xf32, #tpu.memory_space<vmem>>[vector<16xi32>], vector<16xf32>,
      %parallel_loop3A_307 = arith.constant 16 : i32
      %parallel_loop3A_308 = arith.muli %parallel_loop3A_35, %parallel_loop3A_307 : i32
      %parallel_loop3A_309 = arith.constant 20 : i32
      %parallel_loop3A_310 = arith.index_cast %parallel_loop3A_309 : i32 to index
      %parallel_loop3A_311 = arith.index_cast %parallel_loop3A_308 : i32 to index
      %parallel_loop3A_312 = tpu.vector_load %arg7[%parallel_loop3A_310, %parallel_loop3A_311] {strides = array<i32>} : memref<64x1024xf32, #tpu.memory_space<vmem>>, vector<16xf32>,
      tpu.vector_store %arg7[%parallel_loop3A_310, %parallel_loop3A_311], %parallel_loop3A_306 {strides = array<i32>} : memref<64x1024xf32, #tpu.memory_space<vmem>>, vector<16xf32>,
      %parallel_loop3A_313 = arith.constant 21 : i32
      %parallel_loop3A_314 = arith.addi %mul3A_32, %parallel_loop3A_313 : i32
      %parallel_loop3A_315 = arith.constant 512 : i32
      %parallel_loop3A_316 = arith.muli %parallel_loop3A_314, %parallel_loop3A_315 : i32
      %parallel_loop3A_317 = vector.broadcast %parallel_loop3A_316 : i32 to vector<16xi32>
      %parallel_loop3A_318 = arith.addi %parallel_loop3A_39, %parallel_loop3A_317 : vector<16xi32>
      %parallel_loop3A_319 = tpu.vector_load_idx %arg6[%parallel_loop3A_318] : memref<32768xf32, #tpu.memory_space<vmem>>[vector<16xi32>], vector<16xf32>,
      %parallel_loop3A_320 = arith.constant 16 : i32
      %parallel_loop3A_321 = arith.muli %parallel_loop3A_35, %parallel_loop3A_320 : i32
      %parallel_loop3A_322 = arith.constant 21 : i32
      %parallel_loop3A_323 = arith.index_cast %parallel_loop3A_322 : i32 to index
      %parallel_loop3A_324 = arith.index_cast %parallel_loop3A_321 : i32 to index
      %parallel_loop3A_325 = tpu.vector_load %arg7[%parallel_loop3A_323, %parallel_loop3A_324] {strides = array<i32>} : memref<64x1024xf32, #tpu.memory_space<vmem>>, vector<16xf32>,
      tpu.vector_store %arg7[%parallel_loop3A_323, %parallel_loop3A_324], %parallel_loop3A_319 {strides = array<i32>} : memref<64x1024xf32, #tpu.memory_space<vmem>>, vector<16xf32>,
      %parallel_loop3A_326 = arith.constant 22 : i32
      %parallel_loop3A_327 = arith.addi %mul3A_32, %parallel_loop3A_326 : i32
      %parallel_loop3A_328 = arith.constant 512 : i32
      %parallel_loop3A_329 = arith.muli %parallel_loop3A_327, %parallel_loop3A_328 : i32
      %parallel_loop3A_330 = vector.broadcast %parallel_loop3A_329 : i32 to vector<16xi32>
      %parallel_loop3A_331 = arith.addi %parallel_loop3A_39, %parallel_loop3A_330 : vector<16xi32>
      %parallel_loop3A_332 = tpu.vector_load_idx %arg6[%parallel_loop3A_331] : memref<32768xf32, #tpu.memory_space<vmem>>[vector<16xi32>], vector<16xf32>,
      %parallel_loop3A_333 = arith.constant 16 : i32
      %parallel_loop3A_334 = arith.muli %parallel_loop3A_35, %parallel_loop3A_333 : i32
      %parallel_loop3A_335 = arith.constant 22 : i32
      %parallel_loop3A_336 = arith.index_cast %parallel_loop3A_335 : i32 to index
      %parallel_loop3A_337 = arith.index_cast %parallel_loop3A_334 : i32 to index
      %parallel_loop3A_338 = tpu.vector_load %arg7[%parallel_loop3A_336, %parallel_loop3A_337] {strides = array<i32>} : memref<64x1024xf32, #tpu.memory_space<vmem>>, vector<16xf32>,
      tpu.vector_store %arg7[%parallel_loop3A_336, %parallel_loop3A_337], %parallel_loop3A_332 {strides = array<i32>} : memref<64x1024xf32, #tpu.memory_space<vmem>>, vector<16xf32>,
      %parallel_loop3A_339 = arith.constant 23 : i32
      %parallel_loop3A_340 = arith.addi %mul3A_32, %parallel_loop3A_339 : i32
      %parallel_loop3A_341 = arith.constant 512 : i32
      %parallel_loop3A_342 = arith.muli %parallel_loop3A_340, %parallel_loop3A_341 : i32
      %parallel_loop3A_343 = vector.broadcast %parallel_loop3A_342 : i32 to vector<16xi32>
      %parallel_loop3A_344 = arith.addi %parallel_loop3A_39, %parallel_loop3A_343 : vector<16xi32>
      %parallel_loop3A_345 = tpu.vector_load_idx %arg6[%parallel_loop3A_344] : memref<32768xf32, #tpu.memory_space<vmem>>[vector<16xi32>], vector<16xf32>,
      %parallel_loop3A_346 = arith.constant 16 : i32
      %parallel_loop3A_347 = arith.muli %parallel_loop3A_35, %parallel_loop3A_346 : i32
      %parallel_loop3A_348 = arith.constant 23 : i32
      %parallel_loop3A_349 = arith.index_cast %parallel_loop3A_348 : i32 to index
      %parallel_loop3A_350 = arith.index_cast %parallel_loop3A_347 : i32 to index
      %parallel_loop3A_351 = tpu.vector_load %arg7[%parallel_loop3A_349, %parallel_loop3A_350] {strides = array<i32>} : memref<64x1024xf32, #tpu.memory_space<vmem>>, vector<16xf32>,
      tpu.vector_store %arg7[%parallel_loop3A_349, %parallel_loop3A_350], %parallel_loop3A_345 {strides = array<i32>} : memref<64x1024xf32, #tpu.memory_space<vmem>>, vector<16xf32>,
      %parallel_loop3A_352 = arith.constant 24 : i32
      %parallel_loop3A_353 = arith.addi %mul3A_32, %parallel_loop3A_352 : i32
      %parallel_loop3A_354 = arith.constant 512 : i32
      %parallel_loop3A_355 = arith.muli %parallel_loop3A_353, %parallel_loop3A_354 : i32
      %parallel_loop3A_356 = vector.broadcast %parallel_loop3A_355 : i32 to vector<16xi32>
      %parallel_loop3A_357 = arith.addi %parallel_loop3A_39, %parallel_loop3A_356 : vector<16xi32>
      %parallel_loop3A_358 = tpu.vector_load_idx %arg6[%parallel_loop3A_357] : memref<32768xf32, #tpu.memory_space<vmem>>[vector<16xi32>], vector<16xf32>,
      %parallel_loop3A_359 = arith.constant 16 : i32
      %parallel_loop3A_360 = arith.muli %parallel_loop3A_35, %parallel_loop3A_359 : i32
      %parallel_loop3A_361 = arith.constant 24 : i32
      %parallel_loop3A_362 = arith.index_cast %parallel_loop3A_361 : i32 to index
      %parallel_loop3A_363 = arith.index_cast %parallel_loop3A_360 : i32 to index
      %parallel_loop3A_364 = tpu.vector_load %arg7[%parallel_loop3A_362, %parallel_loop3A_363] {strides = array<i32>} : memref<64x1024xf32, #tpu.memory_space<vmem>>, vector<16xf32>,
      tpu.vector_store %arg7[%parallel_loop3A_362, %parallel_loop3A_363], %parallel_loop3A_358 {strides = array<i32>} : memref<64x1024xf32, #tpu.memory_space<vmem>>, vector<16xf32>,
      %parallel_loop3A_365 = arith.constant 25 : i32
      %parallel_loop3A_366 = arith.addi %mul3A_32, %parallel_loop3A_365 : i32
      %parallel_loop3A_367 = arith.constant 512 : i32
      %parallel_loop3A_368 = arith.muli %parallel_loop3A_366, %parallel_loop3A_367 : i32
      %parallel_loop3A_369 = vector.broadcast %parallel_loop3A_368 : i32 to vector<16xi32>
      %parallel_loop3A_370 = arith.addi %parallel_loop3A_39, %parallel_loop3A_369 : vector<16xi32>
      %parallel_loop3A_371 = tpu.vector_load_idx %arg6[%parallel_loop3A_370] : memref<32768xf32, #tpu.memory_space<vmem>>[vector<16xi32>], vector<16xf32>,
      %parallel_loop3A_372 = arith.constant 16 : i32
      %parallel_loop3A_373 = arith.muli %parallel_loop3A_35, %parallel_loop3A_372 : i32
      %parallel_loop3A_374 = arith.constant 25 : i32
      %parallel_loop3A_375 = arith.index_cast %parallel_loop3A_374 : i32 to index
      %parallel_loop3A_376 = arith.index_cast %parallel_loop3A_373 : i32 to index
      %parallel_loop3A_377 = tpu.vector_load %arg7[%parallel_loop3A_375, %parallel_loop3A_376] {strides = array<i32>} : memref<64x1024xf32, #tpu.memory_space<vmem>>, vector<16xf32>,
      tpu.vector_store %arg7[%parallel_loop3A_375, %parallel_loop3A_376], %parallel_loop3A_371 {strides = array<i32>} : memref<64x1024xf32, #tpu.memory_space<vmem>>, vector<16xf32>,
      %parallel_loop3A_378 = arith.constant 26 : i32
      %parallel_loop3A_379 = arith.addi %mul3A_32, %parallel_loop3A_378 : i32
      %parallel_loop3A_380 = arith.constant 512 : i32
      %parallel_loop3A_381 = arith.muli %parallel_loop3A_379, %parallel_loop3A_380 : i32
      %parallel_loop3A_382 = vector.broadcast %parallel_loop3A_381 : i32 to vector<16xi32>
      %parallel_loop3A_383 = arith.addi %parallel_loop3A_39, %parallel_loop3A_382 : vector<16xi32>
      %parallel_loop3A_384 = tpu.vector_load_idx %arg6[%parallel_loop3A_383] : memref<32768xf32, #tpu.memory_space<vmem>>[vector<16xi32>], vector<16xf32>,
      %parallel_loop3A_385 = arith.constant 16 : i32
      %parallel_loop3A_386 = arith.muli %parallel_loop3A_35, %parallel_loop3A_385 : i32
      %parallel_loop3A_387 = arith.constant 26 : i32
      %parallel_loop3A_388 = arith.index_cast %parallel_loop3A_387 : i32 to index
      %parallel_loop3A_389 = arith.index_cast %parallel_loop3A_386 : i32 to index
      %parallel_loop3A_390 = tpu.vector_load %arg7[%parallel_loop3A_388, %parallel_loop3A_389] {strides = array<i32>} : memref<64x1024xf32, #tpu.memory_space<vmem>>, vector<16xf32>,
      tpu.vector_store %arg7[%parallel_loop3A_388, %parallel_loop3A_389], %parallel_loop3A_384 {strides = array<i32>} : memref<64x1024xf32, #tpu.memory_space<vmem>>, vector<16xf32>,
      %parallel_loop3A_391 = arith.constant 27 : i32
      %parallel_loop3A_392 = arith.addi %mul3A_32, %parallel_loop3A_391 : i32
      %parallel_loop3A_393 = arith.constant 512 : i32
      %parallel_loop3A_394 = arith.muli %parallel_loop3A_392, %parallel_loop3A_393 : i32
      %parallel_loop3A_395 = vector.broadcast %parallel_loop3A_394 : i32 to vector<16xi32>
      %parallel_loop3A_396 = arith.addi %parallel_loop3A_39, %parallel_loop3A_395 : vector<16xi32>
      %parallel_loop3A_397 = tpu.vector_load_idx %arg6[%parallel_loop3A_396] : memref<32768xf32, #tpu.memory_space<vmem>>[vector<16xi32>], vector<16xf32>,
      %parallel_loop3A_398 = arith.constant 16 : i32
      %parallel_loop3A_399 = arith.muli %parallel_loop3A_35, %parallel_loop3A_398 : i32
      %parallel_loop3A_400 = arith.constant 27 : i32
      %parallel_loop3A_401 = arith.index_cast %parallel_loop3A_400 : i32 to index
      %parallel_loop3A_402 = arith.index_cast %parallel_loop3A_399 : i32 to index
      %parallel_loop3A_403 = tpu.vector_load %arg7[%parallel_loop3A_401, %parallel_loop3A_402] {strides = array<i32>} : memref<64x1024xf32, #tpu.memory_space<vmem>>, vector<16xf32>,
      tpu.vector_store %arg7[%parallel_loop3A_401, %parallel_loop3A_402], %parallel_loop3A_397 {strides = array<i32>} : memref<64x1024xf32, #tpu.memory_space<vmem>>, vector<16xf32>,
      %parallel_loop3A_404 = arith.constant 28 : i32
      %parallel_loop3A_405 = arith.addi %mul3A_32, %parallel_loop3A_404 : i32
      %parallel_loop3A_406 = arith.constant 512 : i32
      %parallel_loop3A_407 = arith.muli %parallel_loop3A_405, %parallel_loop3A_406 : i32
      %parallel_loop3A_408 = vector.broadcast %parallel_loop3A_407 : i32 to vector<16xi32>
      %parallel_loop3A_409 = arith.addi %parallel_loop3A_39, %parallel_loop3A_408 : vector<16xi32>
      %parallel_loop3A_410 = tpu.vector_load_idx %arg6[%parallel_loop3A_409] : memref<32768xf32, #tpu.memory_space<vmem>>[vector<16xi32>], vector<16xf32>,
      %parallel_loop3A_411 = arith.constant 16 : i32
      %parallel_loop3A_412 = arith.muli %parallel_loop3A_35, %parallel_loop3A_411 : i32
      %parallel_loop3A_413 = arith.constant 28 : i32
      %parallel_loop3A_414 = arith.index_cast %parallel_loop3A_413 : i32 to index
      %parallel_loop3A_415 = arith.index_cast %parallel_loop3A_412 : i32 to index
      %parallel_loop3A_416 = tpu.vector_load %arg7[%parallel_loop3A_414, %parallel_loop3A_415] {strides = array<i32>} : memref<64x1024xf32, #tpu.memory_space<vmem>>, vector<16xf32>,
      tpu.vector_store %arg7[%parallel_loop3A_414, %parallel_loop3A_415], %parallel_loop3A_410 {strides = array<i32>} : memref<64x1024xf32, #tpu.memory_space<vmem>>, vector<16xf32>,
      %parallel_loop3A_417 = arith.constant 29 : i32
      %parallel_loop3A_418 = arith.addi %mul3A_32, %parallel_loop3A_417 : i32
      %parallel_loop3A_419 = arith.constant 512 : i32
      %parallel_loop3A_420 = arith.muli %parallel_loop3A_418, %parallel_loop3A_419 : i32
      %parallel_loop3A_421 = vector.broadcast %parallel_loop3A_420 : i32 to vector<16xi32>
      %parallel_loop3A_422 = arith.addi %parallel_loop3A_39, %parallel_loop3A_421 : vector<16xi32>
      %parallel_loop3A_423 = tpu.vector_load_idx %arg6[%parallel_loop3A_422] : memref<32768xf32, #tpu.memory_space<vmem>>[vector<16xi32>], vector<16xf32>,
      %parallel_loop3A_424 = arith.constant 16 : i32
      %parallel_loop3A_425 = arith.muli %parallel_loop3A_35, %parallel_loop3A_424 : i32
      %parallel_loop3A_426 = arith.constant 29 : i32
      %parallel_loop3A_427 = arith.index_cast %parallel_loop3A_426 : i32 to index
      %parallel_loop3A_428 = arith.index_cast %parallel_loop3A_425 : i32 to index
      %parallel_loop3A_429 = tpu.vector_load %arg7[%parallel_loop3A_427, %parallel_loop3A_428] {strides = array<i32>} : memref<64x1024xf32, #tpu.memory_space<vmem>>, vector<16xf32>,
      tpu.vector_store %arg7[%parallel_loop3A_427, %parallel_loop3A_428], %parallel_loop3A_423 {strides = array<i32>} : memref<64x1024xf32, #tpu.memory_space<vmem>>, vector<16xf32>,
      %parallel_loop3A_430 = arith.constant 30 : i32
      %parallel_loop3A_431 = arith.addi %mul3A_32, %parallel_loop3A_430 : i32
      %parallel_loop3A_432 = arith.constant 512 : i32
      %parallel_loop3A_433 = arith.muli %parallel_loop3A_431, %parallel_loop3A_432 : i32
      %parallel_loop3A_434 = vector.broadcast %parallel_loop3A_433 : i32 to vector<16xi32>
      %parallel_loop3A_435 = arith.addi %parallel_loop3A_39, %parallel_loop3A_434 : vector<16xi32>
      %parallel_loop3A_436 = tpu.vector_load_idx %arg6[%parallel_loop3A_435] : memref<32768xf32, #tpu.memory_space<vmem>>[vector<16xi32>], vector<16xf32>,
      %parallel_loop3A_437 = arith.constant 16 : i32
      %parallel_loop3A_438 = arith.muli %parallel_loop3A_35, %parallel_loop3A_437 : i32
      %parallel_loop3A_439 = arith.constant 30 : i32
      %parallel_loop3A_440 = arith.index_cast %parallel_loop3A_439 : i32 to index
      %parallel_loop3A_441 = arith.index_cast %parallel_loop3A_438 : i32 to index
      %parallel_loop3A_442 = tpu.vector_load %arg7[%parallel_loop3A_440, %parallel_loop3A_441] {strides = array<i32>} : memref<64x1024xf32, #tpu.memory_space<vmem>>, vector<16xf32>,
      tpu.vector_store %arg7[%parallel_loop3A_440, %parallel_loop3A_441], %parallel_loop3A_436 {strides = array<i32>} : memref<64x1024xf32, #tpu.memory_space<vmem>>, vector<16xf32>,
      %parallel_loop3A_443 = arith.constant 31 : i32
      %parallel_loop3A_444 = arith.addi %mul3A_32, %parallel_loop3A_443 : i32
      %parallel_loop3A_445 = arith.constant 512 : i32
      %parallel_loop3A_446 = arith.muli %parallel_loop3A_444, %parallel_loop3A_445 : i32
      %parallel_loop3A_447 = vector.broadcast %parallel_loop3A_446 : i32 to vector<16xi32>
      %parallel_loop3A_448 = arith.addi %parallel_loop3A_39, %parallel_loop3A_447 : vector<16xi32>
      %parallel_loop3A_449 = tpu.vector_load_idx %arg6[%parallel_loop3A_448] : memref<32768xf32, #tpu.memory_space<vmem>>[vector<16xi32>], vector<16xf32>,
      %parallel_loop3A_450 = arith.constant 16 : i32
      %parallel_loop3A_451 = arith.muli %parallel_loop3A_35, %parallel_loop3A_450 : i32
      %parallel_loop3A_452 = arith.constant 31 : i32
      %parallel_loop3A_453 = arith.index_cast %parallel_loop3A_452 : i32 to index
      %parallel_loop3A_454 = arith.index_cast %parallel_loop3A_451 : i32 to index
      %parallel_loop3A_455 = tpu.vector_load %arg7[%parallel_loop3A_453, %parallel_loop3A_454] {strides = array<i32>} : memref<64x1024xf32, #tpu.memory_space<vmem>>, vector<16xf32>,
      tpu.vector_store %arg7[%parallel_loop3A_453, %parallel_loop3A_454], %parallel_loop3A_449 {strides = array<i32>} : memref<64x1024xf32, #tpu.memory_space<vmem>>, vector<16xf32>,
      %parallel_loop3A_456 = arith.constant 32 : i32
      %parallel_loop3A_457 = arith.addi %mul3A_32, %parallel_loop3A_456 : i32
      %parallel_loop3A_458 = arith.constant 512 : i32
      %parallel_loop3A_459 = arith.muli %parallel_loop3A_457, %parallel_loop3A_458 : i32
      %parallel_loop3A_460 = vector.broadcast %parallel_loop3A_459 : i32 to vector<16xi32>
      %parallel_loop3A_461 = arith.addi %parallel_loop3A_39, %parallel_loop3A_460 : vector<16xi32>
      %parallel_loop3A_462 = tpu.vector_load_idx %arg6[%parallel_loop3A_461] : memref<32768xf32, #tpu.memory_space<vmem>>[vector<16xi32>], vector<16xf32>,
      %parallel_loop3A_463 = arith.constant 16 : i32
      %parallel_loop3A_464 = arith.muli %parallel_loop3A_35, %parallel_loop3A_463 : i32
      %parallel_loop3A_465 = arith.constant 32 : i32
      %parallel_loop3A_466 = arith.index_cast %parallel_loop3A_465 : i32 to index
      %parallel_loop3A_467 = arith.index_cast %parallel_loop3A_464 : i32 to index
      %parallel_loop3A_468 = tpu.vector_load %arg7[%parallel_loop3A_466, %parallel_loop3A_467] {strides = array<i32>} : memref<64x1024xf32, #tpu.memory_space<vmem>>, vector<16xf32>,
      tpu.vector_store %arg7[%parallel_loop3A_466, %parallel_loop3A_467], %parallel_loop3A_462 {strides = array<i32>} : memref<64x1024xf32, #tpu.memory_space<vmem>>, vector<16xf32>,
      %parallel_loop3A_469 = arith.constant 33 : i32
      %parallel_loop3A_470 = arith.addi %mul3A_32, %parallel_loop3A_469 : i32
      %parallel_loop3A_471 = arith.constant 512 : i32
      %parallel_loop3A_472 = arith.muli %parallel_loop3A_470, %parallel_loop3A_471 : i32
      %parallel_loop3A_473 = vector.broadcast %parallel_loop3A_472 : i32 to vector<16xi32>
      %parallel_loop3A_474 = arith.addi %parallel_loop3A_39, %parallel_loop3A_473 : vector<16xi32>
      %parallel_loop3A_475 = tpu.vector_load_idx %arg6[%parallel_loop3A_474] : memref<32768xf32, #tpu.memory_space<vmem>>[vector<16xi32>], vector<16xf32>,
      %parallel_loop3A_476 = arith.constant 16 : i32
      %parallel_loop3A_477 = arith.muli %parallel_loop3A_35, %parallel_loop3A_476 : i32
      %parallel_loop3A_478 = arith.constant 33 : i32
      %parallel_loop3A_479 = arith.index_cast %parallel_loop3A_478 : i32 to index
      %parallel_loop3A_480 = arith.index_cast %parallel_loop3A_477 : i32 to index
      %parallel_loop3A_481 = tpu.vector_load %arg7[%parallel_loop3A_479, %parallel_loop3A_480] {strides = array<i32>} : memref<64x1024xf32, #tpu.memory_space<vmem>>, vector<16xf32>,
      tpu.vector_store %arg7[%parallel_loop3A_479, %parallel_loop3A_480], %parallel_loop3A_475 {strides = array<i32>} : memref<64x1024xf32, #tpu.memory_space<vmem>>, vector<16xf32>,
      %parallel_loop3A_482 = arith.constant 34 : i32
      %parallel_loop3A_483 = arith.addi %mul3A_32, %parallel_loop3A_482 : i32
      %parallel_loop3A_484 = arith.constant 512 : i32
      %parallel_loop3A_485 = arith.muli %parallel_loop3A_483, %parallel_loop3A_484 : i32
      %parallel_loop3A_486 = vector.broadcast %parallel_loop3A_485 : i32 to vector<16xi32>
      %parallel_loop3A_487 = arith.addi %parallel_loop3A_39, %parallel_loop3A_486 : vector<16xi32>
      %parallel_loop3A_488 = tpu.vector_load_idx %arg6[%parallel_loop3A_487] : memref<32768xf32, #tpu.memory_space<vmem>>[vector<16xi32>], vector<16xf32>,
      %parallel_loop3A_489 = arith.constant 16 : i32
      %parallel_loop3A_490 = arith.muli %parallel_loop3A_35, %parallel_loop3A_489 : i32
      %parallel_loop3A_491 = arith.constant 34 : i32
      %parallel_loop3A_492 = arith.index_cast %parallel_loop3A_491 : i32 to index
      %parallel_loop3A_493 = arith.index_cast %parallel_loop3A_490 : i32 to index
      %parallel_loop3A_494 = tpu.vector_load %arg7[%parallel_loop3A_492, %parallel_loop3A_493] {strides = array<i32>} : memref<64x1024xf32, #tpu.memory_space<vmem>>, vector<16xf32>,
      tpu.vector_store %arg7[%parallel_loop3A_492, %parallel_loop3A_493], %parallel_loop3A_488 {strides = array<i32>} : memref<64x1024xf32, #tpu.memory_space<vmem>>, vector<16xf32>,
      %parallel_loop3A_495 = arith.constant 35 : i32
      %parallel_loop3A_496 = arith.addi %mul3A_32, %parallel_loop3A_495 : i32
      %parallel_loop3A_497 = arith.constant 512 : i32
      %parallel_loop3A_498 = arith.muli %parallel_loop3A_496, %parallel_loop3A_497 : i32
      %parallel_loop3A_499 = vector.broadcast %parallel_loop3A_498 : i32 to vector<16xi32>
      %parallel_loop3A_500 = arith.addi %parallel_loop3A_39, %parallel_loop3A_499 : vector<16xi32>
      %parallel_loop3A_501 = tpu.vector_load_idx %arg6[%parallel_loop3A_500] : memref<32768xf32, #tpu.memory_space<vmem>>[vector<16xi32>], vector<16xf32>,
      %parallel_loop3A_502 = arith.constant 16 : i32
      %parallel_loop3A_503 = arith.muli %parallel_loop3A_35, %parallel_loop3A_502 : i32
      %parallel_loop3A_504 = arith.constant 35 : i32
      %parallel_loop3A_505 = arith.index_cast %parallel_loop3A_504 : i32 to index
      %parallel_loop3A_506 = arith.index_cast %parallel_loop3A_503 : i32 to index
      %parallel_loop3A_507 = tpu.vector_load %arg7[%parallel_loop3A_505, %parallel_loop3A_506] {strides = array<i32>} : memref<64x1024xf32, #tpu.memory_space<vmem>>, vector<16xf32>,
      tpu.vector_store %arg7[%parallel_loop3A_505, %parallel_loop3A_506], %parallel_loop3A_501 {strides = array<i32>} : memref<64x1024xf32, #tpu.memory_space<vmem>>, vector<16xf32>,
      %parallel_loop3A_508 = arith.constant 36 : i32
      %parallel_loop3A_509 = arith.addi %mul3A_32, %parallel_loop3A_508 : i32
      %parallel_loop3A_510 = arith.constant 512 : i32
      %parallel_loop3A_511 = arith.muli %parallel_loop3A_509, %parallel_loop3A_510 : i32
      %parallel_loop3A_512 = vector.broadcast %parallel_loop3A_511 : i32 to vector<16xi32>
      %parallel_loop3A_513 = arith.addi %parallel_loop3A_39, %parallel_loop3A_512 : vector<16xi32>
      %parallel_loop3A_514 = tpu.vector_load_idx %arg6[%parallel_loop3A_513] : memref<32768xf32, #tpu.memory_space<vmem>>[vector<16xi32>], vector<16xf32>,
      %parallel_loop3A_515 = arith.constant 16 : i32
      %parallel_loop3A_516 = arith.muli %parallel_loop3A_35, %parallel_loop3A_515 : i32
      %parallel_loop3A_517 = arith.constant 36 : i32
      %parallel_loop3A_518 = arith.index_cast %parallel_loop3A_517 : i32 to index
      %parallel_loop3A_519 = arith.index_cast %parallel_loop3A_516 : i32 to index
      %parallel_loop3A_520 = tpu.vector_load %arg7[%parallel_loop3A_518, %parallel_loop3A_519] {strides = array<i32>} : memref<64x1024xf32, #tpu.memory_space<vmem>>, vector<16xf32>,
      tpu.vector_store %arg7[%parallel_loop3A_518, %parallel_loop3A_519], %parallel_loop3A_514 {strides = array<i32>} : memref<64x1024xf32, #tpu.memory_space<vmem>>, vector<16xf32>,
      %parallel_loop3A_521 = arith.constant 37 : i32
      %parallel_loop3A_522 = arith.addi %mul3A_32, %parallel_loop3A_521 : i32
      %parallel_loop3A_523 = arith.constant 512 : i32
      %parallel_loop3A_524 = arith.muli %parallel_loop3A_522, %parallel_loop3A_523 : i32
      %parallel_loop3A_525 = vector.broadcast %parallel_loop3A_524 : i32 to vector<16xi32>
      %parallel_loop3A_526 = arith.addi %parallel_loop3A_39, %parallel_loop3A_525 : vector<16xi32>
      %parallel_loop3A_527 = tpu.vector_load_idx %arg6[%parallel_loop3A_526] : memref<32768xf32, #tpu.memory_space<vmem>>[vector<16xi32>], vector<16xf32>,
      %parallel_loop3A_528 = arith.constant 16 : i32
      %parallel_loop3A_529 = arith.muli %parallel_loop3A_35, %parallel_loop3A_528 : i32
      %parallel_loop3A_530 = arith.constant 37 : i32
      %parallel_loop3A_531 = arith.index_cast %parallel_loop3A_530 : i32 to index
      %parallel_loop3A_532 = arith.index_cast %parallel_loop3A_529 : i32 to index
      %parallel_loop3A_533 = tpu.vector_load %arg7[%parallel_loop3A_531, %parallel_loop3A_532] {strides = array<i32>} : memref<64x1024xf32, #tpu.memory_space<vmem>>, vector<16xf32>,
      tpu.vector_store %arg7[%parallel_loop3A_531, %parallel_loop3A_532], %parallel_loop3A_527 {strides = array<i32>} : memref<64x1024xf32, #tpu.memory_space<vmem>>, vector<16xf32>,
      %parallel_loop3A_534 = arith.constant 38 : i32
      %parallel_loop3A_535 = arith.addi %mul3A_32, %parallel_loop3A_534 : i32
      %parallel_loop3A_536 = arith.constant 512 : i32
      %parallel_loop3A_537 = arith.muli %parallel_loop3A_535, %parallel_loop3A_536 : i32
      %parallel_loop3A_538 = vector.broadcast %parallel_loop3A_537 : i32 to vector<16xi32>
      %parallel_loop3A_539 = arith.addi %parallel_loop3A_39, %parallel_loop3A_538 : vector<16xi32>
      %parallel_loop3A_540 = tpu.vector_load_idx %arg6[%parallel_loop3A_539] : memref<32768xf32, #tpu.memory_space<vmem>>[vector<16xi32>], vector<16xf32>,
      %parallel_loop3A_541 = arith.constant 16 : i32
      %parallel_loop3A_542 = arith.muli %parallel_loop3A_35, %parallel_loop3A_541 : i32
      %parallel_loop3A_543 = arith.constant 38 : i32
      %parallel_loop3A_544 = arith.index_cast %parallel_loop3A_543 : i32 to index
      %parallel_loop3A_545 = arith.index_cast %parallel_loop3A_542 : i32 to index
      %parallel_loop3A_546 = tpu.vector_load %arg7[%parallel_loop3A_544, %parallel_loop3A_545] {strides = array<i32>} : memref<64x1024xf32, #tpu.memory_space<vmem>>, vector<16xf32>,
      tpu.vector_store %arg7[%parallel_loop3A_544, %parallel_loop3A_545], %parallel_loop3A_540 {strides = array<i32>} : memref<64x1024xf32, #tpu.memory_space<vmem>>, vector<16xf32>,
      %parallel_loop3A_547 = arith.constant 39 : i32
      %parallel_loop3A_548 = arith.addi %mul3A_32, %parallel_loop3A_547 : i32
      %parallel_loop3A_549 = arith.constant 512 : i32
      %parallel_loop3A_550 = arith.muli %parallel_loop3A_548, %parallel_loop3A_549 : i32
      %parallel_loop3A_551 = vector.broadcast %parallel_loop3A_550 : i32 to vector<16xi32>
      %parallel_loop3A_552 = arith.addi %parallel_loop3A_39, %parallel_loop3A_551 : vector<16xi32>
      %parallel_loop3A_553 = tpu.vector_load_idx %arg6[%parallel_loop3A_552] : memref<32768xf32, #tpu.memory_space<vmem>>[vector<16xi32>], vector<16xf32>,
      %parallel_loop3A_554 = arith.constant 16 : i32
      %parallel_loop3A_555 = arith.muli %parallel_loop3A_35, %parallel_loop3A_554 : i32
      %parallel_loop3A_556 = arith.constant 39 : i32
      %parallel_loop3A_557 = arith.index_cast %parallel_loop3A_556 : i32 to index
      %parallel_loop3A_558 = arith.index_cast %parallel_loop3A_555 : i32 to index
      %parallel_loop3A_559 = tpu.vector_load %arg7[%parallel_loop3A_557, %parallel_loop3A_558] {strides = array<i32>} : memref<64x1024xf32, #tpu.memory_space<vmem>>, vector<16xf32>,
      tpu.vector_store %arg7[%parallel_loop3A_557, %parallel_loop3A_558], %parallel_loop3A_553 {strides = array<i32>} : memref<64x1024xf32, #tpu.memory_space<vmem>>, vector<16xf32>,
      %parallel_loop3A_560 = arith.constant 40 : i32
      %parallel_loop3A_561 = arith.addi %mul3A_32, %parallel_loop3A_560 : i32
      %parallel_loop3A_562 = arith.constant 512 : i32
      %parallel_loop3A_563 = arith.muli %parallel_loop3A_561, %parallel_loop3A_562 : i32
      %parallel_loop3A_564 = vector.broadcast %parallel_loop3A_563 : i32 to vector<16xi32>
      %parallel_loop3A_565 = arith.addi %parallel_loop3A_39, %parallel_loop3A_564 : vector<16xi32>
      %parallel_loop3A_566 = tpu.vector_load_idx %arg6[%parallel_loop3A_565] : memref<32768xf32, #tpu.memory_space<vmem>>[vector<16xi32>], vector<16xf32>,
      %parallel_loop3A_567 = arith.constant 16 : i32
      %parallel_loop3A_568 = arith.muli %parallel_loop3A_35, %parallel_loop3A_567 : i32
      %parallel_loop3A_569 = arith.constant 40 : i32
      %parallel_loop3A_570 = arith.index_cast %parallel_loop3A_569 : i32 to index
      %parallel_loop3A_571 = arith.index_cast %parallel_loop3A_568 : i32 to index
      %parallel_loop3A_572 = tpu.vector_load %arg7[%parallel_loop3A_570, %parallel_loop3A_571] {strides = array<i32>} : memref<64x1024xf32, #tpu.memory_space<vmem>>, vector<16xf32>,
      tpu.vector_store %arg7[%parallel_loop3A_570, %parallel_loop3A_571], %parallel_loop3A_566 {strides = array<i32>} : memref<64x1024xf32, #tpu.memory_space<vmem>>, vector<16xf32>,
      %parallel_loop3A_573 = arith.constant 41 : i32
      %parallel_loop3A_574 = arith.addi %mul3A_32, %parallel_loop3A_573 : i32
      %parallel_loop3A_575 = arith.constant 512 : i32
      %parallel_loop3A_576 = arith.muli %parallel_loop3A_574, %parallel_loop3A_575 : i32
      %parallel_loop3A_577 = vector.broadcast %parallel_loop3A_576 : i32 to vector<16xi32>
      %parallel_loop3A_578 = arith.addi %parallel_loop3A_39, %parallel_loop3A_577 : vector<16xi32>
      %parallel_loop3A_579 = tpu.vector_load_idx %arg6[%parallel_loop3A_578] : memref<32768xf32, #tpu.memory_space<vmem>>[vector<16xi32>], vector<16xf32>,
      %parallel_loop3A_580 = arith.constant 16 : i32
      %parallel_loop3A_581 = arith.muli %parallel_loop3A_35, %parallel_loop3A_580 : i32
      %parallel_loop3A_582 = arith.constant 41 : i32
      %parallel_loop3A_583 = arith.index_cast %parallel_loop3A_582 : i32 to index
      %parallel_loop3A_584 = arith.index_cast %parallel_loop3A_581 : i32 to index
      %parallel_loop3A_585 = tpu.vector_load %arg7[%parallel_loop3A_583, %parallel_loop3A_584] {strides = array<i32>} : memref<64x1024xf32, #tpu.memory_space<vmem>>, vector<16xf32>,
      tpu.vector_store %arg7[%parallel_loop3A_583, %parallel_loop3A_584], %parallel_loop3A_579 {strides = array<i32>} : memref<64x1024xf32, #tpu.memory_space<vmem>>, vector<16xf32>,
      %parallel_loop3A_586 = arith.constant 42 : i32
      %parallel_loop3A_587 = arith.addi %mul3A_32, %parallel_loop3A_586 : i32
      %parallel_loop3A_588 = arith.constant 512 : i32
      %parallel_loop3A_589 = arith.muli %parallel_loop3A_587, %parallel_loop3A_588 : i32
      %parallel_loop3A_590 = vector.broadcast %parallel_loop3A_589 : i32 to vector<16xi32>
      %parallel_loop3A_591 = arith.addi %parallel_loop3A_39, %parallel_loop3A_590 : vector<16xi32>
      %parallel_loop3A_592 = tpu.vector_load_idx %arg6[%parallel_loop3A_591] : memref<32768xf32, #tpu.memory_space<vmem>>[vector<16xi32>], vector<16xf32>,
      %parallel_loop3A_593 = arith.constant 16 : i32
      %parallel_loop3A_594 = arith.muli %parallel_loop3A_35, %parallel_loop3A_593 : i32
      %parallel_loop3A_595 = arith.constant 42 : i32
      %parallel_loop3A_596 = arith.index_cast %parallel_loop3A_595 : i32 to index
      %parallel_loop3A_597 = arith.index_cast %parallel_loop3A_594 : i32 to index
      %parallel_loop3A_598 = tpu.vector_load %arg7[%parallel_loop3A_596, %parallel_loop3A_597] {strides = array<i32>} : memref<64x1024xf32, #tpu.memory_space<vmem>>, vector<16xf32>,
      tpu.vector_store %arg7[%parallel_loop3A_596, %parallel_loop3A_597], %parallel_loop3A_592 {strides = array<i32>} : memref<64x1024xf32, #tpu.memory_space<vmem>>, vector<16xf32>,
      %parallel_loop3A_599 = arith.constant 43 : i32
      %parallel_loop3A_600 = arith.addi %mul3A_32, %parallel_loop3A_599 : i32
      %parallel_loop3A_601 = arith.constant 512 : i32
      %parallel_loop3A_602 = arith.muli %parallel_loop3A_600, %parallel_loop3A_601 : i32
      %parallel_loop3A_603 = vector.broadcast %parallel_loop3A_602 : i32 to vector<16xi32>
      %parallel_loop3A_604 = arith.addi %parallel_loop3A_39, %parallel_loop3A_603 : vector<16xi32>
      %parallel_loop3A_605 = tpu.vector_load_idx %arg6[%parallel_loop3A_604] : memref<32768xf32, #tpu.memory_space<vmem>>[vector<16xi32>], vector<16xf32>,
      %parallel_loop3A_606 = arith.constant 16 : i32
      %parallel_loop3A_607 = arith.muli %parallel_loop3A_35, %parallel_loop3A_606 : i32
      %parallel_loop3A_608 = arith.constant 43 : i32
      %parallel_loop3A_609 = arith.index_cast %parallel_loop3A_608 : i32 to index
      %parallel_loop3A_610 = arith.index_cast %parallel_loop3A_607 : i32 to index
      %parallel_loop3A_611 = tpu.vector_load %arg7[%parallel_loop3A_609, %parallel_loop3A_610] {strides = array<i32>} : memref<64x1024xf32, #tpu.memory_space<vmem>>, vector<16xf32>,
      tpu.vector_store %arg7[%parallel_loop3A_609, %parallel_loop3A_610], %parallel_loop3A_605 {strides = array<i32>} : memref<64x1024xf32, #tpu.memory_space<vmem>>, vector<16xf32>,
      %parallel_loop3A_612 = arith.constant 44 : i32
      %parallel_loop3A_613 = arith.addi %mul3A_32, %parallel_loop3A_612 : i32
      %parallel_loop3A_614 = arith.constant 512 : i32
      %parallel_loop3A_615 = arith.muli %parallel_loop3A_613, %parallel_loop3A_614 : i32
      %parallel_loop3A_616 = vector.broadcast %parallel_loop3A_615 : i32 to vector<16xi32>
      %parallel_loop3A_617 = arith.addi %parallel_loop3A_39, %parallel_loop3A_616 : vector<16xi32>
      %parallel_loop3A_618 = tpu.vector_load_idx %arg6[%parallel_loop3A_617] : memref<32768xf32, #tpu.memory_space<vmem>>[vector<16xi32>], vector<16xf32>,
      %parallel_loop3A_619 = arith.constant 16 : i32
      %parallel_loop3A_620 = arith.muli %parallel_loop3A_35, %parallel_loop3A_619 : i32
      %parallel_loop3A_621 = arith.constant 44 : i32
      %parallel_loop3A_622 = arith.index_cast %parallel_loop3A_621 : i32 to index
      %parallel_loop3A_623 = arith.index_cast %parallel_loop3A_620 : i32 to index
      %parallel_loop3A_624 = tpu.vector_load %arg7[%parallel_loop3A_622, %parallel_loop3A_623] {strides = array<i32>} : memref<64x1024xf32, #tpu.memory_space<vmem>>, vector<16xf32>,
      tpu.vector_store %arg7[%parallel_loop3A_622, %parallel_loop3A_623], %parallel_loop3A_618 {strides = array<i32>} : memref<64x1024xf32, #tpu.memory_space<vmem>>, vector<16xf32>,
      %parallel_loop3A_625 = arith.constant 45 : i32
      %parallel_loop3A_626 = arith.addi %mul3A_32, %parallel_loop3A_625 : i32
      %parallel_loop3A_627 = arith.constant 512 : i32
      %parallel_loop3A_628 = arith.muli %parallel_loop3A_626, %parallel_loop3A_627 : i32
      %parallel_loop3A_629 = vector.broadcast %parallel_loop3A_628 : i32 to vector<16xi32>
      %parallel_loop3A_630 = arith.addi %parallel_loop3A_39, %parallel_loop3A_629 : vector<16xi32>
      %parallel_loop3A_631 = tpu.vector_load_idx %arg6[%parallel_loop3A_630] : memref<32768xf32, #tpu.memory_space<vmem>>[vector<16xi32>], vector<16xf32>,
      %parallel_loop3A_632 = arith.constant 16 : i32
      %parallel_loop3A_633 = arith.muli %parallel_loop3A_35, %parallel_loop3A_632 : i32
      %parallel_loop3A_634 = arith.constant 45 : i32
      %parallel_loop3A_635 = arith.index_cast %parallel_loop3A_634 : i32 to index
      %parallel_loop3A_636 = arith.index_cast %parallel_loop3A_633 : i32 to index
      %parallel_loop3A_637 = tpu.vector_load %arg7[%parallel_loop3A_635, %parallel_loop3A_636] {strides = array<i32>} : memref<64x1024xf32, #tpu.memory_space<vmem>>, vector<16xf32>,
      tpu.vector_store %arg7[%parallel_loop3A_635, %parallel_loop3A_636], %parallel_loop3A_631 {strides = array<i32>} : memref<64x1024xf32, #tpu.memory_space<vmem>>, vector<16xf32>,
      %parallel_loop3A_638 = arith.constant 46 : i32
      %parallel_loop3A_639 = arith.addi %mul3A_32, %parallel_loop3A_638 : i32
      %parallel_loop3A_640 = arith.constant 512 : i32
      %parallel_loop3A_641 = arith.muli %parallel_loop3A_639, %parallel_loop3A_640 : i32
      %parallel_loop3A_642 = vector.broadcast %parallel_loop3A_641 : i32 to vector<16xi32>
      %parallel_loop3A_643 = arith.addi %parallel_loop3A_39, %parallel_loop3A_642 : vector<16xi32>
      %parallel_loop3A_644 = tpu.vector_load_idx %arg6[%parallel_loop3A_643] : memref<32768xf32, #tpu.memory_space<vmem>>[vector<16xi32>], vector<16xf32>,
      %parallel_loop3A_645 = arith.constant 16 : i32
      %parallel_loop3A_646 = arith.muli %parallel_loop3A_35, %parallel_loop3A_645 : i32
      %parallel_loop3A_647 = arith.constant 46 : i32
      %parallel_loop3A_648 = arith.index_cast %parallel_loop3A_647 : i32 to index
      %parallel_loop3A_649 = arith.index_cast %parallel_loop3A_646 : i32 to index
      %parallel_loop3A_650 = tpu.vector_load %arg7[%parallel_loop3A_648, %parallel_loop3A_649] {strides = array<i32>} : memref<64x1024xf32, #tpu.memory_space<vmem>>, vector<16xf32>,
      tpu.vector_store %arg7[%parallel_loop3A_648, %parallel_loop3A_649], %parallel_loop3A_644 {strides = array<i32>} : memref<64x1024xf32, #tpu.memory_space<vmem>>, vector<16xf32>,
      %parallel_loop3A_651 = arith.constant 47 : i32
      %parallel_loop3A_652 = arith.addi %mul3A_32, %parallel_loop3A_651 : i32
      %parallel_loop3A_653 = arith.constant 512 : i32
      %parallel_loop3A_654 = arith.muli %parallel_loop3A_652, %parallel_loop3A_653 : i32
      %parallel_loop3A_655 = vector.broadcast %parallel_loop3A_654 : i32 to vector<16xi32>
      %parallel_loop3A_656 = arith.addi %parallel_loop3A_39, %parallel_loop3A_655 : vector<16xi32>
      %parallel_loop3A_657 = tpu.vector_load_idx %arg6[%parallel_loop3A_656] : memref<32768xf32, #tpu.memory_space<vmem>>[vector<16xi32>], vector<16xf32>,
      %parallel_loop3A_658 = arith.constant 16 : i32
      %parallel_loop3A_659 = arith.muli %parallel_loop3A_35, %parallel_loop3A_658 : i32
      %parallel_loop3A_660 = arith.constant 47 : i32
      %parallel_loop3A_661 = arith.index_cast %parallel_loop3A_660 : i32 to index
      %parallel_loop3A_662 = arith.index_cast %parallel_loop3A_659 : i32 to index
      %parallel_loop3A_663 = tpu.vector_load %arg7[%parallel_loop3A_661, %parallel_loop3A_662] {strides = array<i32>} : memref<64x1024xf32, #tpu.memory_space<vmem>>, vector<16xf32>,
      tpu.vector_store %arg7[%parallel_loop3A_661, %parallel_loop3A_662], %parallel_loop3A_657 {strides = array<i32>} : memref<64x1024xf32, #tpu.memory_space<vmem>>, vector<16xf32>,
      %parallel_loop3A_664 = arith.constant 48 : i32
      %parallel_loop3A_665 = arith.addi %mul3A_32, %parallel_loop3A_664 : i32
      %parallel_loop3A_666 = arith.constant 512 : i32
      %parallel_loop3A_667 = arith.muli %parallel_loop3A_665, %parallel_loop3A_666 : i32
      %parallel_loop3A_668 = vector.broadcast %parallel_loop3A_667 : i32 to vector<16xi32>
      %parallel_loop3A_669 = arith.addi %parallel_loop3A_39, %parallel_loop3A_668 : vector<16xi32>
      %parallel_loop3A_670 = tpu.vector_load_idx %arg6[%parallel_loop3A_669] : memref<32768xf32, #tpu.memory_space<vmem>>[vector<16xi32>], vector<16xf32>,
      %parallel_loop3A_671 = arith.constant 16 : i32
      %parallel_loop3A_672 = arith.muli %parallel_loop3A_35, %parallel_loop3A_671 : i32
      %parallel_loop3A_673 = arith.constant 48 : i32
      %parallel_loop3A_674 = arith.index_cast %parallel_loop3A_673 : i32 to index
      %parallel_loop3A_675 = arith.index_cast %parallel_loop3A_672 : i32 to index
      %parallel_loop3A_676 = tpu.vector_load %arg7[%parallel_loop3A_674, %parallel_loop3A_675] {strides = array<i32>} : memref<64x1024xf32, #tpu.memory_space<vmem>>, vector<16xf32>,
      tpu.vector_store %arg7[%parallel_loop3A_674, %parallel_loop3A_675], %parallel_loop3A_670 {strides = array<i32>} : memref<64x1024xf32, #tpu.memory_space<vmem>>, vector<16xf32>,
      %parallel_loop3A_677 = arith.constant 49 : i32
      %parallel_loop3A_678 = arith.addi %mul3A_32, %parallel_loop3A_677 : i32
      %parallel_loop3A_679 = arith.constant 512 : i32
      %parallel_loop3A_680 = arith.muli %parallel_loop3A_678, %parallel_loop3A_679 : i32
      %parallel_loop3A_681 = vector.broadcast %parallel_loop3A_680 : i32 to vector<16xi32>
      %parallel_loop3A_682 = arith.addi %parallel_loop3A_39, %parallel_loop3A_681 : vector<16xi32>
      %parallel_loop3A_683 = tpu.vector_load_idx %arg6[%parallel_loop3A_682] : memref<32768xf32, #tpu.memory_space<vmem>>[vector<16xi32>], vector<16xf32>,
      %parallel_loop3A_684 = arith.constant 16 : i32
      %parallel_loop3A_685 = arith.muli %parallel_loop3A_35, %parallel_loop3A_684 : i32
      %parallel_loop3A_686 = arith.constant 49 : i32
      %parallel_loop3A_687 = arith.index_cast %parallel_loop3A_686 : i32 to index
      %parallel_loop3A_688 = arith.index_cast %parallel_loop3A_685 : i32 to index
      %parallel_loop3A_689 = tpu.vector_load %arg7[%parallel_loop3A_687, %parallel_loop3A_688] {strides = array<i32>} : memref<64x1024xf32, #tpu.memory_space<vmem>>, vector<16xf32>,
      tpu.vector_store %arg7[%parallel_loop3A_687, %parallel_loop3A_688], %parallel_loop3A_683 {strides = array<i32>} : memref<64x1024xf32, #tpu.memory_space<vmem>>, vector<16xf32>,
      %parallel_loop3A_690 = arith.constant 50 : i32
      %parallel_loop3A_691 = arith.addi %mul3A_32, %parallel_loop3A_690 : i32
      %parallel_loop3A_692 = arith.constant 512 : i32
      %parallel_loop3A_693 = arith.muli %parallel_loop3A_691, %parallel_loop3A_692 : i32
      %parallel_loop3A_694 = vector.broadcast %parallel_loop3A_693 : i32 to vector<16xi32>
      %parallel_loop3A_695 = arith.addi %parallel_loop3A_39, %parallel_loop3A_694 : vector<16xi32>
      %parallel_loop3A_696 = tpu.vector_load_idx %arg6[%parallel_loop3A_695] : memref<32768xf32, #tpu.memory_space<vmem>>[vector<16xi32>], vector<16xf32>,
      %parallel_loop3A_697 = arith.constant 16 : i32
      %parallel_loop3A_698 = arith.muli %parallel_loop3A_35, %parallel_loop3A_697 : i32
      %parallel_loop3A_699 = arith.constant 50 : i32
      %parallel_loop3A_700 = arith.index_cast %parallel_loop3A_699 : i32 to index
      %parallel_loop3A_701 = arith.index_cast %parallel_loop3A_698 : i32 to index
      %parallel_loop3A_702 = tpu.vector_load %arg7[%parallel_loop3A_700, %parallel_loop3A_701] {strides = array<i32>} : memref<64x1024xf32, #tpu.memory_space<vmem>>, vector<16xf32>,
      tpu.vector_store %arg7[%parallel_loop3A_700, %parallel_loop3A_701], %parallel_loop3A_696 {strides = array<i32>} : memref<64x1024xf32, #tpu.memory_space<vmem>>, vector<16xf32>,
      %parallel_loop3A_703 = arith.constant 51 : i32
      %parallel_loop3A_704 = arith.addi %mul3A_32, %parallel_loop3A_703 : i32
      %parallel_loop3A_705 = arith.constant 512 : i32
      %parallel_loop3A_706 = arith.muli %parallel_loop3A_704, %parallel_loop3A_705 : i32
      %parallel_loop3A_707 = vector.broadcast %parallel_loop3A_706 : i32 to vector<16xi32>
      %parallel_loop3A_708 = arith.addi %parallel_loop3A_39, %parallel_loop3A_707 : vector<16xi32>
      %parallel_loop3A_709 = tpu.vector_load_idx %arg6[%parallel_loop3A_708] : memref<32768xf32, #tpu.memory_space<vmem>>[vector<16xi32>], vector<16xf32>,
      %parallel_loop3A_710 = arith.constant 16 : i32
      %parallel_loop3A_711 = arith.muli %parallel_loop3A_35, %parallel_loop3A_710 : i32
      %parallel_loop3A_712 = arith.constant 51 : i32
      %parallel_loop3A_713 = arith.index_cast %parallel_loop3A_712 : i32 to index
      %parallel_loop3A_714 = arith.index_cast %parallel_loop3A_711 : i32 to index
      %parallel_loop3A_715 = tpu.vector_load %arg7[%parallel_loop3A_713, %parallel_loop3A_714] {strides = array<i32>} : memref<64x1024xf32, #tpu.memory_space<vmem>>, vector<16xf32>,
      tpu.vector_store %arg7[%parallel_loop3A_713, %parallel_loop3A_714], %parallel_loop3A_709 {strides = array<i32>} : memref<64x1024xf32, #tpu.memory_space<vmem>>, vector<16xf32>,
      %parallel_loop3A_716 = arith.constant 52 : i32
      %parallel_loop3A_717 = arith.addi %mul3A_32, %parallel_loop3A_716 : i32
      %parallel_loop3A_718 = arith.constant 512 : i32
      %parallel_loop3A_719 = arith.muli %parallel_loop3A_717, %parallel_loop3A_718 : i32
      %parallel_loop3A_720 = vector.broadcast %parallel_loop3A_719 : i32 to vector<16xi32>
      %parallel_loop3A_721 = arith.addi %parallel_loop3A_39, %parallel_loop3A_720 : vector<16xi32>
      %parallel_loop3A_722 = tpu.vector_load_idx %arg6[%parallel_loop3A_721] : memref<32768xf32, #tpu.memory_space<vmem>>[vector<16xi32>], vector<16xf32>,
      %parallel_loop3A_723 = arith.constant 16 : i32
      %parallel_loop3A_724 = arith.muli %parallel_loop3A_35, %parallel_loop3A_723 : i32
      %parallel_loop3A_725 = arith.constant 52 : i32
      %parallel_loop3A_726 = arith.index_cast %parallel_loop3A_725 : i32 to index
      %parallel_loop3A_727 = arith.index_cast %parallel_loop3A_724 : i32 to index
      %parallel_loop3A_728 = tpu.vector_load %arg7[%parallel_loop3A_726, %parallel_loop3A_727] {strides = array<i32>} : memref<64x1024xf32, #tpu.memory_space<vmem>>, vector<16xf32>,
      tpu.vector_store %arg7[%parallel_loop3A_726, %parallel_loop3A_727], %parallel_loop3A_722 {strides = array<i32>} : memref<64x1024xf32, #tpu.memory_space<vmem>>, vector<16xf32>,
      %parallel_loop3A_729 = arith.constant 53 : i32
      %parallel_loop3A_730 = arith.addi %mul3A_32, %parallel_loop3A_729 : i32
      %parallel_loop3A_731 = arith.constant 512 : i32
      %parallel_loop3A_732 = arith.muli %parallel_loop3A_730, %parallel_loop3A_731 : i32
      %parallel_loop3A_733 = vector.broadcast %parallel_loop3A_732 : i32 to vector<16xi32>
      %parallel_loop3A_734 = arith.addi %parallel_loop3A_39, %parallel_loop3A_733 : vector<16xi32>
      %parallel_loop3A_735 = tpu.vector_load_idx %arg6[%parallel_loop3A_734] : memref<32768xf32, #tpu.memory_space<vmem>>[vector<16xi32>], vector<16xf32>,
      %parallel_loop3A_736 = arith.constant 16 : i32
      %parallel_loop3A_737 = arith.muli %parallel_loop3A_35, %parallel_loop3A_736 : i32
      %parallel_loop3A_738 = arith.constant 53 : i32
      %parallel_loop3A_739 = arith.index_cast %parallel_loop3A_738 : i32 to index
      %parallel_loop3A_740 = arith.index_cast %parallel_loop3A_737 : i32 to index
      %parallel_loop3A_741 = tpu.vector_load %arg7[%parallel_loop3A_739, %parallel_loop3A_740] {strides = array<i32>} : memref<64x1024xf32, #tpu.memory_space<vmem>>, vector<16xf32>,
      tpu.vector_store %arg7[%parallel_loop3A_739, %parallel_loop3A_740], %parallel_loop3A_735 {strides = array<i32>} : memref<64x1024xf32, #tpu.memory_space<vmem>>, vector<16xf32>,
      %parallel_loop3A_742 = arith.constant 54 : i32
      %parallel_loop3A_743 = arith.addi %mul3A_32, %parallel_loop3A_742 : i32
      %parallel_loop3A_744 = arith.constant 512 : i32
      %parallel_loop3A_745 = arith.muli %parallel_loop3A_743, %parallel_loop3A_744 : i32
      %parallel_loop3A_746 = vector.broadcast %parallel_loop3A_745 : i32 to vector<16xi32>
      %parallel_loop3A_747 = arith.addi %parallel_loop3A_39, %parallel_loop3A_746 : vector<16xi32>
      %parallel_loop3A_748 = tpu.vector_load_idx %arg6[%parallel_loop3A_747] : memref<32768xf32, #tpu.memory_space<vmem>>[vector<16xi32>], vector<16xf32>,
      %parallel_loop3A_749 = arith.constant 16 : i32
      %parallel_loop3A_750 = arith.muli %parallel_loop3A_35, %parallel_loop3A_749 : i32
      %parallel_loop3A_751 = arith.constant 54 : i32
      %parallel_loop3A_752 = arith.index_cast %parallel_loop3A_751 : i32 to index
      %parallel_loop3A_753 = arith.index_cast %parallel_loop3A_750 : i32 to index
      %parallel_loop3A_754 = tpu.vector_load %arg7[%parallel_loop3A_752, %parallel_loop3A_753] {strides = array<i32>} : memref<64x1024xf32, #tpu.memory_space<vmem>>, vector<16xf32>,
      tpu.vector_store %arg7[%parallel_loop3A_752, %parallel_loop3A_753], %parallel_loop3A_748 {strides = array<i32>} : memref<64x1024xf32, #tpu.memory_space<vmem>>, vector<16xf32>,
      %parallel_loop3A_755 = arith.constant 55 : i32
      %parallel_loop3A_756 = arith.addi %mul3A_32, %parallel_loop3A_755 : i32
      %parallel_loop3A_757 = arith.constant 512 : i32
      %parallel_loop3A_758 = arith.muli %parallel_loop3A_756, %parallel_loop3A_757 : i32
      %parallel_loop3A_759 = vector.broadcast %parallel_loop3A_758 : i32 to vector<16xi32>
      %parallel_loop3A_760 = arith.addi %parallel_loop3A_39, %parallel_loop3A_759 : vector<16xi32>
      %parallel_loop3A_761 = tpu.vector_load_idx %arg6[%parallel_loop3A_760] : memref<32768xf32, #tpu.memory_space<vmem>>[vector<16xi32>], vector<16xf32>,
      %parallel_loop3A_762 = arith.constant 16 : i32
      %parallel_loop3A_763 = arith.muli %parallel_loop3A_35, %parallel_loop3A_762 : i32
      %parallel_loop3A_764 = arith.constant 55 : i32
      %parallel_loop3A_765 = arith.index_cast %parallel_loop3A_764 : i32 to index
      %parallel_loop3A_766 = arith.index_cast %parallel_loop3A_763 : i32 to index
      %parallel_loop3A_767 = tpu.vector_load %arg7[%parallel_loop3A_765, %parallel_loop3A_766] {strides = array<i32>} : memref<64x1024xf32, #tpu.memory_space<vmem>>, vector<16xf32>,
      tpu.vector_store %arg7[%parallel_loop3A_765, %parallel_loop3A_766], %parallel_loop3A_761 {strides = array<i32>} : memref<64x1024xf32, #tpu.memory_space<vmem>>, vector<16xf32>,
      %parallel_loop3A_768 = arith.constant 56 : i32
      %parallel_loop3A_769 = arith.addi %mul3A_32, %parallel_loop3A_768 : i32
      %parallel_loop3A_770 = arith.constant 512 : i32
      %parallel_loop3A_771 = arith.muli %parallel_loop3A_769, %parallel_loop3A_770 : i32
      %parallel_loop3A_772 = vector.broadcast %parallel_loop3A_771 : i32 to vector<16xi32>
      %parallel_loop3A_773 = arith.addi %parallel_loop3A_39, %parallel_loop3A_772 : vector<16xi32>
      %parallel_loop3A_774 = tpu.vector_load_idx %arg6[%parallel_loop3A_773] : memref<32768xf32, #tpu.memory_space<vmem>>[vector<16xi32>], vector<16xf32>,
      %parallel_loop3A_775 = arith.constant 16 : i32
      %parallel_loop3A_776 = arith.muli %parallel_loop3A_35, %parallel_loop3A_775 : i32
      %parallel_loop3A_777 = arith.constant 56 : i32
      %parallel_loop3A_778 = arith.index_cast %parallel_loop3A_777 : i32 to index
      %parallel_loop3A_779 = arith.index_cast %parallel_loop3A_776 : i32 to index
      %parallel_loop3A_780 = tpu.vector_load %arg7[%parallel_loop3A_778, %parallel_loop3A_779] {strides = array<i32>} : memref<64x1024xf32, #tpu.memory_space<vmem>>, vector<16xf32>,
      tpu.vector_store %arg7[%parallel_loop3A_778, %parallel_loop3A_779], %parallel_loop3A_774 {strides = array<i32>} : memref<64x1024xf32, #tpu.memory_space<vmem>>, vector<16xf32>,
      %parallel_loop3A_781 = arith.constant 57 : i32
      %parallel_loop3A_782 = arith.addi %mul3A_32, %parallel_loop3A_781 : i32
      %parallel_loop3A_783 = arith.constant 512 : i32
      %parallel_loop3A_784 = arith.muli %parallel_loop3A_782, %parallel_loop3A_783 : i32
      %parallel_loop3A_785 = vector.broadcast %parallel_loop3A_784 : i32 to vector<16xi32>
      %parallel_loop3A_786 = arith.addi %parallel_loop3A_39, %parallel_loop3A_785 : vector<16xi32>
      %parallel_loop3A_787 = tpu.vector_load_idx %arg6[%parallel_loop3A_786] : memref<32768xf32, #tpu.memory_space<vmem>>[vector<16xi32>], vector<16xf32>,
      %parallel_loop3A_788 = arith.constant 16 : i32
      %parallel_loop3A_789 = arith.muli %parallel_loop3A_35, %parallel_loop3A_788 : i32
      %parallel_loop3A_790 = arith.constant 57 : i32
      %parallel_loop3A_791 = arith.index_cast %parallel_loop3A_790 : i32 to index
      %parallel_loop3A_792 = arith.index_cast %parallel_loop3A_789 : i32 to index
      %parallel_loop3A_793 = tpu.vector_load %arg7[%parallel_loop3A_791, %parallel_loop3A_792] {strides = array<i32>} : memref<64x1024xf32, #tpu.memory_space<vmem>>, vector<16xf32>,
      tpu.vector_store %arg7[%parallel_loop3A_791, %parallel_loop3A_792], %parallel_loop3A_787 {strides = array<i32>} : memref<64x1024xf32, #tpu.memory_space<vmem>>, vector<16xf32>,
      %parallel_loop3A_794 = arith.constant 58 : i32
      %parallel_loop3A_795 = arith.addi %mul3A_32, %parallel_loop3A_794 : i32
      %parallel_loop3A_796 = arith.constant 512 : i32
      %parallel_loop3A_797 = arith.muli %parallel_loop3A_795, %parallel_loop3A_796 : i32
      %parallel_loop3A_798 = vector.broadcast %parallel_loop3A_797 : i32 to vector<16xi32>
      %parallel_loop3A_799 = arith.addi %parallel_loop3A_39, %parallel_loop3A_798 : vector<16xi32>
      %parallel_loop3A_800 = tpu.vector_load_idx %arg6[%parallel_loop3A_799] : memref<32768xf32, #tpu.memory_space<vmem>>[vector<16xi32>], vector<16xf32>,
      %parallel_loop3A_801 = arith.constant 16 : i32
      %parallel_loop3A_802 = arith.muli %parallel_loop3A_35, %parallel_loop3A_801 : i32
      %parallel_loop3A_803 = arith.constant 58 : i32
      %parallel_loop3A_804 = arith.index_cast %parallel_loop3A_803 : i32 to index
      %parallel_loop3A_805 = arith.index_cast %parallel_loop3A_802 : i32 to index
      %parallel_loop3A_806 = tpu.vector_load %arg7[%parallel_loop3A_804, %parallel_loop3A_805] {strides = array<i32>} : memref<64x1024xf32, #tpu.memory_space<vmem>>, vector<16xf32>,
      tpu.vector_store %arg7[%parallel_loop3A_804, %parallel_loop3A_805], %parallel_loop3A_800 {strides = array<i32>} : memref<64x1024xf32, #tpu.memory_space<vmem>>, vector<16xf32>,
      %parallel_loop3A_807 = arith.constant 59 : i32
      %parallel_loop3A_808 = arith.addi %mul3A_32, %parallel_loop3A_807 : i32
      %parallel_loop3A_809 = arith.constant 512 : i32
      %parallel_loop3A_810 = arith.muli %parallel_loop3A_808, %parallel_loop3A_809 : i32
      %parallel_loop3A_811 = vector.broadcast %parallel_loop3A_810 : i32 to vector<16xi32>
      %parallel_loop3A_812 = arith.addi %parallel_loop3A_39, %parallel_loop3A_811 : vector<16xi32>
      %parallel_loop3A_813 = tpu.vector_load_idx %arg6[%parallel_loop3A_812] : memref<32768xf32, #tpu.memory_space<vmem>>[vector<16xi32>], vector<16xf32>,
      %parallel_loop3A_814 = arith.constant 16 : i32
      %parallel_loop3A_815 = arith.muli %parallel_loop3A_35, %parallel_loop3A_814 : i32
      %parallel_loop3A_816 = arith.constant 59 : i32
      %parallel_loop3A_817 = arith.index_cast %parallel_loop3A_816 : i32 to index
      %parallel_loop3A_818 = arith.index_cast %parallel_loop3A_815 : i32 to index
      %parallel_loop3A_819 = tpu.vector_load %arg7[%parallel_loop3A_817, %parallel_loop3A_818] {strides = array<i32>} : memref<64x1024xf32, #tpu.memory_space<vmem>>, vector<16xf32>,
      tpu.vector_store %arg7[%parallel_loop3A_817, %parallel_loop3A_818], %parallel_loop3A_813 {strides = array<i32>} : memref<64x1024xf32, #tpu.memory_space<vmem>>, vector<16xf32>,
      %parallel_loop3A_820 = arith.constant 60 : i32
      %parallel_loop3A_821 = arith.addi %mul3A_32, %parallel_loop3A_820 : i32
      %parallel_loop3A_822 = arith.constant 512 : i32
      %parallel_loop3A_823 = arith.muli %parallel_loop3A_821, %parallel_loop3A_822 : i32
      %parallel_loop3A_824 = vector.broadcast %parallel_loop3A_823 : i32 to vector<16xi32>
      %parallel_loop3A_825 = arith.addi %parallel_loop3A_39, %parallel_loop3A_824 : vector<16xi32>
      %parallel_loop3A_826 = tpu.vector_load_idx %arg6[%parallel_loop3A_825] : memref<32768xf32, #tpu.memory_space<vmem>>[vector<16xi32>], vector<16xf32>,
      %parallel_loop3A_827 = arith.constant 16 : i32
      %parallel_loop3A_828 = arith.muli %parallel_loop3A_35, %parallel_loop3A_827 : i32
      %parallel_loop3A_829 = arith.constant 60 : i32
      %parallel_loop3A_830 = arith.index_cast %parallel_loop3A_829 : i32 to index
      %parallel_loop3A_831 = arith.index_cast %parallel_loop3A_828 : i32 to index
      %parallel_loop3A_832 = tpu.vector_load %arg7[%parallel_loop3A_830, %parallel_loop3A_831] {strides = array<i32>} : memref<64x1024xf32, #tpu.memory_space<vmem>>, vector<16xf32>,
      tpu.vector_store %arg7[%parallel_loop3A_830, %parallel_loop3A_831], %parallel_loop3A_826 {strides = array<i32>} : memref<64x1024xf32, #tpu.memory_space<vmem>>, vector<16xf32>,
      %parallel_loop3A_833 = arith.constant 61 : i32
      %parallel_loop3A_834 = arith.addi %mul3A_32, %parallel_loop3A_833 : i32
      %parallel_loop3A_835 = arith.constant 512 : i32
      %parallel_loop3A_836 = arith.muli %parallel_loop3A_834, %parallel_loop3A_835 : i32
      %parallel_loop3A_837 = vector.broadcast %parallel_loop3A_836 : i32 to vector<16xi32>
      %parallel_loop3A_838 = arith.addi %parallel_loop3A_39, %parallel_loop3A_837 : vector<16xi32>
      %parallel_loop3A_839 = tpu.vector_load_idx %arg6[%parallel_loop3A_838] : memref<32768xf32, #tpu.memory_space<vmem>>[vector<16xi32>], vector<16xf32>,
      %parallel_loop3A_840 = arith.constant 16 : i32
      %parallel_loop3A_841 = arith.muli %parallel_loop3A_35, %parallel_loop3A_840 : i32
      %parallel_loop3A_842 = arith.constant 61 : i32
      %parallel_loop3A_843 = arith.index_cast %parallel_loop3A_842 : i32 to index
      %parallel_loop3A_844 = arith.index_cast %parallel_loop3A_841 : i32 to index
      %parallel_loop3A_845 = tpu.vector_load %arg7[%parallel_loop3A_843, %parallel_loop3A_844] {strides = array<i32>} : memref<64x1024xf32, #tpu.memory_space<vmem>>, vector<16xf32>,
      tpu.vector_store %arg7[%parallel_loop3A_843, %parallel_loop3A_844], %parallel_loop3A_839 {strides = array<i32>} : memref<64x1024xf32, #tpu.memory_space<vmem>>, vector<16xf32>,
      %parallel_loop3A_846 = arith.constant 62 : i32
      %parallel_loop3A_847 = arith.addi %mul3A_32, %parallel_loop3A_846 : i32
      %parallel_loop3A_848 = arith.constant 512 : i32
      %parallel_loop3A_849 = arith.muli %parallel_loop3A_847, %parallel_loop3A_848 : i32
      %parallel_loop3A_850 = vector.broadcast %parallel_loop3A_849 : i32 to vector<16xi32>
      %parallel_loop3A_851 = arith.addi %parallel_loop3A_39, %parallel_loop3A_850 : vector<16xi32>
      %parallel_loop3A_852 = tpu.vector_load_idx %arg6[%parallel_loop3A_851] : memref<32768xf32, #tpu.memory_space<vmem>>[vector<16xi32>], vector<16xf32>,
      %parallel_loop3A_853 = arith.constant 16 : i32
      %parallel_loop3A_854 = arith.muli %parallel_loop3A_35, %parallel_loop3A_853 : i32
      %parallel_loop3A_855 = arith.constant 62 : i32
      %parallel_loop3A_856 = arith.index_cast %parallel_loop3A_855 : i32 to index
      %parallel_loop3A_857 = arith.index_cast %parallel_loop3A_854 : i32 to index
      %parallel_loop3A_858 = tpu.vector_load %arg7[%parallel_loop3A_856, %parallel_loop3A_857] {strides = array<i32>} : memref<64x1024xf32, #tpu.memory_space<vmem>>, vector<16xf32>,
      tpu.vector_store %arg7[%parallel_loop3A_856, %parallel_loop3A_857], %parallel_loop3A_852 {strides = array<i32>} : memref<64x1024xf32, #tpu.memory_space<vmem>>, vector<16xf32>,
      %parallel_loop3A_859 = arith.constant 63 : i32
      %parallel_loop3A_860 = arith.addi %mul3A_32, %parallel_loop3A_859 : i32
      %parallel_loop3A_861 = arith.constant 512 : i32
      %parallel_loop3A_862 = arith.muli %parallel_loop3A_860, %parallel_loop3A_861 : i32
      %parallel_loop3A_863 = vector.broadcast %parallel_loop3A_862 : i32 to vector<16xi32>
      %parallel_loop3A_864 = arith.addi %parallel_loop3A_39, %parallel_loop3A_863 : vector<16xi32>
      %parallel_loop3A_865 = tpu.vector_load_idx %arg6[%parallel_loop3A_864] : memref<32768xf32, #tpu.memory_space<vmem>>[vector<16xi32>], vector<16xf32>,
      %parallel_loop3A_866 = arith.constant 16 : i32
      %parallel_loop3A_867 = arith.muli %parallel_loop3A_35, %parallel_loop3A_866 : i32
      %parallel_loop3A_868 = arith.constant 63 : i32
      %parallel_loop3A_869 = arith.index_cast %parallel_loop3A_868 : i32 to index
      %parallel_loop3A_870 = arith.index_cast %parallel_loop3A_867 : i32 to index
      %parallel_loop3A_871 = tpu.vector_load %arg7[%parallel_loop3A_869, %parallel_loop3A_870] {strides = array<i32>} : memref<64x1024xf32, #tpu.memory_space<vmem>>, vector<16xf32>,
      tpu.vector_store %arg7[%parallel_loop3A_869, %parallel_loop3A_870], %parallel_loop3A_865 {strides = array<i32>} : memref<64x1024xf32, #tpu.memory_space<vmem>>, vector<16xf32>,
    } {sc.loop_unroll_factor = 2 : i64, sc.parallel_access}
    "tpu.region"() ({
      %run_scoped3A = tpu.sem_alloc : memref<!tpu.dma_semaphore, #tpu.memory_space<semaphore_mem>>
      %dma_start3A = arith.constant 0 : i32
      %dma_start3A_35 = tpu.memref_slice %arg4[%select_n3A, %mul3A_32, %dma_start3A] : memref<32x64x1024xf32, #tpu.memory_space<hbm>> -> memref<1x64x1024xf32, #tpu.memory_space<hbm>>
      %dma_start3A_36 = tpu.memref_squeeze %dma_start3A_35 : memref<1x64x1024xf32, #tpu.memory_space<hbm>> -> memref<64x1024xf32, #tpu.memory_space<hbm>>
      %dma_start3A_37 = arith.constant 0 : i32
      %dma_start3A_38 = tpu.memref_slice %arg4[%select_n3A, %mul3A_32, %dma_start3A_37] : memref<32x64x1024xf32, #tpu.memory_space<hbm>> -> memref<1x64x1024xf32, #tpu.memory_space<hbm>>
      %dma_start3A_39 = tpu.memref_squeeze %dma_start3A_38 : memref<1x64x1024xf32, #tpu.memory_space<hbm>> -> memref<64x1024xf32, #tpu.memory_space<hbm>>
      tpu.enqueue_dma source(%arg7 : memref<64x1024xf32, #tpu.memory_space<vmem>>) target(%dma_start3A_39 : memref<64x1024xf32, #tpu.memory_space<hbm>>) target_semaphore(%run_scoped3A : memref<!tpu.dma_semaphore, #tpu.memory_space<semaphore_mem>>)
      %dma_wait3A = arith.constant 0 : i32
      %dma_wait3A_40 = tpu.memref_slice %arg4[%select_n3A, %mul3A_32, %dma_wait3A] : memref<32x64x1024xf32, #tpu.memory_space<hbm>> -> memref<1x64x1024xf32, #tpu.memory_space<hbm>>
      %dma_wait3A_41 = tpu.memref_squeeze %dma_wait3A_40 : memref<1x64x1024xf32, #tpu.memory_space<hbm>> -> memref<64x1024xf32, #tpu.memory_space<hbm>>
      %dma_wait3A_42 = arith.constant 0 : i32
      %dma_wait3A_43 = tpu.memref_slice %arg4[%select_n3A, %mul3A_32, %dma_wait3A_42] : memref<32x64x1024xf32, #tpu.memory_space<hbm>> -> memref<1x64x1024xf32, #tpu.memory_space<hbm>>
      %dma_wait3A_44 = tpu.memref_squeeze %dma_wait3A_43 : memref<1x64x1024xf32, #tpu.memory_space<hbm>> -> memref<64x1024xf32, #tpu.memory_space<hbm>>
      tpu.wait_dma2 semaphore(%run_scoped3A : memref<!tpu.dma_semaphore, #tpu.memory_space<semaphore_mem>>) src(%arg7 : memref<64x1024xf32, #tpu.memory_space<vmem>>) dst(%dma_wait3A_44 : memref<64x1024xf32, #tpu.memory_space<hbm>>)
      tpu.yield
    }) : () -> ()
    return
  }
}

module attributes {stable_mosaic.version = 14 : i64} {
  func.func @_idx_body(%arg0: i32, %arg1: memref<8x64x1024xf32, #tpu.memory_space<vmem>>, %arg2: memref<512x64xf32, #tpu.memory_space<vmem>>, %arg3: memref<8x1024xi32, #tpu.memory_space<vmem>>) attributes {dimension_semantics = [#tpu.dimension_semantics<arbitrary>], iteration_bounds = array<i64: 4>, scalar_prefetch = 0 : i64, scratch_operands = 0 : i64, tpu.core_type = #tpu.core_type<tc>, window_params = [{transform_indices = @transform_0, window_bounds = array<i64: 8, 64, 1024>}, {pipeline_mode = #tpu.pipeline_mode<synchronous>, transform_indices = @transform_1, window_bounds = array<i64: 512, 64>}, {transform_indices = @transform_2, window_bounds = array<i64: 8, 1024>}]} {
    %get3A = arith.constant 0 : index
    %get3A_0 = arith.constant 0 : index
    %get3A_1 = vector.load %arg2[%get3A, %get3A_0] : memref<512x64xf32, #tpu.memory_space<vmem>>, vector<512x64xf32>
    %mul3A = arith.mulf %get3A_1, %get3A_1 : vector<512x64xf32>
    %reduce_sum3A = arith.constant dense<0.000000e+00> : vector<512xf32>
    %reduce_sum3A_2 = vector.multi_reduction <add>, %mul3A, %reduce_sum3A [1] : vector<512x64xf32> to vector<512xf32>
    %broadcast_in_dim3A = vector.shape_cast %reduce_sum3A_2 : vector<512xf32> to vector<512x1xf32>
    %mul3A_3 = arith.constant -2.000000e+00 : f32
    %mul3A_4 = vector.broadcast %mul3A_3 : f32 to vector<512x64xf32>
    %mul3A_5 = arith.mulf %get3A_1, %mul3A_4 : vector<512x64xf32>
    %convert_element_type3A = arith.truncf %mul3A_5 : vector<512x64xf32> to vector<512x64xbf16>
    %iota3A = tpu.iota {dimensions = array<i32: 0>} : vector<512x1024xi32>
    %convert_element_type3A_6 = arith.sitofp %iota3A : vector<512x1024xi32> to vector<512x1024xf32>
    %get3A_7 = arith.constant 0 : index
    %get3A_8 = arith.constant 0 : index
    %get3A_9 = arith.constant 0 : index
    %get3A_10 = vector.load %arg1[%get3A_7, %get3A_8, %get3A_9] : memref<8x64x1024xf32, #tpu.memory_space<vmem>>, vector<1x64x1024xf32>
    %get3A_11 = vector.shape_cast %get3A_10 : vector<1x64x1024xf32> to vector<64x1024xf32>
    %convert_element_type3A_12 = arith.truncf %get3A_11 : vector<64x1024xf32> to vector<64x1024xbf16>
    %dot_general3A = arith.constant dense<0.000000e+00> : vector<512x1024xf32>
    %dot_general3A_13 = tpu.matmul %convert_element_type3A, %convert_element_type3A_12, %dot_general3A {dimension_numbers = #tpu.dot_dimension_numbers<[1], [0], [0], [1], [0, 0, 1, 1], [], []>, transpose_lhs_hint = false} : vector<512x64xbf16>, vector<64x1024xbf16>, vector<512x1024xf32> -> vector<512x1024xf32>
    %add3A = vector.broadcast %broadcast_in_dim3A : vector<512x1xf32> to vector<512x1024xf32>
    %add3A_14 = arith.addf %dot_general3A_13, %add3A : vector<512x1024xf32>
    %reduce_min3A = arith.constant dense<0x7F800000> : vector<1024xf32>
    %reduce_min3A_15 = vector.multi_reduction <minimumf>, %add3A_14, %reduce_min3A [0] : vector<512x1024xf32> to vector<1024xf32>
    %broadcast_in_dim3A_16 = vector.shape_cast %reduce_min3A_15 : vector<1024xf32> to vector<1x1024xf32>
    %eq3A = vector.broadcast %broadcast_in_dim3A_16 : vector<1x1024xf32> to vector<512x1024xf32>
    %eq3A_17 = arith.cmpf oeq, %add3A_14, %eq3A : vector<512x1024xf32>
    %jit3A = arith.constant 5.120000e+02 : f32
    %broadcast_in_dim3A_18 = vector.broadcast %jit3A : f32 to vector<512x1024xf32>
    %select_n3A = arith.select %eq3A_17, %convert_element_type3A_6, %broadcast_in_dim3A_18 : vector<512x1024xi1>, vector<512x1024xf32>
    %reduce_min3A_19 = arith.constant dense<0x7F800000> : vector<1024xf32>
    %reduce_min3A_20 = vector.multi_reduction <minimumf>, %select_n3A, %reduce_min3A_19 [0] : vector<512x1024xf32> to vector<1024xf32>
    %convert_element_type3A_21 = arith.fptosi %reduce_min3A_20 : vector<1024xf32> to vector<1024xi32>
    %swap3A = arith.constant 0 : index
    %swap3A_22 = arith.constant 0 : index
    %swap3A_23 = vector.load %arg3[%swap3A, %swap3A_22] : memref<8x1024xi32, #tpu.memory_space<vmem>>, vector<1x1024xi32>
    %swap3A_24 = vector.shape_cast %swap3A_23 : vector<1x1024xi32> to vector<1024xi32>
    %swap3A_25 = vector.shape_cast %convert_element_type3A_21 : vector<1024xi32> to vector<1x1024xi32>
    tpu.vector_store %arg3[%swap3A, %swap3A_22], %swap3A_25 {strides = array<i32>} : memref<8x1024xi32, #tpu.memory_space<vmem>>, vector<1x1024xi32>,
    %get3A_26 = arith.constant 1 : index
    %get3A_27 = arith.constant 0 : index
    %get3A_28 = arith.constant 0 : index
    %get3A_29 = vector.load %arg1[%get3A_26, %get3A_27, %get3A_28] : memref<8x64x1024xf32, #tpu.memory_space<vmem>>, vector<1x64x1024xf32>
    %get3A_30 = vector.shape_cast %get3A_29 : vector<1x64x1024xf32> to vector<64x1024xf32>
    %convert_element_type3A_31 = arith.truncf %get3A_30 : vector<64x1024xf32> to vector<64x1024xbf16>
    %dot_general3A_32 = arith.constant dense<0.000000e+00> : vector<512x1024xf32>
    %dot_general3A_33 = tpu.matmul %convert_element_type3A, %convert_element_type3A_31, %dot_general3A_32 {dimension_numbers = #tpu.dot_dimension_numbers<[1], [0], [0], [1], [0, 0, 1, 1], [], []>, transpose_lhs_hint = false} : vector<512x64xbf16>, vector<64x1024xbf16>, vector<512x1024xf32> -> vector<512x1024xf32>
    %add3A_34 = vector.broadcast %broadcast_in_dim3A : vector<512x1xf32> to vector<512x1024xf32>
    %add3A_35 = arith.addf %dot_general3A_33, %add3A_34 : vector<512x1024xf32>
    %reduce_min3A_36 = arith.constant dense<0x7F800000> : vector<1024xf32>
    %reduce_min3A_37 = vector.multi_reduction <minimumf>, %add3A_35, %reduce_min3A_36 [0] : vector<512x1024xf32> to vector<1024xf32>
    %broadcast_in_dim3A_38 = vector.shape_cast %reduce_min3A_37 : vector<1024xf32> to vector<1x1024xf32>
    %eq3A_39 = vector.broadcast %broadcast_in_dim3A_38 : vector<1x1024xf32> to vector<512x1024xf32>
    %eq3A_40 = arith.cmpf oeq, %add3A_35, %eq3A_39 : vector<512x1024xf32>
    %jit3A_41 = arith.constant 5.120000e+02 : f32
    %broadcast_in_dim3A_42 = vector.broadcast %jit3A_41 : f32 to vector<512x1024xf32>
    %select_n3A_43 = arith.select %eq3A_40, %convert_element_type3A_6, %broadcast_in_dim3A_42 : vector<512x1024xi1>, vector<512x1024xf32>
    %reduce_min3A_44 = arith.constant dense<0x7F800000> : vector<1024xf32>
    %reduce_min3A_45 = vector.multi_reduction <minimumf>, %select_n3A_43, %reduce_min3A_44 [0] : vector<512x1024xf32> to vector<1024xf32>
    %convert_element_type3A_46 = arith.fptosi %reduce_min3A_45 : vector<1024xf32> to vector<1024xi32>
    %swap3A_47 = arith.constant 1 : index
    %swap3A_48 = arith.constant 0 : index
    %swap3A_49 = vector.load %arg3[%swap3A_47, %swap3A_48] : memref<8x1024xi32, #tpu.memory_space<vmem>>, vector<1x1024xi32>
    %swap3A_50 = vector.shape_cast %swap3A_49 : vector<1x1024xi32> to vector<1024xi32>
    %swap3A_51 = vector.shape_cast %convert_element_type3A_46 : vector<1024xi32> to vector<1x1024xi32>
    tpu.vector_store %arg3[%swap3A_47, %swap3A_48], %swap3A_51 {strides = array<i32>} : memref<8x1024xi32, #tpu.memory_space<vmem>>, vector<1x1024xi32>,
    %get3A_52 = arith.constant 2 : index
    %get3A_53 = arith.constant 0 : index
    %get3A_54 = arith.constant 0 : index
    %get3A_55 = vector.load %arg1[%get3A_52, %get3A_53, %get3A_54] : memref<8x64x1024xf32, #tpu.memory_space<vmem>>, vector<1x64x1024xf32>
    %get3A_56 = vector.shape_cast %get3A_55 : vector<1x64x1024xf32> to vector<64x1024xf32>
    %convert_element_type3A_57 = arith.truncf %get3A_56 : vector<64x1024xf32> to vector<64x1024xbf16>
    %dot_general3A_58 = arith.constant dense<0.000000e+00> : vector<512x1024xf32>
    %dot_general3A_59 = tpu.matmul %convert_element_type3A, %convert_element_type3A_57, %dot_general3A_58 {dimension_numbers = #tpu.dot_dimension_numbers<[1], [0], [0], [1], [0, 0, 1, 1], [], []>, transpose_lhs_hint = false} : vector<512x64xbf16>, vector<64x1024xbf16>, vector<512x1024xf32> -> vector<512x1024xf32>
    %add3A_60 = vector.broadcast %broadcast_in_dim3A : vector<512x1xf32> to vector<512x1024xf32>
    %add3A_61 = arith.addf %dot_general3A_59, %add3A_60 : vector<512x1024xf32>
    %reduce_min3A_62 = arith.constant dense<0x7F800000> : vector<1024xf32>
    %reduce_min3A_63 = vector.multi_reduction <minimumf>, %add3A_61, %reduce_min3A_62 [0] : vector<512x1024xf32> to vector<1024xf32>
    %broadcast_in_dim3A_64 = vector.shape_cast %reduce_min3A_63 : vector<1024xf32> to vector<1x1024xf32>
    %eq3A_65 = vector.broadcast %broadcast_in_dim3A_64 : vector<1x1024xf32> to vector<512x1024xf32>
    %eq3A_66 = arith.cmpf oeq, %add3A_61, %eq3A_65 : vector<512x1024xf32>
    %jit3A_67 = arith.constant 5.120000e+02 : f32
    %broadcast_in_dim3A_68 = vector.broadcast %jit3A_67 : f32 to vector<512x1024xf32>
    %select_n3A_69 = arith.select %eq3A_66, %convert_element_type3A_6, %broadcast_in_dim3A_68 : vector<512x1024xi1>, vector<512x1024xf32>
    %reduce_min3A_70 = arith.constant dense<0x7F800000> : vector<1024xf32>
    %reduce_min3A_71 = vector.multi_reduction <minimumf>, %select_n3A_69, %reduce_min3A_70 [0] : vector<512x1024xf32> to vector<1024xf32>
    %convert_element_type3A_72 = arith.fptosi %reduce_min3A_71 : vector<1024xf32> to vector<1024xi32>
    %swap3A_73 = arith.constant 2 : index
    %swap3A_74 = arith.constant 0 : index
    %swap3A_75 = vector.load %arg3[%swap3A_73, %swap3A_74] : memref<8x1024xi32, #tpu.memory_space<vmem>>, vector<1x1024xi32>
    %swap3A_76 = vector.shape_cast %swap3A_75 : vector<1x1024xi32> to vector<1024xi32>
    %swap3A_77 = vector.shape_cast %convert_element_type3A_72 : vector<1024xi32> to vector<1x1024xi32>
    tpu.vector_store %arg3[%swap3A_73, %swap3A_74], %swap3A_77 {strides = array<i32>} : memref<8x1024xi32, #tpu.memory_space<vmem>>, vector<1x1024xi32>,
    %get3A_78 = arith.constant 3 : index
    %get3A_79 = arith.constant 0 : index
    %get3A_80 = arith.constant 0 : index
    %get3A_81 = vector.load %arg1[%get3A_78, %get3A_79, %get3A_80] : memref<8x64x1024xf32, #tpu.memory_space<vmem>>, vector<1x64x1024xf32>
    %get3A_82 = vector.shape_cast %get3A_81 : vector<1x64x1024xf32> to vector<64x1024xf32>
    %convert_element_type3A_83 = arith.truncf %get3A_82 : vector<64x1024xf32> to vector<64x1024xbf16>
    %dot_general3A_84 = arith.constant dense<0.000000e+00> : vector<512x1024xf32>
    %dot_general3A_85 = tpu.matmul %convert_element_type3A, %convert_element_type3A_83, %dot_general3A_84 {dimension_numbers = #tpu.dot_dimension_numbers<[1], [0], [0], [1], [0, 0, 1, 1], [], []>, transpose_lhs_hint = false} : vector<512x64xbf16>, vector<64x1024xbf16>, vector<512x1024xf32> -> vector<512x1024xf32>
    %add3A_86 = vector.broadcast %broadcast_in_dim3A : vector<512x1xf32> to vector<512x1024xf32>
    %add3A_87 = arith.addf %dot_general3A_85, %add3A_86 : vector<512x1024xf32>
    %reduce_min3A_88 = arith.constant dense<0x7F800000> : vector<1024xf32>
    %reduce_min3A_89 = vector.multi_reduction <minimumf>, %add3A_87, %reduce_min3A_88 [0] : vector<512x1024xf32> to vector<1024xf32>
    %broadcast_in_dim3A_90 = vector.shape_cast %reduce_min3A_89 : vector<1024xf32> to vector<1x1024xf32>
    %eq3A_91 = vector.broadcast %broadcast_in_dim3A_90 : vector<1x1024xf32> to vector<512x1024xf32>
    %eq3A_92 = arith.cmpf oeq, %add3A_87, %eq3A_91 : vector<512x1024xf32>
    %jit3A_93 = arith.constant 5.120000e+02 : f32
    %broadcast_in_dim3A_94 = vector.broadcast %jit3A_93 : f32 to vector<512x1024xf32>
    %select_n3A_95 = arith.select %eq3A_92, %convert_element_type3A_6, %broadcast_in_dim3A_94 : vector<512x1024xi1>, vector<512x1024xf32>
    %reduce_min3A_96 = arith.constant dense<0x7F800000> : vector<1024xf32>
    %reduce_min3A_97 = vector.multi_reduction <minimumf>, %select_n3A_95, %reduce_min3A_96 [0] : vector<512x1024xf32> to vector<1024xf32>
    %convert_element_type3A_98 = arith.fptosi %reduce_min3A_97 : vector<1024xf32> to vector<1024xi32>
    %swap3A_99 = arith.constant 3 : index
    %swap3A_100 = arith.constant 0 : index
    %swap3A_101 = vector.load %arg3[%swap3A_99, %swap3A_100] : memref<8x1024xi32, #tpu.memory_space<vmem>>, vector<1x1024xi32>
    %swap3A_102 = vector.shape_cast %swap3A_101 : vector<1x1024xi32> to vector<1024xi32>
    %swap3A_103 = vector.shape_cast %convert_element_type3A_98 : vector<1024xi32> to vector<1x1024xi32>
    tpu.vector_store %arg3[%swap3A_99, %swap3A_100], %swap3A_103 {strides = array<i32>} : memref<8x1024xi32, #tpu.memory_space<vmem>>, vector<1x1024xi32>,
    %get3A_104 = arith.constant 4 : index
    %get3A_105 = arith.constant 0 : index
    %get3A_106 = arith.constant 0 : index
    %get3A_107 = vector.load %arg1[%get3A_104, %get3A_105, %get3A_106] : memref<8x64x1024xf32, #tpu.memory_space<vmem>>, vector<1x64x1024xf32>
    %get3A_108 = vector.shape_cast %get3A_107 : vector<1x64x1024xf32> to vector<64x1024xf32>
    %convert_element_type3A_109 = arith.truncf %get3A_108 : vector<64x1024xf32> to vector<64x1024xbf16>
    %dot_general3A_110 = arith.constant dense<0.000000e+00> : vector<512x1024xf32>
    %dot_general3A_111 = tpu.matmul %convert_element_type3A, %convert_element_type3A_109, %dot_general3A_110 {dimension_numbers = #tpu.dot_dimension_numbers<[1], [0], [0], [1], [0, 0, 1, 1], [], []>, transpose_lhs_hint = false} : vector<512x64xbf16>, vector<64x1024xbf16>, vector<512x1024xf32> -> vector<512x1024xf32>
    %add3A_112 = vector.broadcast %broadcast_in_dim3A : vector<512x1xf32> to vector<512x1024xf32>
    %add3A_113 = arith.addf %dot_general3A_111, %add3A_112 : vector<512x1024xf32>
    %reduce_min3A_114 = arith.constant dense<0x7F800000> : vector<1024xf32>
    %reduce_min3A_115 = vector.multi_reduction <minimumf>, %add3A_113, %reduce_min3A_114 [0] : vector<512x1024xf32> to vector<1024xf32>
    %broadcast_in_dim3A_116 = vector.shape_cast %reduce_min3A_115 : vector<1024xf32> to vector<1x1024xf32>
    %eq3A_117 = vector.broadcast %broadcast_in_dim3A_116 : vector<1x1024xf32> to vector<512x1024xf32>
    %eq3A_118 = arith.cmpf oeq, %add3A_113, %eq3A_117 : vector<512x1024xf32>
    %jit3A_119 = arith.constant 5.120000e+02 : f32
    %broadcast_in_dim3A_120 = vector.broadcast %jit3A_119 : f32 to vector<512x1024xf32>
    %select_n3A_121 = arith.select %eq3A_118, %convert_element_type3A_6, %broadcast_in_dim3A_120 : vector<512x1024xi1>, vector<512x1024xf32>
    %reduce_min3A_122 = arith.constant dense<0x7F800000> : vector<1024xf32>
    %reduce_min3A_123 = vector.multi_reduction <minimumf>, %select_n3A_121, %reduce_min3A_122 [0] : vector<512x1024xf32> to vector<1024xf32>
    %convert_element_type3A_124 = arith.fptosi %reduce_min3A_123 : vector<1024xf32> to vector<1024xi32>
    %swap3A_125 = arith.constant 4 : index
    %swap3A_126 = arith.constant 0 : index
    %swap3A_127 = vector.load %arg3[%swap3A_125, %swap3A_126] : memref<8x1024xi32, #tpu.memory_space<vmem>>, vector<1x1024xi32>
    %swap3A_128 = vector.shape_cast %swap3A_127 : vector<1x1024xi32> to vector<1024xi32>
    %swap3A_129 = vector.shape_cast %convert_element_type3A_124 : vector<1024xi32> to vector<1x1024xi32>
    tpu.vector_store %arg3[%swap3A_125, %swap3A_126], %swap3A_129 {strides = array<i32>} : memref<8x1024xi32, #tpu.memory_space<vmem>>, vector<1x1024xi32>,
    %get3A_130 = arith.constant 5 : index
    %get3A_131 = arith.constant 0 : index
    %get3A_132 = arith.constant 0 : index
    %get3A_133 = vector.load %arg1[%get3A_130, %get3A_131, %get3A_132] : memref<8x64x1024xf32, #tpu.memory_space<vmem>>, vector<1x64x1024xf32>
    %get3A_134 = vector.shape_cast %get3A_133 : vector<1x64x1024xf32> to vector<64x1024xf32>
    %convert_element_type3A_135 = arith.truncf %get3A_134 : vector<64x1024xf32> to vector<64x1024xbf16>
    %dot_general3A_136 = arith.constant dense<0.000000e+00> : vector<512x1024xf32>
    %dot_general3A_137 = tpu.matmul %convert_element_type3A, %convert_element_type3A_135, %dot_general3A_136 {dimension_numbers = #tpu.dot_dimension_numbers<[1], [0], [0], [1], [0, 0, 1, 1], [], []>, transpose_lhs_hint = false} : vector<512x64xbf16>, vector<64x1024xbf16>, vector<512x1024xf32> -> vector<512x1024xf32>
    %add3A_138 = vector.broadcast %broadcast_in_dim3A : vector<512x1xf32> to vector<512x1024xf32>
    %add3A_139 = arith.addf %dot_general3A_137, %add3A_138 : vector<512x1024xf32>
    %reduce_min3A_140 = arith.constant dense<0x7F800000> : vector<1024xf32>
    %reduce_min3A_141 = vector.multi_reduction <minimumf>, %add3A_139, %reduce_min3A_140 [0] : vector<512x1024xf32> to vector<1024xf32>
    %broadcast_in_dim3A_142 = vector.shape_cast %reduce_min3A_141 : vector<1024xf32> to vector<1x1024xf32>
    %eq3A_143 = vector.broadcast %broadcast_in_dim3A_142 : vector<1x1024xf32> to vector<512x1024xf32>
    %eq3A_144 = arith.cmpf oeq, %add3A_139, %eq3A_143 : vector<512x1024xf32>
    %jit3A_145 = arith.constant 5.120000e+02 : f32
    %broadcast_in_dim3A_146 = vector.broadcast %jit3A_145 : f32 to vector<512x1024xf32>
    %select_n3A_147 = arith.select %eq3A_144, %convert_element_type3A_6, %broadcast_in_dim3A_146 : vector<512x1024xi1>, vector<512x1024xf32>
    %reduce_min3A_148 = arith.constant dense<0x7F800000> : vector<1024xf32>
    %reduce_min3A_149 = vector.multi_reduction <minimumf>, %select_n3A_147, %reduce_min3A_148 [0] : vector<512x1024xf32> to vector<1024xf32>
    %convert_element_type3A_150 = arith.fptosi %reduce_min3A_149 : vector<1024xf32> to vector<1024xi32>
    %swap3A_151 = arith.constant 5 : index
    %swap3A_152 = arith.constant 0 : index
    %swap3A_153 = vector.load %arg3[%swap3A_151, %swap3A_152] : memref<8x1024xi32, #tpu.memory_space<vmem>>, vector<1x1024xi32>
    %swap3A_154 = vector.shape_cast %swap3A_153 : vector<1x1024xi32> to vector<1024xi32>
    %swap3A_155 = vector.shape_cast %convert_element_type3A_150 : vector<1024xi32> to vector<1x1024xi32>
    tpu.vector_store %arg3[%swap3A_151, %swap3A_152], %swap3A_155 {strides = array<i32>} : memref<8x1024xi32, #tpu.memory_space<vmem>>, vector<1x1024xi32>,
    %get3A_156 = arith.constant 6 : index
    %get3A_157 = arith.constant 0 : index
    %get3A_158 = arith.constant 0 : index
    %get3A_159 = vector.load %arg1[%get3A_156, %get3A_157, %get3A_158] : memref<8x64x1024xf32, #tpu.memory_space<vmem>>, vector<1x64x1024xf32>
    %get3A_160 = vector.shape_cast %get3A_159 : vector<1x64x1024xf32> to vector<64x1024xf32>
    %convert_element_type3A_161 = arith.truncf %get3A_160 : vector<64x1024xf32> to vector<64x1024xbf16>
    %dot_general3A_162 = arith.constant dense<0.000000e+00> : vector<512x1024xf32>
    %dot_general3A_163 = tpu.matmul %convert_element_type3A, %convert_element_type3A_161, %dot_general3A_162 {dimension_numbers = #tpu.dot_dimension_numbers<[1], [0], [0], [1], [0, 0, 1, 1], [], []>, transpose_lhs_hint = false} : vector<512x64xbf16>, vector<64x1024xbf16>, vector<512x1024xf32> -> vector<512x1024xf32>
    %add3A_164 = vector.broadcast %broadcast_in_dim3A : vector<512x1xf32> to vector<512x1024xf32>
    %add3A_165 = arith.addf %dot_general3A_163, %add3A_164 : vector<512x1024xf32>
    %reduce_min3A_166 = arith.constant dense<0x7F800000> : vector<1024xf32>
    %reduce_min3A_167 = vector.multi_reduction <minimumf>, %add3A_165, %reduce_min3A_166 [0] : vector<512x1024xf32> to vector<1024xf32>
    %broadcast_in_dim3A_168 = vector.shape_cast %reduce_min3A_167 : vector<1024xf32> to vector<1x1024xf32>
    %eq3A_169 = vector.broadcast %broadcast_in_dim3A_168 : vector<1x1024xf32> to vector<512x1024xf32>
    %eq3A_170 = arith.cmpf oeq, %add3A_165, %eq3A_169 : vector<512x1024xf32>
    %jit3A_171 = arith.constant 5.120000e+02 : f32
    %broadcast_in_dim3A_172 = vector.broadcast %jit3A_171 : f32 to vector<512x1024xf32>
    %select_n3A_173 = arith.select %eq3A_170, %convert_element_type3A_6, %broadcast_in_dim3A_172 : vector<512x1024xi1>, vector<512x1024xf32>
    %reduce_min3A_174 = arith.constant dense<0x7F800000> : vector<1024xf32>
    %reduce_min3A_175 = vector.multi_reduction <minimumf>, %select_n3A_173, %reduce_min3A_174 [0] : vector<512x1024xf32> to vector<1024xf32>
    %convert_element_type3A_176 = arith.fptosi %reduce_min3A_175 : vector<1024xf32> to vector<1024xi32>
    %swap3A_177 = arith.constant 6 : index
    %swap3A_178 = arith.constant 0 : index
    %swap3A_179 = vector.load %arg3[%swap3A_177, %swap3A_178] : memref<8x1024xi32, #tpu.memory_space<vmem>>, vector<1x1024xi32>
    %swap3A_180 = vector.shape_cast %swap3A_179 : vector<1x1024xi32> to vector<1024xi32>
    %swap3A_181 = vector.shape_cast %convert_element_type3A_176 : vector<1024xi32> to vector<1x1024xi32>
    tpu.vector_store %arg3[%swap3A_177, %swap3A_178], %swap3A_181 {strides = array<i32>} : memref<8x1024xi32, #tpu.memory_space<vmem>>, vector<1x1024xi32>,
    %get3A_182 = arith.constant 7 : index
    %get3A_183 = arith.constant 0 : index
    %get3A_184 = arith.constant 0 : index
    %get3A_185 = vector.load %arg1[%get3A_182, %get3A_183, %get3A_184] : memref<8x64x1024xf32, #tpu.memory_space<vmem>>, vector<1x64x1024xf32>
    %get3A_186 = vector.shape_cast %get3A_185 : vector<1x64x1024xf32> to vector<64x1024xf32>
    %convert_element_type3A_187 = arith.truncf %get3A_186 : vector<64x1024xf32> to vector<64x1024xbf16>
    %dot_general3A_188 = arith.constant dense<0.000000e+00> : vector<512x1024xf32>
    %dot_general3A_189 = tpu.matmul %convert_element_type3A, %convert_element_type3A_187, %dot_general3A_188 {dimension_numbers = #tpu.dot_dimension_numbers<[1], [0], [0], [1], [0, 0, 1, 1], [], []>, transpose_lhs_hint = false} : vector<512x64xbf16>, vector<64x1024xbf16>, vector<512x1024xf32> -> vector<512x1024xf32>
    %add3A_190 = vector.broadcast %broadcast_in_dim3A : vector<512x1xf32> to vector<512x1024xf32>
    %add3A_191 = arith.addf %dot_general3A_189, %add3A_190 : vector<512x1024xf32>
    %reduce_min3A_192 = arith.constant dense<0x7F800000> : vector<1024xf32>
    %reduce_min3A_193 = vector.multi_reduction <minimumf>, %add3A_191, %reduce_min3A_192 [0] : vector<512x1024xf32> to vector<1024xf32>
    %broadcast_in_dim3A_194 = vector.shape_cast %reduce_min3A_193 : vector<1024xf32> to vector<1x1024xf32>
    %eq3A_195 = vector.broadcast %broadcast_in_dim3A_194 : vector<1x1024xf32> to vector<512x1024xf32>
    %eq3A_196 = arith.cmpf oeq, %add3A_191, %eq3A_195 : vector<512x1024xf32>
    %jit3A_197 = arith.constant 5.120000e+02 : f32
    %broadcast_in_dim3A_198 = vector.broadcast %jit3A_197 : f32 to vector<512x1024xf32>
    %select_n3A_199 = arith.select %eq3A_196, %convert_element_type3A_6, %broadcast_in_dim3A_198 : vector<512x1024xi1>, vector<512x1024xf32>
    %reduce_min3A_200 = arith.constant dense<0x7F800000> : vector<1024xf32>
    %reduce_min3A_201 = vector.multi_reduction <minimumf>, %select_n3A_199, %reduce_min3A_200 [0] : vector<512x1024xf32> to vector<1024xf32>
    %convert_element_type3A_202 = arith.fptosi %reduce_min3A_201 : vector<1024xf32> to vector<1024xi32>
    %swap3A_203 = arith.constant 7 : index
    %swap3A_204 = arith.constant 0 : index
    %swap3A_205 = vector.load %arg3[%swap3A_203, %swap3A_204] : memref<8x1024xi32, #tpu.memory_space<vmem>>, vector<1x1024xi32>
    %swap3A_206 = vector.shape_cast %swap3A_205 : vector<1x1024xi32> to vector<1024xi32>
    %swap3A_207 = vector.shape_cast %convert_element_type3A_202 : vector<1024xi32> to vector<1x1024xi32>
    tpu.vector_store %arg3[%swap3A_203, %swap3A_204], %swap3A_207 {strides = array<i32>} : memref<8x1024xi32, #tpu.memory_space<vmem>>, vector<1x1024xi32>,
    return
  }
  func.func @transform_0(%arg0: i32) -> (i32, i32, i32) {
    %c0_i32 = arith.constant 0 : i32
    %c0_i32_0 = arith.constant 0 : i32
    %c0_i32_1 = arith.constant 0 : i32
    return %arg0, %c0_i32, %c0_i32_0 : i32, i32, i32
  }
  func.func @transform_1(%arg0: i32) -> (i32, i32) {
    %c0_i32 = arith.constant 0 : i32
    %c0_i32_0 = arith.constant 0 : i32
    %c0_i32_1 = arith.constant 0 : i32
    return %c0_i32, %c0_i32_0 : i32, i32
  }
  func.func @transform_2(%arg0: i32) -> (i32, i32) {
    %c0_i32 = arith.constant 0 : i32
    %c0_i32_0 = arith.constant 0 : i32
    return %arg0, %c0_i32 : i32, i32
  }
}

</mosaic_0001>

<sc_bundles>
// kernel: kernel.4.cloned.1.call-start
scs
__scs_entry_jumppad:
0x0: {  	(pc) =	sbr.rel $0x88, $3  }
0x1: {  	(tag) =	ssettag $0x0;
	lr =	simm.s32 $0x1  }
0x2: {  	[smem:$0x3F9F] =	sst lr;
	_ =	strace $0xD0000000  }
0x3: {  	_ = 	snop  }
0x4: {  	_ = 	snop  }
0x5: {  	_ = 	snop  }
0x6: {  	_ = 	snop  }
0x7: {  	_ = 	snop  }
__scs_overlays_trampoline_lowered:
0x8: {  	[smem:$0x3FAE] =	sst s0  }
0x9: {  	[smem:$0x3FAF] =	sst s1  }
0xa: {  	[smem:$0x3FB0] =	sst s2  }
0xb: {  	[smem:$0x3FB1] =	sst s3  }
0xc: {  	[smem:$0x3FB2] =	sst s4  }
0xd: {  	[smem:$0x3FB3] =	sst s5  }
0xe: {  	[smem:$0x3FB4] =	sst s6  }
0xf: {  	[smem:$0x3FB5] =	sst s7  }
0x10: {  	[smem:$0x3FB6] =	sst s8  }
0x11: {  	[smem:$0x3FB7] =	sst s9;
	s0 =	simm.s32 @!p0 $0x0  }
0x12: {  	s1 =	sld [smem:$0x3F9D];
	s0 =	simm.s32 @p0 $0x1  }
0x13: {  	[smem:$0x3FB8] =	sst s0;
	s0 =	simm.s32 @!p1 $0x0  }
0x14: {  	s2 =	sld [smem:$0x3F9C];
	s0 =	simm.s32 @p1 $0x1  }
0x15: {  	[smem:$0x3FB9] =	sst s0;
	s0 =	simm.s32 @!p2 $0x0  }
0x16: {  	s3 =	sld [smem:$0x3FDB];
	s0 =	simm.s32 @p2 $0x1  }
0x17: {  	s4 =	simm.s32 $0x1BF5;
	[smem:$0x3FBB] =	sst s0  }
0x18: {  	s0 =	sld [smem:$0x3F9E];
	_ =	swait.ge [sflag:s4], $0x0  }
0x19: {  	s7 =	sld [smem:$0x3F9F]  }
0x1a: {  	s8 =	sadd.s32 $0xFFFFE003, lr  }
0x1b: {  	s9 =	sadd.s32 $0xFFFFFEF7, lr;
	s5 =	simm.s32 $0xFFFFFFFF;
	p2 =	slt.u32 s8, $0xFFFFF086  }
0x1c: {  	p1 =	slt.u32 s9, $0xF7A;
	s5 =	simm.s32 @!p2 $0x0  }
0x1d: {  	s5 =	simm.s32 @p1 $0x1;
	p0 =	seq.s32 s7, s2  }
0x1e: {  	s7 =	smul.u32 @!p0 $0xF7A, s2;
	p2 =	seq.s32 @!p0 s5, $0x0  }
0x1f: {  	s9 =	smul.u32 $0xF7A, s1;
	s8 =	simm.s32 @!p0 $0x1BF5;
	p2 =	por !p2, p0  }
0x20: {  	[sflag:s8] =	ssyncset.s32 @!p0 $0xFFFFF086;
	s6 =	sadd.s32 @!p0 s3, s7;
	s7 =	simm.s32 @!p0 $0x108  }
0x21: {  	s3 =	sadd.s32 s3, s9;
	s6 =	sadd.s32 @!p0 $0x88, s6;
	s7 =	simm.s32 @p2 $0x1082  }
0x22: {  	[simem:s7], [sflag:s8] =	dma.local @!p0 [hbm:s6], $0xF7A  }
0x23: {  	s9 =	sor.u32 $0xD0000000, s2;
	s6 =	simm.s32 $0x108;
	_ =	swait.ge @!p0 [sflag:s8], $0x0  }
0x24: {  	s3 =	sadd.s32 $0x88, s3;
	s6 =	simm.s32 @!p1 $0x1082;
	[sflag:s4] =	ssyncset.s32 $0xFFFFF086  }
0x25: {  	[simem:s6], [sflag:s4] =	dma.local [hbm:s3], $0xF7A  }
0x26: {  	[smem:$0x3F9F] =	sst s1;
	(tag) =	ssettag s2;
	_ =	strace s9  }
0x27: {  	s1 =	sld [smem:$0x3FAF]  }
0x28: {  	s2 =	sld [smem:$0x3FB0]  }
0x29: {  	s4 =	sld [smem:$0x3FB2]  }
0x2a: {  	p0 =	seq.s32 s5, $0x0;
	s5 =	sld [smem:$0x3FB3]  }
0x2b: {  	s6 =	sld [smem:$0x3FB4]  }
0x2c: {  	s7 =	sld [smem:$0x3FB5]  }
0x2d: {  	s3 =	simm.s32 $0x108;
	s8 =	sld [smem:$0x3FB6]  }
0x2e: {  	s3 =	simm.s32 @!p0 $0x1082;
	s9 =	sld [smem:$0x3FB7]  }
0x2f: {  	lr =	sadd.s32 s0, s3;
	s0 =	sld [smem:$0x3FAE]  }
0x30: {  	s3 =	sld [smem:$0x3FB1]  }
0x31: {  	[smem:$0x3FBA] =	sst s10  }
0x32: {  	s10 =	sld [smem:$0x3FB8];
	_ =	sdelay $0x3  }
0x33: {  	p0 =	seq.s32 s10, $0x1;
	s10 =	sld [smem:$0x3FBA];
	_ =	sdelay $0x3  }
0x34: {  	[smem:$0x3FBA] =	sst s10  }
0x35: {  	s10 =	sld [smem:$0x3FB9];
	_ =	sdelay $0x3  }
0x36: {  	p1 =	seq.s32 s10, $0x1;
	s10 =	sld [smem:$0x3FBA];
	_ =	sdelay $0x3  }
0x37: {  	[smem:$0x3FBA] =	sst s10  }
0x38: {  	s10 =	sld [smem:$0x3FBB]  }
0x39: {  	_ = 	snop;
	(pc) =	sbr.ind lr, $3  }
0x3a: {  	_ = 	snop  }
0x3b: {  	_ = 	snop  }
0x3c: {  	p2 =	seq.s32 s10, $0x1;
	s10 =	sld [smem:$0x3FBA]  }
0x3d: {  	_ =	shalt  }
0x3e: {  	_ =	shalt  }
0x3f: {  	_ =	shalt  }
0x40: {  	_ =	shalt  }
0x41: {  	_ =	shalt  }
0x42: {  	_ =	shalt  }
0x43: {  	_ =	shalt  }
0x44: {  	_ =	shalt  }
0x45: {  	_ =	shalt  }
0x46: {  	_ =	shalt  }
0x47: {  	_ =	shalt  }
0x48: {  	_ =	shalt  }
0x49: {  	_ =	shalt  }
0x4a: {  	_ =	shalt  }
0x4b: {  	_ =	shalt  }
0x4c: {  	_ =	shalt  }
0x4d: {  	_ =	shalt  }
0x4e: {  	_ =	shalt  }
0x4f: {  	_ =	shalt  }
0x50: {  	_ =	shalt  }
0x51: {  	_ =	shalt  }
0x52: {  	_ =	shalt  }
0x53: {  	_ =	shalt  }
0x54: {  	_ =	shalt  }
0x55: {  	_ =	shalt  }
0x56: {  	_ =	shalt  }
0x57: {  	_ =	shalt  }
0x58: {  	_ =	shalt  }
0x59: {  	_ =	shalt  }
0x5a: {  	_ =	shalt  }
0x5b: {  	_ =	shalt  }
0x5c: {  	_ =	shalt  }
0x5d: {  	_ =	shalt  }
0x5e: {  	_ =	shalt  }
0x5f: {  	_ =	shalt  }
0x60: {  	_ =	shalt  }
0x61: {  	_ =	shalt  }
0x62: {  	_ =	shalt  }
0x63: {  	_ =	shalt  }
0x64: {  	_ =	shalt  }
0x65: {  	_ =	shalt  }
0x66: {  	_ =	shalt  }
0x67: {  	_ =	shalt  }
0x68: {  	_ =	shalt  }
0x69: {  	_ =	shalt  }
0x6a: {  	_ =	shalt  }
0x6b: {  	_ =	shalt  }
0x6c: {  	_ =	shalt  }
0x6d: {  	_ =	shalt  }
0x6e: {  	_ =	shalt  }
0x6f: {  	_ =	shalt  }
0x70: {  	_ =	shalt  }
0x71: {  	_ =	shalt  }
0x72: {  	_ =	shalt  }
0x73: {  	_ =	shalt  }
0x74: {  	_ =	shalt  }
0x75: {  	_ =	shalt  }
0x76: {  	_ =	shalt  }
0x77: {  	_ =	shalt  }
0x78: {  	_ =	shalt  }
0x79: {  	_ =	shalt  }
0x7a: {  	_ =	shalt  }
0x7b: {  	_ =	shalt  }
0x7c: {  	_ =	shalt  }
0x7d: {  	_ =	shalt  }
0x7e: {  	_ =	shalt  }
0x7f: {  	_ =	shalt  }
0x80: {  	_ =	shalt  }
0x81: {  	_ =	shalt  }
0x82: {  	_ =	shalt  }
0x83: {  	_ =	shalt  }
0x84: {  	_ =	shalt  }
0x85: {  	_ =	shalt  }
0x86: {  	_ =	shalt  }
0x87: {  	_ =	shalt  }
.Lfunc_end0:
.L_simem_size_0:
called_computation_lowered:
.L_overlay_start_0:
0x88: {  	s2 =	sld [smem:$0x3FD9]  }
0x89: {  	s3 =	sld [smem:$0x3FFE];
	_ =	sdelay $0x1  }
0x8a: {  	s1 =	srdreg.scid  }
0x8b: {  	s0 =	sand.u32 $0x1, s1  }
0x8c: {  	s17 =	sshll.u32 s0, $0xA;
	s2 =	sadd.s32 s3, s2  }
0x8d: {  	s2 =	sadd.s32 s2, s17  }
0x8e: {  	[smem:$0x3FC6] =	sst s2  }
0x8f: {  	_ = 	snop  }
0x90: {  	s2 =	sld [smem:$0x3FD0];
	(tm) =	ssettm $0x1  }
0x91: {  	s18 =	sld [smem:$0x3FFB];
	_ =	sdelay $0x3  }
0x92: {  	_ =	strace s18  }
0x93: {  	s3 =	sld [smem:$0x3FFC];
	_ =	sdelay $0x3  }
0x94: {  	_ =	strace s3  }
0x95: {  	s3 =	sld [smem:$0x3FFD];
	_ =	sdelay $0x3  }
0x96: {  	_ =	strace s3  }
0x97: {  	_ =	strace $0x8FFFFFFF  }
0x98: {  	s19 =	sld [smem:$0x3FDB];
	_ =	sdelay $0x1  }
0x99: {  	s4 =	simm.s32 $_scs_section_size  }
0x9a: {  	s5 =	simm.s32 $_size__tile_overlayer_lowered;
	s6 =	simm.s32 $_tile_overlayer_lowered  }
0x9b: {  	s22 =	simm.s32 $0x1BFF;
	s21 =	sshll.u32 s6, $0x1;
	s3 =	sadd.s32 s4, s19  }
0x9c: {  	s7 =	simm.s32 $0x0;
	s20 =	sshll.u32 s5, $0x1;
	s5 =	sadd.s32 s21, s3  }
0x9d: {  	[timem:s7], [sflag:s22] =	dma.local [hbm:s5], s20  }
0x9e: {  	_ =	swait.ge [sflag:s22], s20  }
0x9f: {  	s4 =	ssub.s32 $0x0, s20;
	[sflag:s22] =	ssyncset.done $0x0  }
0xa0: {  	[sflag:s22] =	ssyncadd.s32 s4;
	_ =	sdelay $0x1  }
0xa1: {  	s23 =	simm.s32 $0x1B8B  }
0xa2: {  	_ =	swait.ge [sflag:s23], $0x1  }
0xa3: {  	[sflag:s23] =	ssyncset.done $0x0  }
0xa4: {  	s25 =	simm.s32 $0x1B8E;
	s24 =	sld [smem:$0x3FFE];
	[sflag:s23] =	ssyncadd.s32 $0xFFFFFFFF  }
0xa5: {  	s26 =	simm.s32 $execute0_lowered;
	[smem:$0x3FD2] =	sst s25  }
0xa6: {  	s5 =	sshll.u32 s26, $0x1;
	_ =	strace $0x80000046;
	[dreg:$0x1] =	wrdreg $0xFFFFFFFF  }
0xa7: {  	s28 =	simm.s32 $_size_execute0_lowered;
	s3 =	sadd.s32 s3, s5;
	[dreg:$0x0] =	wrdreg $0x0  }
0xa8: {  	s5 =	sshll.u32 s28, $0x1;
	[dreg:$0x2] =	wrdreg s3  }
0xa9: {  	[dreg:$0x3] =	wrdreg s5  }
0xaa: {  	[dreg:$0x4] =	wrdreg $0xC0  }
0xab: {  	_ =	task [dreg:s7], $0x5FFFF  }
0xac: {  	[dreg:$0x1] =	wrdreg $0xFFFFFFFF  }
0xad: {  	[dreg:$0x0] =	wrdreg $0x60  }
0xae: {  	[dreg:$0x2] =	wrdreg s2  }
0xaf: {  	[dreg:$0x3] =	wrdreg s24  }
0xb0: {  	[dreg:$0x4] =	wrdreg $0x9  }
0xb1: {  	_ =	task.clear_ibuf [dreg:s7], $0x5FFFF;
	_ =	strace $0x90000046  }
0xb2: {  	s29 =	simm.s32 $0x9;
	_ =	strace $0x80000048  }
0xb3: {  	_ =	swait.ge [sflag:s29], $0x1  }
0xb4: {  	[sflag:s29] =	ssyncadd.s32 $0xFFFFFFFF  }
0xb5: {  	_ =	strace $0x90000048  }
0xb6: {  	_ =	sfence  }
0xb7: {  	s30 =	sld [smem:$0x0];
	_ =	sdelay $0x2  }
0xb8: {  	s31 =	sshll.u32 s1, $0xD;
	s1 =	sshrl.u32 s1, $0x2  }
0xb9: {  	s3 =	sand.u32 $0x4000, s31;
	s1 =	sadd.s32 s1, s30  }
0xba: {  	s0 =	sor.u32 s3, s0;
	s1 =	sshll.u32 s1, $0x11  }
0xbb: {  	s0 =	sor.u32 s1, s0  }
0xbc: {  	s0 =	sadd.s32 $0x8F2B, s0  }
0xbd: {  	[sflag:s0] =	ssyncadd.remote.s32 $0x1  }
0xbe: {  	_ =	sfence.sel $0xFFFF  }
0xbf: {  	[dreg:$0x0] =	wrdreg $0xFFFFFFFF;
	(pc) =	sbr.abs _section_cstart, $3  }
0xc0: {  	[dreg:$0x1] =	wrdreg $0xFFFFFFFF  }
0xc1: {  	_ =	task.clear_ibuf [dreg:s7], $0x2FFFF;
	_ =	strace $0x9FFFFFFF  }
0xc2: {  	(tm) =	ssettm $0x7FFFFFFF  }
0xc3: {  	_ =	shalt  }
tec
execute0_lowered:
.L_overlay_start_1:
0x0: {  	(tag) =	ssettag $0x1  }
0x1: {  	s0 =	rddreg [dreg:$0x1];
	s3 =	stileid.u32  }
0x2: {  	s6 =	simm.s32 $0x0;
	s1 =	srdreg.scid;
	s2 =	sshll.u32 s3, $0x8  }
0x3: {  	s1 =	sand.u32 $0x1, s1;
	s4 =	sshll.u32 s3, $0x1;
	[smem:$0x7FF] =	sst s6  }
0x4: {  	s2 =	sand.u32 $0xC00, s2;
	s4 =	sor.u32 s1, s4;
	_ =	strace $0x80000047  }
0x5: {  	s1 =	ssub.s32 $0x2, s1;
	s5 =	sshll.u32 s4, $0x4;
	s4 =	sshll.u32 s4, $0xD  }
0x6: {  	s2 =	sadd.s32 s2, s0;
	s30 =	sshrl.u32 s1, $0x1;
	s0 =	sadd.s32 s4, s0  }
0x7: {  	s5 =	sand.u32 $0x70, s5;
	s1 =	ssub.s32 s1, s30;
	s0 =	sadd.s32 $0x1600, s0  }
0x8: {  	s2 =	sadd.s32 s5, s2;
	s31 =	smax.u32 s1, $0x1;
	[dreg:$0x5] =	wrdreg s0  }
0x9: {  	s8 =	simm.s32 $0x400;
	s2 =	sadd.s32 $0x600, s2;
	[dreg:$0x6] =	wrdreg s31  }
0xa: {  	s1 =	simm.s32 $0x0;
	[dreg:$0x4] =	wrdreg s2;
	s2 =	simm.s32 $0x1  }
.LBB2_1:
0xb: {  	[dreg:$0x7] =	wrdreg s1  }
0xc: {  	s0 =	rddreg [dreg:$0x4];
	s22 =	simm.s32 $0x80  }
0xd: {  	[tilespmem:s6], [sflag:$0x1] =	stream.strided.gather [hbm4b:s0+s22], $0x400, s8, s22, $0x38;
	[tilespmem:$0x18400] =	vst v63  }
0xe: {  	_ =	swait.ge [sflag:s2], $0x400  }
0xf: {  	[sflag:s2] =	ssyncset.done $0x0  }
0x10: {  	[sflag:s2] =	ssyncadd.s32 $0xFFFFFC00  }
0x11: {  	s23 =	rddreg [dreg:$0x0]  }
0x12: {  	[tilespmem:s8], [sflag:$0x1] =	stream.linear.gather [hbm4b:s23+s6], $0x8000, $0x38;
	[tilespmem:$0x18400] =	vst v63  }
0x13: {  	s22 =	sand.u32 $0x60, s6;
	_ =	swait.ge [sflag:s2], $0x8000  }
0x14: {  	s24 =	sand.u32 $0x380, s6;
	s23 =	sor.u32 $0x10, s22;
	[sflag:s2] =	ssyncset.done $0x0  }
0x15: {  	s0 =	sor.u32 s23, s24;
	[sflag:s2] =	ssyncadd.s32 $0xFFFF8000  }
0x16: {  	v7 =	vld [tilespmem:s0+$0x0]  }
0x17: {  	v2 =	vld [tilespmem:s6+$0x0];
	_ =	sdelay $0x6  }
0x18: {  	v0 =	vld.idx.msk [tilespmem:v7+s8+$0x0], $0xffff  }
0x19: {  	v3 =	vadd.s32 $0x200, v7;
	v1 =	vld.idx.msk [tilespmem:v2+s8+$0x0], $0xffff  }
0x1a: {  	s24 =	sand.u32 $0x1C00, s6;
	v4 =	vadd.s32 $0x200, v2  }
0x1b: {  	s25 =	sadd.s32 $0x8400, s24  }
0x1c: {  	s26 =	sor.u32 s23, s25  }
0x1d: {  	s0 =	sor.u32 s22, s25;
	[tilespmem:s26+$0x0] =	vst v0  }
0x1e: {  	[tilespmem:s0+$0x0] =	vst v1;
	v0 =	vld.idx.msk [tilespmem:v3+s8+$0x0], $0xffff  }
0x1f: {  	v1 =	vld.idx.msk [tilespmem:v4+s8+$0x0], $0xffff;
	v3 =	vadd.s32 $0x400, v7  }
0x20: {  	v4 =	vadd.s32 $0x400, v2;
	_ =	sdelay $0x2  }
0x21: {  	[tilespmem:s26+$0x80] =	vst v0  }
0x22: {  	[tilespmem:s0+$0x80] =	vst v1;
	v0 =	vld.idx.msk [tilespmem:v3+s8+$0x0], $0xffff  }
0x23: {  	v1 =	vld.idx.msk [tilespmem:v4+s8+$0x0], $0xffff;
	v3 =	vadd.s32 $0x600, v7  }
0x24: {  	v4 =	vadd.s32 $0x600, v2;
	_ =	sdelay $0x2  }
0x25: {  	[tilespmem:s26+$0x100] =	vst v0  }
0x26: {  	[tilespmem:s0+$0x100] =	vst v1;
	v0 =	vld.idx.msk [tilespmem:v3+s8+$0x0], $0xffff  }
0x27: {  	v1 =	vld.idx.msk [tilespmem:v4+s8+$0x0], $0xffff;
	v3 =	vadd.s32 $0x800, v7  }
0x28: {  	v4 =	vadd.s32 $0x800, v2;
	_ =	sdelay $0x2  }
0x29: {  	[tilespmem:s26+$0x180] =	vst v0  }
0x2a: {  	[tilespmem:s0+$0x180] =	vst v1;
	v0 =	vld.idx.msk [tilespmem:v3+s8+$0x0], $0xffff  }
0x2b: {  	v1 =	vld.idx.msk [tilespmem:v4+s8+$0x0], $0xffff;
	v3 =	vadd.s32 $0xA00, v7  }
0x2c: {  	v4 =	vadd.s32 $0xA00, v2;
	_ =	sdelay $0x2  }
0x2d: {  	[tilespmem:s26+$0x200] =	vst v0  }
0x2e: {  	[tilespmem:s0+$0x200] =	vst v1;
	v0 =	vld.idx.msk [tilespmem:v3+s8+$0x0], $0xffff  }
0x2f: {  	v1 =	vld.idx.msk [tilespmem:v4+s8+$0x0], $0xffff;
	v3 =	vadd.s32 $0xC00, v7  }
0x30: {  	v4 =	vadd.s32 $0xC00, v2;
	_ =	sdelay $0x2  }
0x31: {  	[tilespmem:s26+$0x280] =	vst v0  }
0x32: {  	s2 =	sand.u32 $0x3, s6;
	[tilespmem:s0+$0x280] =	vst v1;
	v0 =	vld.idx.msk [tilespmem:v3+s8+$0x0], $0xffff  }
0x33: {  	s0 =	sshll.u32 s2, $0x5;
	v1 =	vld.idx.msk [tilespmem:v4+s8+$0x0], $0xffff;
	v3 =	vadd.s32 $0xE00, v7  }
0x34: {  	s0 =	sadd.s32 $0x0, s0;
	v4 =	vadd.s32 $0xE00, v2  }
0x35: {  	s3 =	sadd.s32 $0x10, s0  }
0x36: {  	s4 =	sor.u32 $0x300, s3  }
0x37: {  	s0 =	sor.u32 $0x300, s0;
	[tilespmem:s4+$0x8400] =	vst v0  }
0x38: {  	[tilespmem:s0+$0x8400] =	vst v1;
	v0 =	vld.idx.msk [tilespmem:v3+s8+$0x0], $0xffff  }
0x39: {  	v1 =	vld.idx.msk [tilespmem:v4+s8+$0x0], $0xffff;
	v3 =	vadd.s32 $0x1000, v7  }
0x3a: {  	v4 =	vadd.s32 $0x1000, v2;
	_ =	sdelay $0x1  }
0x3b: {  	s5 =	sor.u32 s6, s6;
	s1 =	sor.u32 $0x380, s3  }
0x3c: {  	s0 =	sor.u32 $0x380, s5;
	[tilespmem:s1+$0x8400] =	vst v0  }
0x3d: {  	[tilespmem:s0+$0x8400] =	vst v1;
	v0 =	vld.idx.msk [tilespmem:v3+s8+$0x0], $0xffff  }
0x3e: {  	v1 =	vld.idx.msk [tilespmem:v4+s8+$0x0], $0xffff;
	v3 =	vadd.s32 $0x1200, v7  }
0x3f: {  	v4 =	vadd.s32 $0x1200, v2  }
0x40: {  	s6 =	sadd.s32 $0xA400, s24  }
0x41: {  	s7 =	sor.u32 s23, s6  }
0x42: {  	s0 =	sor.u32 s22, s6;
	[tilespmem:s7+$0x0] =	vst v0  }
0x43: {  	[tilespmem:s0+$0x0] =	vst v1;
	v0 =	vld.idx.msk [tilespmem:v3+s8+$0x0], $0xffff  }
0x44: {  	v1 =	vld.idx.msk [tilespmem:v4+s8+$0x0], $0xffff;
	v3 =	vadd.s32 $0x1400, v7  }
0x45: {  	v4 =	vadd.s32 $0x1400, v2  }
0x46: {  	s9 =	sadd.s32 $0xA480, s24  }
0x47: {  	s10 =	sor.u32 s23, s9  }
0x48: {  	s0 =	sor.u32 s22, s9;
	[tilespmem:s10+$0x0] =	vst v0  }
0x49: {  	[tilespmem:s0+$0x0] =	vst v1;
	v0 =	vld.idx.msk [tilespmem:v3+s8+$0x0], $0xffff  }
0x4a: {  	v1 =	vld.idx.msk [tilespmem:v4+s8+$0x0], $0xffff;
	v3 =	vadd.s32 $0x1600, v7  }
0x4b: {  	v4 =	vadd.s32 $0x1600, v2  }
0x4c: {  	s11 =	sadd.s32 $0xA500, s24  }
0x4d: {  	s12 =	sor.u32 s23, s11  }
0x4e: {  	s0 =	sor.u32 s22, s11;
	[tilespmem:s12+$0x0] =	vst v0  }
0x4f: {  	[tilespmem:s0+$0x0] =	vst v1;
	v0 =	vld.idx.msk [tilespmem:v3+s8+$0x0], $0xffff  }
0x50: {  	v1 =	vld.idx.msk [tilespmem:v4+s8+$0x0], $0xffff;
	v3 =	vadd.s32 $0x1800, v7  }
0x51: {  	v4 =	vadd.s32 $0x1800, v2  }
0x52: {  	s13 =	sadd.s32 $0xA580, s24  }
0x53: {  	s14 =	sor.u32 s23, s13  }
0x54: {  	s0 =	sor.u32 s22, s13;
	[tilespmem:s14+$0x0] =	vst v0  }
0x55: {  	[tilespmem:s0+$0x0] =	vst v1;
	v0 =	vld.idx.msk [tilespmem:v3+s8+$0x0], $0xffff  }
0x56: {  	v1 =	vld.idx.msk [tilespmem:v4+s8+$0x0], $0xffff;
	v3 =	vadd.s32 $0x1A00, v7  }
0x57: {  	v4 =	vadd.s32 $0x1A00, v2  }
0x58: {  	s15 =	sadd.s32 $0xA600, s24  }
0x59: {  	s16 =	sor.u32 s23, s15  }
0x5a: {  	s0 =	sor.u32 s22, s15;
	[tilespmem:s16+$0x0] =	vst v0  }
0x5b: {  	[tilespmem:s0+$0x0] =	vst v1;
	v0 =	vld.idx.msk [tilespmem:v3+s8+$0x0], $0xffff  }
0x5c: {  	v1 =	vld.idx.msk [tilespmem:v4+s8+$0x0], $0xffff;
	v3 =	vadd.s32 $0x1C00, v7  }
0x5d: {  	v4 =	vadd.s32 $0x1C00, v2  }
0x5e: {  	s17 =	sadd.s32 $0xA680, s24  }
0x5f: {  	s18 =	sor.u32 s23, s17  }
0x60: {  	s0 =	sor.u32 s22, s17;
	[tilespmem:s18+$0x0] =	vst v0  }
0x61: {  	[tilespmem:s0+$0x0] =	vst v1;
	v0 =	vld.idx.msk [tilespmem:v3+s8+$0x0], $0xffff  }
0x62: {  	v1 =	vld.idx.msk [tilespmem:v4+s8+$0x0], $0xffff;
	v3 =	vadd.s32 $0x1E00, v7  }
0x63: {  	v4 =	vadd.s32 $0x1E00, v2  }
0x64: {  	s19 =	sadd.s32 $0xA700, s24  }
0x65: {  	s20 =	sor.u32 s23, s19  }
0x66: {  	s0 =	sor.u32 s22, s19;
	[tilespmem:s20+$0x0] =	vst v0  }
0x67: {  	[tilespmem:s0+$0x0] =	vst v1;
	v0 =	vld.idx.msk [tilespmem:v3+s8+$0x0], $0xffff  }
0x68: {  	v1 =	vld.idx.msk [tilespmem:v4+s8+$0x0], $0xffff  }
0x69: {  	v3 =	vadd.s32 $0x2000, v7  }
0x6a: {  	s21 =	sadd.s32 $0xA780, s24  }
0x6b: {  	s25 =	sor.u32 s23, s21;
	v4 =	vadd.s32 $0x2000, v2  }
0x6c: {  	s1 =	sor.u32 s22, s21;
	s0 =	simm.s32 $0x20;
	[tilespmem:s25+$0x0] =	vst v0  }
0x6d: {  	v0 =	vld [tilespmem:s0+$0x0];
	[tilespmem:s1+$0x0] =	vst v1  }
0x6e: {  	v1 =	vld.idx.msk [tilespmem:v3+s8+$0x0], $0xffff  }
0x6f: {  	v3 =	vadd.s32 $0x2200, v7  }
0x70: {  	v4 =	vld.idx.msk [tilespmem:v4+s8+$0x0], $0xffff  }
0x71: {  	v5 =	vadd.s32 $0x2200, v2;
	s26 =	sadd.s32 $0xC400, s24  }
0x72: {  	s3 =	sor.u32 s23, s26;
	s12 =	sand.u32 $0x60, s0  }
0x73: {  	s4 =	sand.u32 $0x380, s0;
	s13 =	sor.u32 $0x10, s12;
	[tilespmem:s3+$0x0] =	vst v1  }
0x74: {  	s4 =	sor.u32 s13, s4;
	s1 =	sor.u32 s22, s26;
	v3 =	vld.idx.msk [tilespmem:v3+s8+$0x0], $0xffff  }
0x75: {  	[tilespmem:s1+$0x0] =	vst v4;
	v1 =	vld [tilespmem:s4+$0x0];
	v4 =	vadd.s32 $0x2400, v7  }
0x76: {  	v5 =	vld.idx.msk [tilespmem:v5+s8+$0x0], $0xffff  }
0x77: {  	v6 =	vadd.s32 $0x2400, v2;
	s5 =	sadd.s32 $0xC480, s24  }
0x78: {  	s6 =	sor.u32 s23, s5  }
0x79: {  	[tilespmem:s6+$0x0] =	vst v3  }
0x7a: {  	s1 =	sor.u32 s22, s5;
	v3 =	vld.idx.msk [tilespmem:v4+s8+$0x0], $0xffff  }
0x7b: {  	[tilespmem:s1+$0x0] =	vst v5;
	v4 =	vadd.s32 $0x2600, v7  }
0x7c: {  	v5 =	vld.idx.msk [tilespmem:v6+s8+$0x0], $0xffff  }
0x7d: {  	s7 =	sadd.s32 $0xC500, s24;
	v6 =	vadd.s32 $0x2600, v2;
	v8 =	vld.idx.msk [tilespmem:v1+s8+$0x0], $0xffff  }
0x7e: {  	s9 =	sor.u32 s23, s7;
	v9 =	vld.idx.msk [tilespmem:v0+s8+$0x0], $0xffff;
	v10 =	vadd.s32 $0x200, v1;
	s1 =	simm.s32 $0x100  }
0x7f: {  	s14 =	sand.u32 $0x1C00, s1;
	[tilespmem:s9+$0x0] =	vst v3;
	v3 =	vadd.s32 $0x200, v0  }
0x80: {  	s2 =	sor.u32 s22, s7;
	s5 =	sadd.s32 $0x8400, s14;
	v4 =	vld.idx.msk [tilespmem:v4+s8+$0x0], $0xffff  }
0x81: {  	s10 =	sor.u32 s13, s5;
	[tilespmem:s2+$0x0] =	vst v5;
	v5 =	vadd.s32 $0x2800, v7  }
0x82: {  	s11 =	sor.u32 s12, s5;
	v6 =	vld.idx.msk [tilespmem:v6+s8+$0x0], $0xffff;
	[tilespmem:s10+$0x0] =	vst v8  }
0x83: {  	s15 =	sadd.s32 $0xC580, s24;
	[tilespmem:s11+$0x0] =	vst v9;
	v8 =	vadd.s32 $0x2800, v2;
	v9 =	vld.idx.msk [tilespmem:v10+s8+$0x0], $0xffff  }
0x84: {  	s16 =	sor.u32 s23, s15;
	v10 =	vadd.s32 $0x400, v1;
	v3 =	vld.idx.msk [tilespmem:v3+s8+$0x0], $0xffff  }
0x85: {  	[tilespmem:s16+$0x0] =	vst v4;
	v4 =	vadd.s32 $0x400, v0  }
0x86: {  	s5 =	sor.u32 s22, s15;
	v5 =	vld.idx.msk [tilespmem:v5+s8+$0x0], $0xffff  }
0x87: {  	[tilespmem:s5+$0x0] =	vst v6;
	v6 =	vadd.s32 $0x2A00, v7  }
0x88: {  	v8 =	vld.idx.msk [tilespmem:v8+s8+$0x0], $0xffff;
	[tilespmem:s10+$0x80] =	vst v9  }
0x89: {  	s17 =	sadd.s32 $0xC600, s24;
	v9 =	vadd.s32 $0x2A00, v2;
	[tilespmem:s11+$0x80] =	vst v3;
	v3 =	vld.idx.msk [tilespmem:v10+s8+$0x0], $0xffff  }
0x8a: {  	s18 =	sor.u32 s23, s17;
	v10 =	vadd.s32 $0x600, v1;
	v4 =	vld.idx.msk [tilespmem:v4+s8+$0x0], $0xffff  }
0x8b: {  	[tilespmem:s18+$0x0] =	vst v5;
	v5 =	vadd.s32 $0x600, v0  }
0x8c: {  	s5 =	sor.u32 s22, s17;
	v6 =	vld.idx.msk [tilespmem:v6+s8+$0x0], $0xffff  }
0x8d: {  	[tilespmem:s5+$0x0] =	vst v8;
	v8 =	vadd.s32 $0x2C00, v7  }
0x8e: {  	v9 =	vld.idx.msk [tilespmem:v9+s8+$0x0], $0xffff;
	[tilespmem:s10+$0x100] =	vst v3  }
0x8f: {  	s19 =	sadd.s32 $0xC680, s24;
	v3 =	vadd.s32 $0x2C00, v2;
	[tilespmem:s11+$0x100] =	vst v4;
	v4 =	vld.idx.msk [tilespmem:v10+s8+$0x0], $0xffff  }
0x90: {  	s20 =	sor.u32 s23, s19;
	v10 =	vadd.s32 $0x800, v1;
	v5 =	vld.idx.msk [tilespmem:v5+s8+$0x0], $0xffff  }
0x91: {  	[tilespmem:s20+$0x0] =	vst v6;
	v6 =	vadd.s32 $0x800, v0  }
0x92: {  	s5 =	sor.u32 s22, s19;
	v8 =	vld.idx.msk [tilespmem:v8+s8+$0x0], $0xffff  }
0x93: {  	[tilespmem:s5+$0x0] =	vst v9;
	v9 =	vadd.s32 $0x2E00, v7  }
0x94: {  	v3 =	vld.idx.msk [tilespmem:v3+s8+$0x0], $0xffff;
	[tilespmem:s10+$0x180] =	vst v4  }
0x95: {  	s21 =	sadd.s32 $0xC700, s24;
	v4 =	vadd.s32 $0x2E00, v2;
	[tilespmem:s11+$0x180] =	vst v5;
	v5 =	vld.idx.msk [tilespmem:v10+s8+$0x0], $0xffff  }
0x96: {  	s25 =	sor.u32 s23, s21;
	v10 =	vadd.s32 $0xA00, v1;
	v6 =	vld.idx.msk [tilespmem:v6+s8+$0x0], $0xffff  }
0x97: {  	[tilespmem:s25+$0x0] =	vst v8;
	v8 =	vadd.s32 $0xA00, v0  }
0x98: {  	s5 =	sor.u32 s22, s21;
	v9 =	vld.idx.msk [tilespmem:v9+s8+$0x0], $0xffff  }
0x99: {  	[tilespmem:s5+$0x0] =	vst v3;
	v3 =	vadd.s32 $0x3000, v7  }
0x9a: {  	v4 =	vld.idx.msk [tilespmem:v4+s8+$0x0], $0xffff;
	[tilespmem:s10+$0x200] =	vst v5  }
0x9b: {  	s26 =	sadd.s32 $0xC780, s24;
	v5 =	vadd.s32 $0x3000, v2;
	[tilespmem:s11+$0x200] =	vst v6;
	v6 =	vld.idx.msk [tilespmem:v10+s8+$0x0], $0xffff  }
0x9c: {  	s3 =	sor.u32 s23, s26;
	v10 =	vadd.s32 $0xC00, v1;
	v8 =	vld.idx.msk [tilespmem:v8+s8+$0x0], $0xffff  }
0x9d: {  	[tilespmem:s3+$0x0] =	vst v9;
	v9 =	vadd.s32 $0xC00, v0  }
0x9e: {  	s5 =	sor.u32 s22, s26;
	v3 =	vld.idx.msk [tilespmem:v3+s8+$0x0], $0xffff  }
0x9f: {  	[tilespmem:s5+$0x0] =	vst v4;
	v4 =	vadd.s32 $0x3200, v7  }
0xa0: {  	s6 =	simm.s32 $0x1;
	v5 =	vld.idx.msk [tilespmem:v5+s8+$0x0], $0xffff;
	[tilespmem:s10+$0x280] =	vst v6  }
0xa1: {  	s7 =	sadd.s32 $0xE400, s24;
	s4 =	sand.u32 $0x3, s6;
	v6 =	vadd.s32 $0x3200, v2;
	[tilespmem:s11+$0x280] =	vst v8;
	v8 =	vld.idx.msk [tilespmem:v10+s8+$0x0], $0xffff  }
0xa2: {  	s4 =	sshll.u32 s4, $0x5;
	s9 =	sor.u32 s23, s7;
	v10 =	vadd.s32 $0xE00, v1;
	v9 =	vld.idx.msk [tilespmem:v9+s8+$0x0], $0xffff  }
0xa3: {  	s4 =	sadd.s32 $0x100, s4;
	[tilespmem:s9+$0x0] =	vst v3;
	v3 =	vadd.s32 $0xE00, v0  }
0xa4: {  	s2 =	sor.u32 s22, s7;
	s10 =	sadd.s32 $0x10, s4;
	v4 =	vld.idx.msk [tilespmem:v4+s8+$0x0], $0xffff  }
0xa5: {  	s11 =	sor.u32 $0x300, s10;
	[tilespmem:s2+$0x0] =	vst v5;
	v5 =	vadd.s32 $0x3400, v7  }
0xa6: {  	s4 =	sor.u32 $0x300, s4;
	v6 =	vld.idx.msk [tilespmem:v6+s8+$0x0], $0xffff;
	[tilespmem:s11+$0x8400] =	vst v8  }
0xa7: {  	s15 =	sadd.s32 $0xE480, s24;
	v8 =	vadd.s32 $0x3400, v2;
	[tilespmem:s4+$0x8400] =	vst v9;
	v9 =	vld.idx.msk [tilespmem:v10+s8+$0x0], $0xffff  }
0xa8: {  	s16 =	sor.u32 s23, s15;
	v10 =	vadd.s32 $0x1000, v1;
	v3 =	vld.idx.msk [tilespmem:v3+s8+$0x0], $0xffff  }
0xa9: {  	[tilespmem:s16+$0x0] =	vst v4;
	v4 =	vadd.s32 $0x1000, v0  }
0xaa: {  	s2 =	sor.u32 s22, s15;
	v5 =	vld.idx.msk [tilespmem:v5+s8+$0x0], $0xffff  }
0xab: {  	s0 =	sor.u32 s1, s0;
	s17 =	sor.u32 $0x380, s10;
	[tilespmem:s2+$0x0] =	vst v6;
	v6 =	vadd.s32 $0x3600, v7  }
0xac: {  	s0 =	sor.u32 $0x380, s0;
	v8 =	vld.idx.msk [tilespmem:v8+s8+$0x0], $0xffff;
	[tilespmem:s17+$0x8400] =	vst v9  }
0xad: {  	s18 =	sadd.s32 $0xE500, s24;
	v9 =	vadd.s32 $0x3600, v2;
	[tilespmem:s0+$0x8400] =	vst v3;
	v3 =	vld.idx.msk [tilespmem:v10+s8+$0x0], $0xffff  }
0xae: {  	s19 =	sor.u32 s23, s18;
	v10 =	vadd.s32 $0x1200, v1;
	v4 =	vld.idx.msk [tilespmem:v4+s8+$0x0], $0xffff  }
0xaf: {  	[tilespmem:s19+$0x0] =	vst v5;
	v5 =	vadd.s32 $0x1200, v0  }
0xb0: {  	s20 =	sadd.s32 $0xA400, s14;
	s0 =	sor.u32 s22, s18;
	v6 =	vld.idx.msk [tilespmem:v6+s8+$0x0], $0xffff  }
0xb1: {  	s21 =	sor.u32 s13, s20;
	[tilespmem:s0+$0x0] =	vst v8;
	v8 =	vadd.s32 $0x3800, v7  }
0xb2: {  	s1 =	sor.u32 s12, s20;
	v9 =	vld.idx.msk [tilespmem:v9+s8+$0x0], $0xffff;
	[tilespmem:s21+$0x0] =	vst v3  }
0xb3: {  	s25 =	sadd.s32 $0xE580, s24;
	v3 =	vadd.s32 $0x3800, v2;
	[tilespmem:s1+$0x0] =	vst v4;
	v4 =	vld.idx.msk [tilespmem:v10+s8+$0x0], $0xffff  }
0xb4: {  	s26 =	sor.u32 s23, s25;
	v10 =	vadd.s32 $0x1400, v1;
	v5 =	vld.idx.msk [tilespmem:v5+s8+$0x0], $0xffff  }
0xb5: {  	[tilespmem:s26+$0x0] =	vst v6;
	v6 =	vadd.s32 $0x1400, v0  }
0xb6: {  	s2 =	sadd.s32 $0xA480, s14;
	s0 =	sor.u32 s22, s25;
	v8 =	vld.idx.msk [tilespmem:v8+s8+$0x0], $0xffff  }
0xb7: {  	s3 =	sor.u32 s13, s2;
	[tilespmem:s0+$0x0] =	vst v9;
	v9 =	vadd.s32 $0x3A00, v7  }
0xb8: {  	s1 =	sor.u32 s12, s2;
	v3 =	vld.idx.msk [tilespmem:v3+s8+$0x0], $0xffff;
	[tilespmem:s3+$0x0] =	vst v4  }
0xb9: {  	s4 =	sadd.s32 $0xE600, s24;
	v4 =	vadd.s32 $0x3A00, v2;
	[tilespmem:s1+$0x0] =	vst v5;
	v5 =	vld.idx.msk [tilespmem:v10+s8+$0x0], $0xffff  }
0xba: {  	s5 =	sor.u32 s23, s4;
	v10 =	vadd.s32 $0x1600, v1;
	v6 =	vld.idx.msk [tilespmem:v6+s8+$0x0], $0xffff  }
0xbb: {  	[tilespmem:s5+$0x0] =	vst v8;
	v8 =	vadd.s32 $0x1600, v0  }
0xbc: {  	s6 =	sadd.s32 $0xA500, s14;
	s0 =	sor.u32 s22, s4;
	v9 =	vld.idx.msk [tilespmem:v9+s8+$0x0], $0xffff  }
0xbd: {  	s7 =	sor.u32 s13, s6;
	[tilespmem:s0+$0x0] =	vst v3;
	v3 =	vadd.s32 $0x3C00, v7  }
0xbe: {  	s1 =	sor.u32 s12, s6;
	v4 =	vld.idx.msk [tilespmem:v4+s8+$0x0], $0xffff;
	[tilespmem:s7+$0x0] =	vst v5  }
0xbf: {  	s9 =	sadd.s32 $0xE680, s24;
	v5 =	vadd.s32 $0x3C00, v2;
	[tilespmem:s1+$0x0] =	vst v6;
	v6 =	vld.idx.msk [tilespmem:v10+s8+$0x0], $0xffff  }
0xc0: {  	s10 =	sor.u32 s23, s9;
	v10 =	vadd.s32 $0x1800, v1;
	v8 =	vld.idx.msk [tilespmem:v8+s8+$0x0], $0xffff  }
0xc1: {  	[tilespmem:s10+$0x0] =	vst v9;
	v9 =	vadd.s32 $0x1800, v0  }
0xc2: {  	s11 =	sadd.s32 $0xA580, s14;
	s0 =	sor.u32 s22, s9;
	v3 =	vld.idx.msk [tilespmem:v3+s8+$0x0], $0xffff  }
0xc3: {  	s15 =	sor.u32 s13, s11;
	[tilespmem:s0+$0x0] =	vst v4;
	v4 =	vadd.s32 $0x3E00, v7  }
0xc4: {  	s1 =	sor.u32 s12, s11;
	v5 =	vld.idx.msk [tilespmem:v5+s8+$0x0], $0xffff;
	[tilespmem:s15+$0x0] =	vst v6  }
0xc5: {  	s16 =	sadd.s32 $0xE700, s24;
	v6 =	vadd.s32 $0x3E00, v2;
	[tilespmem:s1+$0x0] =	vst v8;
	v8 =	vld.idx.msk [tilespmem:v10+s8+$0x0], $0xffff  }
0xc6: {  	s17 =	sor.u32 s23, s16;
	v10 =	vadd.s32 $0x1A00, v1;
	v9 =	vld.idx.msk [tilespmem:v9+s8+$0x0], $0xffff  }
0xc7: {  	[tilespmem:s17+$0x0] =	vst v3;
	v3 =	vadd.s32 $0x1A00, v0  }
0xc8: {  	s18 =	sadd.s32 $0xA600, s14;
	s0 =	sor.u32 s22, s16;
	v4 =	vld.idx.msk [tilespmem:v4+s8+$0x0], $0xffff  }
0xc9: {  	s19 =	sor.u32 s13, s18;
	[tilespmem:s0+$0x0] =	vst v5;
	v5 =	vadd.s32 $0x4000, v7  }
0xca: {  	s1 =	sor.u32 s12, s18;
	v6 =	vld.idx.msk [tilespmem:v6+s8+$0x0], $0xffff;
	[tilespmem:s19+$0x0] =	vst v8  }
0xcb: {  	s20 =	sadd.s32 $0xE780, s24;
	v8 =	vadd.s32 $0x4000, v2;
	[tilespmem:s1+$0x0] =	vst v9;
	v9 =	vld.idx.msk [tilespmem:v10+s8+$0x0], $0xffff  }
0xcc: {  	s21 =	sor.u32 s23, s20;
	v10 =	vadd.s32 $0x1C00, v1;
	v3 =	vld.idx.msk [tilespmem:v3+s8+$0x0], $0xffff  }
0xcd: {  	[tilespmem:s21+$0x0] =	vst v4;
	v4 =	vadd.s32 $0x1C00, v0  }
0xce: {  	s25 =	sadd.s32 $0xA680, s14;
	s0 =	sor.u32 s22, s20;
	v5 =	vld.idx.msk [tilespmem:v5+s8+$0x0], $0xffff  }
0xcf: {  	s26 =	sor.u32 s13, s25;
	[tilespmem:s0+$0x0] =	vst v6;
	v6 =	vadd.s32 $0x4200, v7  }
0xd0: {  	s1 =	sor.u32 s12, s25;
	v8 =	vld.idx.msk [tilespmem:v8+s8+$0x0], $0xffff;
	[tilespmem:s26+$0x0] =	vst v9  }
0xd1: {  	s2 =	sadd.s32 $0x10400, s24;
	v9 =	vadd.s32 $0x4200, v2;
	[tilespmem:s1+$0x0] =	vst v3;
	v3 =	vld.idx.msk [tilespmem:v10+s8+$0x0], $0xffff  }
0xd2: {  	s3 =	sor.u32 s23, s2;
	v10 =	vadd.s32 $0x1E00, v1;
	v4 =	vld.idx.msk [tilespmem:v4+s8+$0x0], $0xffff  }
0xd3: {  	[tilespmem:s3+$0x0] =	vst v5;
	v5 =	vadd.s32 $0x1E00, v0  }
0xd4: {  	s4 =	sadd.s32 $0xA700, s14;
	s0 =	sor.u32 s22, s2;
	v6 =	vld.idx.msk [tilespmem:v6+s8+$0x0], $0xffff  }
0xd5: {  	s5 =	sor.u32 s13, s4;
	[tilespmem:s0+$0x0] =	vst v8;
	v8 =	vadd.s32 $0x4400, v7  }
0xd6: {  	s1 =	sor.u32 s12, s4;
	v9 =	vld.idx.msk [tilespmem:v9+s8+$0x0], $0xffff;
	[tilespmem:s5+$0x0] =	vst v3  }
0xd7: {  	s6 =	sadd.s32 $0x10480, s24;
	v3 =	vadd.s32 $0x4400, v2;
	[tilespmem:s1+$0x0] =	vst v4;
	v4 =	vld.idx.msk [tilespmem:v10+s8+$0x0], $0xffff  }
0xd8: {  	s7 =	sor.u32 s23, s6;
	v10 =	vadd.s32 $0x2000, v1;
	v5 =	vld.idx.msk [tilespmem:v5+s8+$0x0], $0xffff  }
0xd9: {  	[tilespmem:s7+$0x0] =	vst v6;
	v6 =	vadd.s32 $0x2000, v0  }
0xda: {  	s9 =	sadd.s32 $0xA780, s14;
	s0 =	sor.u32 s22, s6;
	v8 =	vld.idx.msk [tilespmem:v8+s8+$0x0], $0xffff  }
0xdb: {  	s10 =	sor.u32 s13, s9;
	[tilespmem:s0+$0x0] =	vst v9;
	v9 =	vadd.s32 $0x4600, v7  }
0xdc: {  	s1 =	sor.u32 s12, s9;
	v11 =	vld.idx.msk [tilespmem:v3+s8+$0x0], $0xffff;
	[tilespmem:s10+$0x0] =	vst v4  }
0xdd: {  	s11 =	sadd.s32 $0x10500, s24;
	v4 =	vadd.s32 $0x4600, v2;
	[tilespmem:s1+$0x0] =	vst v5;
	v5 =	vld.idx.msk [tilespmem:v10+s8+$0x0], $0xffff  }
0xde: {  	s15 =	sor.u32 s23, s11;
	v10 =	vadd.s32 $0x2200, v1;
	v6 =	vld.idx.msk [tilespmem:v6+s8+$0x0], $0xffff  }
0xdf: {  	[tilespmem:s15+$0x0] =	vst v8;
	v8 =	vadd.s32 $0x2200, v0  }
0xe0: {  	s16 =	sadd.s32 $0xC400, s14;
	s0 =	simm.s32 $0x40;
	s1 =	sor.u32 s22, s11;
	v9 =	vld.idx.msk [tilespmem:v9+s8+$0x0], $0xffff  }
0xe1: {  	s17 =	sor.u32 s13, s16;
	v3 =	vld [tilespmem:s0+$0x0];
	[tilespmem:s1+$0x0] =	vst v11;
	v11 =	vadd.s32 $0x4800, v7  }
0xe2: {  	s2 =	sor.u32 s12, s16;
	s15 =	sand.u32 $0x60, s0;
	v12 =	vld.idx.msk [tilespmem:v4+s8+$0x0], $0xffff;
	[tilespmem:s17+$0x0] =	vst v5  }
0xe3: {  	s19 =	sadd.s32 $0x10580, s24;
	s18 =	sand.u32 $0x380, s0;
	s16 =	sor.u32 $0x10, s15;
	[tilespmem:s2+$0x0] =	vst v6;
	v5 =	vld.idx.msk [tilespmem:v10+s8+$0x0], $0xffff  }
0xe4: {  	s20 =	sor.u32 s23, s19;
	s1 =	sor.u32 s16, s18;
	v6 =	vld.idx.msk [tilespmem:v8+s8+$0x0], $0xffff;
	v8 =	vadd.s32 $0x2400, v1  }
0xe5: {  	v4 =	vld [tilespmem:s1+$0x0];
	[tilespmem:s20+$0x0] =	vst v9;
	v9 =	vadd.s32 $0x2400, v0  }
0xe6: {  	s21 =	sadd.s32 $0xC480, s14;
	v10 =	vadd.s32 $0x4800, v2;
	v11 =	vld.idx.msk [tilespmem:v11+s8+$0x0], $0xffff  }
0xe7: {  	v13 =	vadd.s32 $0x4A00, v7;
	s25 =	sor.u32 s13, s21  }
0xe8: {  	s1 =	sor.u32 s12, s21;
	[tilespmem:s25+$0x0] =	vst v5  }
0xe9: {  	s26 =	sadd.s32 $0x10600, s24;
	s2 =	sor.u32 s22, s19;
	[tilespmem:s1+$0x0] =	vst v6;
	v5 =	vld.idx.msk [tilespmem:v8+s8+$0x0], $0xffff  }
0xea: {  	[tilespmem:s2+$0x0] =	vst v12;
	s2 =	sor.u32 s23, s26;
	v8 =	vadd.s32 $0x2600, v1;
	v6 =	vld.idx.msk [tilespmem:v9+s8+$0x0], $0xffff  }
0xeb: {  	v9 =	vld.idx.msk [tilespmem:v10+s8+$0x0], $0xffff;
	v10 =	vadd.s32 $0x2600, v0;
	[tilespmem:s2+$0x0] =	vst v11  }
0xec: {  	s3 =	sadd.s32 $0xC500, s14;
	v11 =	vadd.s32 $0x4A00, v2;
	v12 =	vld.idx.msk [tilespmem:v13+s8+$0x0], $0xffff  }
0xed: {  	v14 =	vadd.s32 $0x4C00, v7;
	s5 =	sor.u32 s13, s3;
	v13 =	vld.idx.msk [tilespmem:v4+s8+$0x0], $0xffff  }
0xee: {  	s6 =	sor.u32 s12, s3;
	v15 =	vld.idx.msk [tilespmem:v3+s8+$0x0], $0xffff;
	v16 =	vadd.s32 $0x200, v4;
	s1 =	simm.s32 $0x200;
	[tilespmem:s5+$0x0] =	vst v5  }
0xef: {  	s9 =	sadd.s32 $0x10680, s24;
	s7 =	sor.u32 s22, s26;
	s17 =	sand.u32 $0x1C00, s1;
	v5 =	vadd.s32 $0x200, v3;
	[tilespmem:s6+$0x0] =	vst v6;
	v6 =	vld.idx.msk [tilespmem:v8+s8+$0x0], $0xffff  }
0xf0: {  	s11 =	sor.u32 s23, s9;
	s10 =	sadd.s32 $0x8400, s17;
	[tilespmem:s7+$0x0] =	vst v9;
	v9 =	vadd.s32 $0x2800, v1;
	v8 =	vld.idx.msk [tilespmem:v10+s8+$0x0], $0xffff  }
0xf1: {  	s4 =	sor.u32 s16, s10;
	v10 =	vld.idx.msk [tilespmem:v11+s8+$0x0], $0xffff;
	v11 =	vadd.s32 $0x2800, v0;
	[tilespmem:s11+$0x0] =	vst v12  }
0xf2: {  	s18 =	sadd.s32 $0xC580, s14;
	s2 =	sor.u32 s15, s10;
	[tilespmem:s4+$0x0] =	vst v13;
	v13 =	vadd.s32 $0x4C00, v2;
	v12 =	vld.idx.msk [tilespmem:v14+s8+$0x0], $0xffff  }
0xf3: {  	[tilespmem:s2+$0x0] =	vst v15;
	v15 =	vadd.s32 $0x4E00, v7;
	s7 =	sor.u32 s13, s18;
	v14 =	vld.idx.msk [tilespmem:v16+s8+$0x0], $0xffff  }
0xf4: {  	s6 =	sor.u32 s12, s18;
	v16 =	vadd.s32 $0x400, v4;
	v5 =	vld.idx.msk [tilespmem:v5+s8+$0x0], $0xffff;
	[tilespmem:s7+$0x0] =	vst v6  }
0xf5: {  	s19 =	sadd.s32 $0x10700, s24;
	s5 =	sor.u32 s22, s9;
	v6 =	vadd.s32 $0x400, v3;
	[tilespmem:s6+$0x0] =	vst v8;
	v8 =	vld.idx.msk [tilespmem:v9+s8+$0x0], $0xffff  }
0xf6: {  	s20 =	sor.u32 s23, s19;
	[tilespmem:s5+$0x0] =	vst v10;
	v10 =	vadd.s32 $0x2A00, v1;
	v9 =	vld.idx.msk [tilespmem:v11+s8+$0x0], $0xffff  }
0xf7: {  	v11 =	vld.idx.msk [tilespmem:v13+s8+$0x0], $0xffff;
	[tilespmem:s20+$0x0] =	vst v12;
	v12 =	vadd.s32 $0x2A00, v0  }
0xf8: {  	s21 =	sadd.s32 $0xC600, s14;
	[tilespmem:s4+$0x80] =	vst v14;
	v14 =	vadd.s32 $0x4E00, v2;
	v13 =	vld.idx.msk [tilespmem:v15+s8+$0x0], $0xffff  }
0xf9: {  	s25 =	sor.u32 s13, s21;
	[tilespmem:s2+$0x80] =	vst v5;
	v5 =	vld.idx.msk [tilespmem:v16+s8+$0x0], $0xffff;
	v15 =	vadd.s32 $0x5000, v7  }
0xfa: {  	s5 =	sor.u32 s12, s21;
	v16 =	vadd.s32 $0x600, v4;
	v6 =	vld.idx.msk [tilespmem:v6+s8+$0x0], $0xffff;
	[tilespmem:s25+$0x0] =	vst v8  }
0xfb: {  	s26 =	sadd.s32 $0x10780, s24;
	s6 =	sor.u32 s22, s19;
	v8 =	vadd.s32 $0x600, v3;
	[tilespmem:s5+$0x0] =	vst v9;
	v9 =	vld.idx.msk [tilespmem:v10+s8+$0x0], $0xffff  }
0xfc: {  	s3 =	sor.u32 s23, s26;
	[tilespmem:s6+$0x0] =	vst v11;
	v11 =	vadd.s32 $0x2C00, v1;
	v10 =	vld.idx.msk [tilespmem:v12+s8+$0x0], $0xffff  }
0xfd: {  	v12 =	vld.idx.msk [tilespmem:v14+s8+$0x0], $0xffff;
	[tilespmem:s3+$0x0] =	vst v13;
	v13 =	vadd.s32 $0x2C00, v0  }
0xfe: {  	s7 =	sadd.s32 $0xC680, s14;
	v14 =	vadd.s32 $0x5000, v2;
	[tilespmem:s4+$0x100] =	vst v5;
	v5 =	vld.idx.msk [tilespmem:v15+s8+$0x0], $0xffff  }
0xff: {  	s9 =	sor.u32 s13, s7;
	[tilespmem:s2+$0x100] =	vst v6;
	v6 =	vld.idx.msk [tilespmem:v16+s8+$0x0], $0xffff;
	v15 =	vadd.s32 $0x5200, v7  }
0x100: {  	s6 =	sor.u32 s12, s7;
	v16 =	vadd.s32 $0x800, v4;
	v8 =	vld.idx.msk [tilespmem:v8+s8+$0x0], $0xffff;
	[tilespmem:s9+$0x0] =	vst v9  }
0x101: {  	s10 =	sadd.s32 $0x12400, s24;
	s5 =	sor.u32 s22, s26;
	v9 =	vadd.s32 $0x800, v3;
	[tilespmem:s6+$0x0] =	vst v10;
	v10 =	vld.idx.msk [tilespmem:v11+s8+$0x0], $0xffff  }
0x102: {  	s11 =	sor.u32 s23, s10;
	[tilespmem:s5+$0x0] =	vst v12;
	v12 =	vadd.s32 $0x2E00, v1;
	v11 =	vld.idx.msk [tilespmem:v13+s8+$0x0], $0xffff  }
0x103: {  	v13 =	vld.idx.msk [tilespmem:v14+s8+$0x0], $0xffff;
	[tilespmem:s11+$0x0] =	vst v5;
	v5 =	vadd.s32 $0x2E00, v0  }
0x104: {  	s18 =	sadd.s32 $0xC700, s14;
	v14 =	vadd.s32 $0x5200, v2;
	[tilespmem:s4+$0x180] =	vst v6;
	v6 =	vld.idx.msk [tilespmem:v15+s8+$0x0], $0xffff  }
0x105: {  	s19 =	sor.u32 s13, s18;
	[tilespmem:s2+$0x180] =	vst v8;
	v8 =	vld.idx.msk [tilespmem:v16+s8+$0x0], $0xffff;
	v15 =	vadd.s32 $0x5400, v7  }
0x106: {  	s5 =	sor.u32 s12, s18;
	v16 =	vadd.s32 $0xA00, v4;
	v9 =	vld.idx.msk [tilespmem:v9+s8+$0x0], $0xffff;
	[tilespmem:s19+$0x0] =	vst v10  }
0x107: {  	s20 =	sadd.s32 $0x12480, s24;
	s6 =	sor.u32 s22, s10;
	v10 =	vadd.s32 $0xA00, v3;
	[tilespmem:s5+$0x0] =	vst v11;
	v11 =	vld.idx.msk [tilespmem:v12+s8+$0x0], $0xffff  }
0x108: {  	s21 =	sor.u32 s23, s20;
	[tilespmem:s6+$0x0] =	vst v13;
	v12 =	vadd.s32 $0x3000, v1;
	v5 =	vld.idx.msk [tilespmem:v5+s8+$0x0], $0xffff  }
0x109: {  	v13 =	vld.idx.msk [tilespmem:v14+s8+$0x0], $0xffff;
	[tilespmem:s21+$0x0] =	vst v6;
	v6 =	vadd.s32 $0x3000, v0  }
0x10a: {  	s25 =	sadd.s32 $0xC780, s14;
	v14 =	vadd.s32 $0x5400, v2;
	[tilespmem:s4+$0x200] =	vst v8;
	v8 =	vld.idx.msk [tilespmem:v15+s8+$0x0], $0xffff  }
0x10b: {  	s26 =	sor.u32 s13, s25;
	[tilespmem:s2+$0x200] =	vst v9;
	v9 =	vld.idx.msk [tilespmem:v16+s8+$0x0], $0xffff;
	v15 =	vadd.s32 $0x5600, v7  }
0x10c: {  	s6 =	sor.u32 s12, s25;
	v16 =	vadd.s32 $0xC00, v4;
	v10 =	vld.idx.msk [tilespmem:v10+s8+$0x0], $0xffff;
	[tilespmem:s26+$0x0] =	vst v11  }
0x10d: {  	s3 =	sadd.s32 $0x12500, s24;
	s5 =	sor.u32 s22, s20;
	v11 =	vadd.s32 $0xC00, v3;
	[tilespmem:s6+$0x0] =	vst v5;
	v5 =	vld.idx.msk [tilespmem:v12+s8+$0x0], $0xffff  }
0x10e: {  	s7 =	sor.u32 s23, s3;
	[tilespmem:s5+$0x0] =	vst v13;
	v12 =	vadd.s32 $0x3200, v1;
	v6 =	vld.idx.msk [tilespmem:v6+s8+$0x0], $0xffff  }
0x10f: {  	v13 =	vld.idx.msk [tilespmem:v14+s8+$0x0], $0xffff;
	[tilespmem:s7+$0x0] =	vst v8;
	v8 =	vadd.s32 $0x3200, v0  }
0x110: {  	s9 =	sadd.s32 $0xE400, s14;
	s10 =	simm.s32 $0x2;
	v14 =	vadd.s32 $0x5600, v2;
	[tilespmem:s4+$0x280] =	vst v9;
	v9 =	vld.idx.msk [tilespmem:v15+s8+$0x0], $0xffff  }
0x111: {  	s18 =	sor.u32 s13, s9;
	s11 =	sand.u32 $0x3, s10;
	[tilespmem:s2+$0x280] =	vst v10;
	v10 =	vld.idx.msk [tilespmem:v16+s8+$0x0], $0xffff;
	v15 =	vadd.s32 $0x5800, v7  }
0x112: {  	s4 =	sor.u32 s12, s9;
	s2 =	sshll.u32 s11, $0x5;
	v16 =	vadd.s32 $0xE00, v4;
	v11 =	vld.idx.msk [tilespmem:v11+s8+$0x0], $0xffff;
	[tilespmem:s18+$0x0] =	vst v5  }
0x113: {  	s19 =	sor.u32 s22, s3;
	s20 =	sadd.s32 $0x12580, s24;
	s2 =	sadd.s32 $0x200, s2;
	v5 =	vadd.s32 $0xE00, v3;
	[tilespmem:s4+$0x0] =	vst v6;
	v6 =	vld.idx.msk [tilespmem:v12+s8+$0x0], $0xffff  }
0x114: {  	s25 =	sor.u32 s23, s20;
	s21 =	sadd.s32 $0x10, s2;
	[tilespmem:s19+$0x0] =	vst v13;
	v12 =	vadd.s32 $0x3400, v1;
	v8 =	vld.idx.msk [tilespmem:v8+s8+$0x0], $0xffff  }
0x115: {  	s26 =	sor.u32 $0x300, s21;
	v13 =	vld.idx.msk [tilespmem:v14+s8+$0x0], $0xffff;
	[tilespmem:s25+$0x0] =	vst v9;
	v9 =	vadd.s32 $0x3400, v0  }
0x116: {  	s3 =	sadd.s32 $0xE480, s14;
	s2 =	sor.u32 $0x300, s2;
	v14 =	vadd.s32 $0x5800, v2;
	[tilespmem:s26+$0x8400] =	vst v10;
	v10 =	vld.idx.msk [tilespmem:v15+s8+$0x0], $0xffff  }
0x117: {  	s7 =	sor.u32 s13, s3;
	[tilespmem:s2+$0x8400] =	vst v11;
	v11 =	vld.idx.msk [tilespmem:v16+s8+$0x0], $0xffff;
	v15 =	vadd.s32 $0x5A00, v7  }
0x118: {  	s5 =	sor.u32 s12, s3;
	v16 =	vadd.s32 $0x1000, v4;
	v5 =	vld.idx.msk [tilespmem:v5+s8+$0x0], $0xffff;
	[tilespmem:s7+$0x0] =	vst v6  }
0x119: {  	s10 =	sadd.s32 $0x12600, s24;
	s9 =	sor.u32 s22, s20;
	[tilespmem:s5+$0x0] =	vst v8;
	v8 =	vld.idx.msk [tilespmem:v12+s8+$0x0], $0xffff  }
0x11a: {  	s11 =	sor.u32 s23, s10;
	v6 =	vadd.s32 $0x1000, v3;
	[tilespmem:s9+$0x0] =	vst v13;
	v9 =	vld.idx.msk [tilespmem:v9+s8+$0x0], $0xffff  }
0x11b: {  	s18 =	sor.u32 $0x380, s21;
	v12 =	vadd.s32 $0x3600, v1;
	v13 =	vld.idx.msk [tilespmem:v14+s8+$0x0], $0xffff;
	[tilespmem:s11+$0x0] =	vst v10  }
0x11c: {  	s0 =	sor.u32 s1, s0;
	[tilespmem:s18+$0x8400] =	vst v11;
	v10 =	vadd.s32 $0x3600, v0;
	v11 =	vld.idx.msk [tilespmem:v15+s8+$0x0], $0xffff  }
0x11d: {  	s0 =	sor.u32 $0x380, s0;
	s19 =	sadd.s32 $0xE500, s14;
	s21 =	simm.s32 $0x60;
	v14 =	vld.idx.msk [tilespmem:v16+s8+$0x0], $0xffff;
	v15 =	vadd.s32 $0x5A00, v2  }
0x11e: {  	s20 =	sor.u32 s13, s19;
	[tilespmem:s0+$0x8400] =	vst v5;
	v16 =	vadd.s32 $0x5C00, v7;
	v5 =	vld [tilespmem:s21+$0x0]  }
0x11f: {  	v17 =	vadd.s32 $0x1200, v4;
	s0 =	sor.u32 s12, s19;
	v6 =	vld.idx.msk [tilespmem:v6+s8+$0x0], $0xffff;
	[tilespmem:s20+$0x0] =	vst v8  }
0x120: {  	s25 =	sor.u32 s22, s10;
	s26 =	sadd.s32 $0x12680, s24;
	v8 =	vadd.s32 $0x1200, v3;
	[tilespmem:s0+$0x0] =	vst v9;
	v9 =	vld.idx.msk [tilespmem:v12+s8+$0x0], $0xffff  }
0x121: {  	s3 =	sadd.s32 $0xA400, s17;
	s4 =	sor.u32 s23, s26;
	[tilespmem:s25+$0x0] =	vst v13;
	v12 =	vadd.s32 $0x3800, v1;
	v10 =	vld.idx.msk [tilespmem:v10+s8+$0x0], $0xffff  }
0x122: {  	s5 =	sor.u32 s16, s3;
	v13 =	vld.idx.msk [tilespmem:v15+s8+$0x0], $0xffff;
	[tilespmem:s4+$0x0] =	vst v11;
	v11 =	vadd.s32 $0x3800, v0  }
0x123: {  	s6 =	sor.u32 s15, s3;
	s7 =	sadd.s32 $0xE580, s14;
	[tilespmem:s5+$0x0] =	vst v14;
	v15 =	vadd.s32 $0x5C00, v2;
	v14 =	vld.idx.msk [tilespmem:v16+s8+$0x0], $0xffff  }
0x124: {  	s9 =	sor.u32 s13, s7;
	[tilespmem:s6+$0x0] =	vst v6;
	v6 =	vld.idx.msk [tilespmem:v17+s8+$0x0], $0xffff;
	v16 =	vadd.s32 $0x5E00, v7  }
0x125: {  	s2 =	sor.u32 s12, s7;
	v17 =	vadd.s32 $0x1400, v4;
	v8 =	vld.idx.msk [tilespmem:v8+s8+$0x0], $0xffff;
	[tilespmem:s9+$0x0] =	vst v9  }
0x126: {  	s10 =	sadd.s32 $0x12700, s24;
	s0 =	sor.u32 s22, s26;
	v9 =	vadd.s32 $0x1400, v3;
	[tilespmem:s2+$0x0] =	vst v10;
	v10 =	vld.idx.msk [tilespmem:v12+s8+$0x0], $0xffff  }
0x127: {  	s11 =	sadd.s32 $0xA480, s17;
	s18 =	sor.u32 s23, s10;
	v12 =	vadd.s32 $0x3A00, v1;
	v11 =	vld.idx.msk [tilespmem:v11+s8+$0x0], $0xffff;
	[tilespmem:s0+$0x0] =	vst v13  }
0x128: {  	s19 =	sor.u32 s16, s11;
	v13 =	vld.idx.msk [tilespmem:v15+s8+$0x0], $0xffff;
	[tilespmem:s18+$0x0] =	vst v14;
	v14 =	vadd.s32 $0x3A00, v0  }
0x129: {  	s20 =	sor.u32 s15, s11;
	s25 =	sadd.s32 $0xE600, s14;
	[tilespmem:s19+$0x0] =	vst v6;
	v15 =	vadd.s32 $0x5E00, v2;
	v6 =	vld.idx.msk [tilespmem:v16+s8+$0x0], $0xffff  }
0x12a: {  	s26 =	sor.u32 s13, s25;
	[tilespmem:s20+$0x0] =	vst v8;
	v8 =	vld.idx.msk [tilespmem:v17+s8+$0x0], $0xffff;
	v16 =	vadd.s32 $0x6000, v7  }
0x12b: {  	s2 =	sor.u32 s12, s25;
	v17 =	vadd.s32 $0x1600, v4;
	v9 =	vld.idx.msk [tilespmem:v9+s8+$0x0], $0xffff;
	[tilespmem:s26+$0x0] =	vst v10  }
0x12c: {  	s1 =	sor.u32 s22, s10;
	s3 =	sadd.s32 $0x12780, s24;
	v10 =	vadd.s32 $0x1600, v3;
	[tilespmem:s2+$0x0] =	vst v11;
	v11 =	vld.idx.msk [tilespmem:v12+s8+$0x0], $0xffff  }
0x12d: {  	s5 =	sadd.s32 $0xA500, s17;
	s6 =	sor.u32 s23, s3;
	v12 =	vld.idx.msk [tilespmem:v14+s8+$0x0], $0xffff;
	[tilespmem:s1+$0x0] =	vst v13;
	v13 =	vadd.s32 $0x3C00, v1  }
0x12e: {  	s7 =	sor.u32 s16, s5;
	v14 =	vld.idx.msk [tilespmem:v15+s8+$0x0], $0xffff;
	[tilespmem:s6+$0x0] =	vst v6;
	v6 =	vadd.s32 $0x3C00, v0  }
0x12f: {  	s10 =	sadd.s32 $0xE680, s14;
	s9 =	sor.u32 s15, s5;
	[tilespmem:s7+$0x0] =	vst v8;
	v15 =	vadd.s32 $0x6000, v2;
	v8 =	vld.idx.msk [tilespmem:v16+s8+$0x0], $0xffff  }
0x130: {  	s11 =	sor.u32 s13, s10;
	[tilespmem:s9+$0x0] =	vst v9;
	v9 =	vld.idx.msk [tilespmem:v17+s8+$0x0], $0xffff;
	v16 =	vadd.s32 $0x6200, v7  }
0x131: {  	s2 =	sor.u32 s12, s10;
	v17 =	vadd.s32 $0x1800, v4;
	v10 =	vld.idx.msk [tilespmem:v10+s8+$0x0], $0xffff;
	[tilespmem:s11+$0x0] =	vst v11  }
0x132: {  	s18 =	sor.u32 s22, s3;
	s19 =	sadd.s32 $0x14400, s24;
	v11 =	vadd.s32 $0x1800, v3;
	[tilespmem:s2+$0x0] =	vst v12;
	v12 =	vld.idx.msk [tilespmem:v13+s8+$0x0], $0xffff  }
0x133: {  	s20 =	sadd.s32 $0xA580, s17;
	s25 =	sor.u32 s23, s19;
	v13 =	vadd.s32 $0x3E00, v1;
	v6 =	vld.idx.msk [tilespmem:v6+s8+$0x0], $0xffff;
	[tilespmem:s18+$0x0] =	vst v14  }
0x134: {  	s26 =	sor.u32 s16, s20;
	v14 =	vld.idx.msk [tilespmem:v15+s8+$0x0], $0xffff;
	[tilespmem:s25+$0x0] =	vst v8;
	v8 =	vadd.s32 $0x3E00, v0  }
0x135: {  	s4 =	sadd.s32 $0xE700, s14;
	s3 =	sor.u32 s15, s20;
	[tilespmem:s26+$0x0] =	vst v9;
	v15 =	vadd.s32 $0x6200, v2;
	v9 =	vld.idx.msk [tilespmem:v16+s8+$0x0], $0xffff  }
0x136: {  	s5 =	sor.u32 s13, s4;
	[tilespmem:s3+$0x0] =	vst v10;
	v10 =	vld.idx.msk [tilespmem:v17+s8+$0x0], $0xffff;
	v16 =	vadd.s32 $0x6400, v7  }
0x137: {  	s2 =	sor.u32 s12, s4;
	v17 =	vadd.s32 $0x1A00, v4;
	v11 =	vld.idx.msk [tilespmem:v11+s8+$0x0], $0xffff;
	[tilespmem:s5+$0x0] =	vst v12  }
0x138: {  	s6 =	sor.u32 s22, s19;
	s7 =	sadd.s32 $0x14480, s24;
	v12 =	vadd.s32 $0x1A00, v3;
	[tilespmem:s2+$0x0] =	vst v6;
	v6 =	vld.idx.msk [tilespmem:v13+s8+$0x0], $0xffff  }
0x139: {  	s9 =	sadd.s32 $0xA600, s17;
	s10 =	sor.u32 s23, s7;
	v13 =	vadd.s32 $0x4000, v1;
	v8 =	vld.idx.msk [tilespmem:v8+s8+$0x0], $0xffff;
	[tilespmem:s6+$0x0] =	vst v14  }
0x13a: {  	s11 =	sor.u32 s16, s9;
	v14 =	vld.idx.msk [tilespmem:v15+s8+$0x0], $0xffff;
	[tilespmem:s10+$0x0] =	vst v9;
	v9 =	vadd.s32 $0x4000, v0  }
0x13b: {  	s19 =	sadd.s32 $0xE780, s14;
	s18 =	sor.u32 s15, s9;
	[tilespmem:s11+$0x0] =	vst v10;
	v15 =	vadd.s32 $0x6400, v2;
	v10 =	vld.idx.msk [tilespmem:v16+s8+$0x0], $0xffff  }
0x13c: {  	s20 =	sor.u32 s13, s19;
	[tilespmem:s18+$0x0] =	vst v11;
	v11 =	vld.idx.msk [tilespmem:v17+s8+$0x0], $0xffff;
	v16 =	vadd.s32 $0x6600, v7  }
0x13d: {  	s2 =	sor.u32 s12, s19;
	v17 =	vadd.s32 $0x1C00, v4;
	v12 =	vld.idx.msk [tilespmem:v12+s8+$0x0], $0xffff;
	[tilespmem:s20+$0x0] =	vst v6  }
0x13e: {  	s25 =	sor.u32 s22, s7;
	s26 =	sadd.s32 $0x14500, s24;
	v6 =	vadd.s32 $0x1C00, v3;
	[tilespmem:s2+$0x0] =	vst v8;
	v8 =	vld.idx.msk [tilespmem:v13+s8+$0x0], $0xffff  }
0x13f: {  	s3 =	sadd.s32 $0xA680, s17;
	s4 =	sor.u32 s23, s26;
	v13 =	vadd.s32 $0x4200, v1;
	v9 =	vld.idx.msk [tilespmem:v9+s8+$0x0], $0xffff;
	[tilespmem:s25+$0x0] =	vst v14  }
0x140: {  	s5 =	sor.u32 s16, s3;
	v14 =	vld.idx.msk [tilespmem:v15+s8+$0x0], $0xffff;
	[tilespmem:s4+$0x0] =	vst v10;
	v10 =	vadd.s32 $0x4200, v0  }
0x141: {  	s7 =	sadd.s32 $0x10400, s14;
	s6 =	sor.u32 s15, s3;
	[tilespmem:s5+$0x0] =	vst v11;
	v15 =	vadd.s32 $0x6600, v2;
	v11 =	vld.idx.msk [tilespmem:v16+s8+$0x0], $0xffff  }
0x142: {  	s9 =	sor.u32 s13, s7;
	[tilespmem:s6+$0x0] =	vst v12;
	v12 =	vld.idx.msk [tilespmem:v17+s8+$0x0], $0xffff;
	v16 =	vadd.s32 $0x6800, v7  }
0x143: {  	s2 =	sor.u32 s12, s7;
	v17 =	vadd.s32 $0x1E00, v4;
	v6 =	vld.idx.msk [tilespmem:v6+s8+$0x0], $0xffff;
	[tilespmem:s9+$0x0] =	vst v8  }
0x144: {  	s10 =	sor.u32 s22, s26;
	s11 =	sadd.s32 $0x14580, s24;
	v8 =	vadd.s32 $0x1E00, v3;
	[tilespmem:s2+$0x0] =	vst v9;
	v9 =	vld.idx.msk [tilespmem:v13+s8+$0x0], $0xffff  }
0x145: {  	s18 =	sadd.s32 $0xA700, s17;
	s19 =	sor.u32 s23, s11;
	v13 =	vadd.s32 $0x4400, v1;
	v10 =	vld.idx.msk [tilespmem:v10+s8+$0x0], $0xffff;
	[tilespmem:s10+$0x0] =	vst v14  }
0x146: {  	s20 =	sor.u32 s16, s18;
	v14 =	vld.idx.msk [tilespmem:v15+s8+$0x0], $0xffff;
	[tilespmem:s19+$0x0] =	vst v11;
	v11 =	vadd.s32 $0x4400, v0  }
0x147: {  	s26 =	sadd.s32 $0x10480, s14;
	s25 =	sor.u32 s15, s18;
	[tilespmem:s20+$0x0] =	vst v12;
	v15 =	vadd.s32 $0x6800, v2;
	v12 =	vld.idx.msk [tilespmem:v16+s8+$0x0], $0xffff  }
0x148: {  	s3 =	sor.u32 s13, s26;
	[tilespmem:s25+$0x0] =	vst v6;
	v6 =	vld.idx.msk [tilespmem:v17+s8+$0x0], $0xffff;
	v16 =	vadd.s32 $0x6A00, v7  }
0x149: {  	s2 =	sor.u32 s12, s26;
	v17 =	vadd.s32 $0x2000, v4;
	v8 =	vld.idx.msk [tilespmem:v8+s8+$0x0], $0xffff;
	[tilespmem:s3+$0x0] =	vst v9  }
0x14a: {  	s4 =	sor.u32 s22, s11;
	s5 =	sadd.s32 $0x14600, s24;
	v9 =	vadd.s32 $0x2000, v3;
	[tilespmem:s2+$0x0] =	vst v10;
	v10 =	vld.idx.msk [tilespmem:v13+s8+$0x0], $0xffff  }
0x14b: {  	s6 =	sadd.s32 $0xA780, s17;
	s7 =	sor.u32 s23, s5;
	v13 =	vadd.s32 $0x4600, v1;
	v11 =	vld.idx.msk [tilespmem:v11+s8+$0x0], $0xffff;
	[tilespmem:s4+$0x0] =	vst v14  }
0x14c: {  	s9 =	sor.u32 s16, s6;
	v14 =	vld.idx.msk [tilespmem:v15+s8+$0x0], $0xffff;
	[tilespmem:s7+$0x0] =	vst v12;
	v12 =	vadd.s32 $0x4600, v0  }
0x14d: {  	s11 =	sadd.s32 $0x10500, s14;
	s10 =	sor.u32 s15, s6;
	[tilespmem:s9+$0x0] =	vst v6;
	v15 =	vadd.s32 $0x6A00, v2;
	v6 =	vld.idx.msk [tilespmem:v16+s8+$0x0], $0xffff  }
0x14e: {  	s18 =	sor.u32 s13, s11;
	[tilespmem:s10+$0x0] =	vst v8;
	v8 =	vld.idx.msk [tilespmem:v17+s8+$0x0], $0xffff;
	v16 =	vadd.s32 $0x6C00, v7  }
0x14f: {  	s2 =	sor.u32 s12, s11;
	v17 =	vadd.s32 $0x2200, v4;
	v9 =	vld.idx.msk [tilespmem:v9+s8+$0x0], $0xffff;
	[tilespmem:s18+$0x0] =	vst v10  }
0x150: {  	s19 =	sor.u32 s22, s5;
	s20 =	sadd.s32 $0x14680, s24;
	v10 =	vadd.s32 $0x2200, v3;
	[tilespmem:s2+$0x0] =	vst v11;
	v11 =	vld.idx.msk [tilespmem:v13+s8+$0x0], $0xffff  }
0x151: {  	s25 =	sadd.s32 $0xC400, s17;
	s26 =	sor.u32 s23, s20;
	v12 =	vld.idx.msk [tilespmem:v12+s8+$0x0], $0xffff;
	[tilespmem:s19+$0x0] =	vst v14  }
0x152: {  	s3 =	sor.u32 s16, s25;
	v13 =	vadd.s32 $0x4800, v1;
	v14 =	vld.idx.msk [tilespmem:v15+s8+$0x0], $0xffff;
	[tilespmem:s26+$0x0] =	vst v6  }
0x153: {  	s5 =	sor.u32 s15, s25;
	s19 =	sand.u32 $0x60, s21;
	[tilespmem:s3+$0x0] =	vst v8;
	v8 =	vadd.s32 $0x4800, v0;
	v15 =	vld.idx.msk [tilespmem:v16+s8+$0x0], $0xffff  }
0x154: {  	s6 =	sand.u32 $0x380, s21;
	s7 =	sadd.s32 $0x10580, s14;
	s18 =	sor.u32 $0x10, s19;
	[tilespmem:s5+$0x0] =	vst v9;
	v9 =	vld.idx.msk [tilespmem:v17+s8+$0x0], $0xffff;
	v16 =	vadd.s32 $0x6C00, v2  }
0x155: {  	s9 =	sor.u32 s13, s7;
	s2 =	sor.u32 s18, s6;
	v17 =	vadd.s32 $0x6E00, v7;
	v10 =	vld.idx.msk [tilespmem:v10+s8+$0x0], $0xffff  }
0x156: {  	v18 =	vadd.s32 $0x2400, v4;
	s0 =	sor.u32 s12, s7;
	v6 =	vld [tilespmem:s2+$0x0];
	[tilespmem:s9+$0x0] =	vst v11  }
0x157: {  	s1 =	sor.u32 s22, s20;
	s10 =	sadd.s32 $0x14700, s24;
	[tilespmem:s0+$0x0] =	vst v12;
	v12 =	vld.idx.msk [tilespmem:v13+s8+$0x0], $0xffff  }
0x158: {  	s11 =	sadd.s32 $0xC480, s17;
	s20 =	sor.u32 s23, s10;
	v11 =	vadd.s32 $0x2400, v3;
	v8 =	vld.idx.msk [tilespmem:v8+s8+$0x0], $0xffff;
	[tilespmem:s1+$0x0] =	vst v14  }
0x159: {  	s25 =	sor.u32 s16, s11;
	v13 =	vadd.s32 $0x4A00, v1;
	v14 =	vld.idx.msk [tilespmem:v16+s8+$0x0], $0xffff;
	[tilespmem:s20+$0x0] =	vst v15  }
0x15a: {  	s26 =	sadd.s32 $0x10600, s14;
	s0 =	sor.u32 s15, s11;
	[tilespmem:s25+$0x0] =	vst v9;
	v9 =	vld.idx.msk [tilespmem:v17+s8+$0x0], $0xffff  }
0x15b: {  	s3 =	sor.u32 s13, s26;
	v15 =	vadd.s32 $0x4A00, v0;
	[tilespmem:s0+$0x0] =	vst v10;
	v10 =	vld.idx.msk [tilespmem:v18+s8+$0x0], $0xffff  }
0x15c: {  	s4 =	sor.u32 s12, s26;
	v16 =	vadd.s32 $0x7000, v7;
	v17 =	vld.idx.msk [tilespmem:v5+s8+$0x0], $0xffff;
	[tilespmem:s3+$0x0] =	vst v12  }
0x15d: {  	s30 =	simm.s32 $0x300;
	s2 =	sor.u32 s22, s10;
	v18 =	vadd.s32 $0x2600, v4;
	s0 =	sadd.s32 $0x14780, s24;
	v11 =	vld.idx.msk [tilespmem:v11+s8+$0x0], $0xffff;
	[tilespmem:s4+$0x0] =	vst v8  }
0x15e: {  	s5 =	sadd.s32 $0xC500, s17;
	s20 =	sand.u32 $0x1C00, s30;
	s6 =	sor.u32 s23, s0;
	v12 =	vadd.s32 $0x2600, v3;
	v13 =	vld.idx.msk [tilespmem:v13+s8+$0x0], $0xffff;
	[tilespmem:s2+$0x0] =	vst v14  }
0x15f: {  	s7 =	sor.u32 s16, s5;
	s11 =	sadd.s32 $0x8400, s20;
	v19 =	vld.idx.msk [tilespmem:v6+s8+$0x0], $0xffff;
	v8 =	vadd.s32 $0x6E00, v2;
	[tilespmem:s6+$0x0] =	vst v9  }
0x160: {  	v20 =	vadd.s32 $0x4C00, v1;
	v15 =	vld.idx.msk [tilespmem:v15+s8+$0x0], $0xffff;
	s2 =	sor.u32 s19, s11;
	[tilespmem:s7+$0x0] =	vst v10  }
0x161: {  	s1 =	sor.u32 s15, s5;
	v9 =	vadd.s32 $0x200, v6;
	[tilespmem:s2+$0x0] =	vst v17;
	v10 =	vld.idx.msk [tilespmem:v16+s8+$0x0], $0xffff  }
0x162: {  	s9 =	sadd.s32 $0x10680, s14;
	v17 =	vadd.s32 $0x4C00, v0;
	[tilespmem:s1+$0x0] =	vst v11;
	v11 =	vld.idx.msk [tilespmem:v18+s8+$0x0], $0xffff  }
0x163: {  	s25 =	sor.u32 s13, s9;
	v16 =	vadd.s32 $0x200, v5;
	v12 =	vld.idx.msk [tilespmem:v12+s8+$0x0], $0xffff  }
0x164: {  	s5 =	sor.u32 s18, s11;
	v14 =	vadd.s32 $0x7200, v7;
	[tilespmem:s25+$0x0] =	vst v13;
	v8 =	vld.idx.msk [tilespmem:v8+s8+$0x0], $0xffff  }
0x165: {  	s4 =	sor.u32 s12, s9;
	v18 =	vadd.s32 $0x2800, v4;
	[tilespmem:s5+$0x0] =	vst v19;
	v19 =	vld.idx.msk [tilespmem:v20+s8+$0x0], $0xffff  }
0x166: {  	s1 =	sadd.s32 $0x16400, s24;
	v13 =	vadd.s32 $0x2800, v3;
	[tilespmem:s4+$0x0] =	vst v15;
	v9 =	vld.idx.msk [tilespmem:v9+s8+$0x0], $0xffff  }
0x167: {  	s26 =	sadd.s32 $0xC580, s17;
	s3 =	sor.u32 s23, s1;
	v20 =	vadd.s32 $0x4E00, v1;
	v17 =	vld.idx.msk [tilespmem:v17+s8+$0x0], $0xffff  }
0x168: {  	s10 =	sor.u32 s16, s26;
	v16 =	vld.idx.msk [tilespmem:v16+s8+$0x0], $0xffff;
	[tilespmem:s3+$0x0] =	vst v10;
	v10 =	vadd.s32 $0x400, v6  }
0x169: {  	s9 =	sadd.s32 $0x10700, s14;
	s6 =	sor.u32 s15, s26;
	[tilespmem:s10+$0x0] =	vst v11;
	v11 =	vld.idx.msk [tilespmem:v14+s8+$0x0], $0xffff;
	v14 =	vadd.s32 $0x400, v5  }
0x16a: {  	v15 =	vadd.s32 $0x7400, v7;
	s10 =	sor.u32 s13, s9;
	[tilespmem:s6+$0x0] =	vst v12;
	v12 =	vld.idx.msk [tilespmem:v18+s8+$0x0], $0xffff  }
0x16b: {  	v18 =	vadd.s32 $0x2A00, v4;
	v13 =	vld.idx.msk [tilespmem:v13+s8+$0x0], $0xffff;
	[tilespmem:s10+$0x0] =	vst v19  }
0x16c: {  	s4 =	sadd.s32 $0x16480, s24;
	[tilespmem:s5+$0x80] =	vst v9;
	v9 =	vadd.s32 $0x2A00, v3;
	v19 =	vld.idx.msk [tilespmem:v20+s8+$0x0], $0xffff  }
0x16d: {  	s11 =	sadd.s32 $0xC600, s17;
	s26 =	sor.u32 s23, s4;
	[tilespmem:s2+$0x80] =	vst v16;
	v10 =	vld.idx.msk [tilespmem:v10+s8+$0x0], $0xffff;
	v16 =	vadd.s32 $0x4E00, v0  }
0x16e: {  	s25 =	sor.u32 s16, s11;
	v20 =	vadd.s32 $0x5000, v1;
	v14 =	vld.idx.msk [tilespmem:v14+s8+$0x0], $0xffff;
	[tilespmem:s26+$0x0] =	vst v11  }
0x16f: {  	s7 =	sor.u32 s15, s11;
	v11 =	vadd.s32 $0x600, v6;
	[tilespmem:s25+$0x0] =	vst v12;
	v12 =	vld.idx.msk [tilespmem:v15+s8+$0x0], $0xffff  }
0x170: {  	s6 =	sor.u32 s12, s9;
	v15 =	vadd.s32 $0x600, v5;
	[tilespmem:s7+$0x0] =	vst v13;
	v13 =	vld.idx.msk [tilespmem:v18+s8+$0x0], $0xffff;
	s7 =	sadd.s32 $0x10780, s14  }
0x171: {  	[tilespmem:s6+$0x0] =	vst v17;
	v17 =	vadd.s32 $0x7600, v7;
	s3 =	sor.u32 s13, s7;
	v9 =	vld.idx.msk [tilespmem:v9+s8+$0x0], $0xffff  }
0x172: {  	v18 =	vadd.s32 $0x2C00, v4;
	[tilespmem:s3+$0x0] =	vst v19;
	v16 =	vld.idx.msk [tilespmem:v16+s8+$0x0], $0xffff  }
0x173: {  	s6 =	sadd.s32 $0x16500, s24;
	[tilespmem:s5+$0x100] =	vst v10;
	v10 =	vadd.s32 $0x2C00, v3;
	v19 =	vld.idx.msk [tilespmem:v20+s8+$0x0], $0xffff  }
0x174: {  	s9 =	sadd.s32 $0xC680, s17;
	s11 =	sor.u32 s23, s6;
	[tilespmem:s2+$0x100] =	vst v14;
	v11 =	vld.idx.msk [tilespmem:v11+s8+$0x0], $0xffff;
	v14 =	vadd.s32 $0x5000, v0  }
0x175: {  	s26 =	sor.u32 s16, s9;
	v20 =	vadd.s32 $0x5200, v1;
	v15 =	vld.idx.msk [tilespmem:v15+s8+$0x0], $0xffff;
	[tilespmem:s11+$0x0] =	vst v12  }
0x176: {  	s10 =	sor.u32 s15, s9;
	v12 =	vadd.s32 $0x800, v6;
	[tilespmem:s26+$0x0] =	vst v13;
	v13 =	vld.idx.msk [tilespmem:v17+s8+$0x0], $0xffff  }
0x177: {  	s25 =	sadd.s32 $0x12400, s14;
	s7 =	sor.u32 s12, s7;
	v17 =	vadd.s32 $0x800, v5;
	[tilespmem:s10+$0x0] =	vst v9;
	v9 =	vld.idx.msk [tilespmem:v18+s8+$0x0], $0xffff  }
0x178: {  	s3 =	sor.u32 s13, s25;
	v10 =	vld.idx.msk [tilespmem:v10+s8+$0x0], $0xffff;
	[tilespmem:s7+$0x0] =	vst v16;
	v16 =	vadd.s32 $0x7800, v7  }
0x179: {  	v18 =	vadd.s32 $0x2E00, v4;
	[tilespmem:s3+$0x0] =	vst v19;
	v14 =	vld.idx.msk [tilespmem:v14+s8+$0x0], $0xffff  }
0x17a: {  	s10 =	sadd.s32 $0x16580, s24;
	[tilespmem:s5+$0x180] =	vst v11;
	v11 =	vadd.s32 $0x2E00, v3;
	v19 =	vld.idx.msk [tilespmem:v20+s8+$0x0], $0xffff  }
0x17b: {  	s9 =	sadd.s32 $0xC700, s17;
	s11 =	sor.u32 s23, s10;
	[tilespmem:s2+$0x180] =	vst v15;
	v12 =	vld.idx.msk [tilespmem:v12+s8+$0x0], $0xffff;
	v15 =	vadd.s32 $0x5200, v0  }
0x17c: {  	s28 =	sor.u32 s16, s9;
	v20 =	vadd.s32 $0x5400, v1;
	v17 =	vld.idx.msk [tilespmem:v17+s8+$0x0], $0xffff;
	[tilespmem:s11+$0x0] =	vst v13  }
0x17d: {  	s7 =	sor.u32 s15, s9;
	v13 =	vadd.s32 $0xA00, v6;
	[tilespmem:s28+$0x0] =	vst v9;
	v9 =	vld.idx.msk [tilespmem:v16+s8+$0x0], $0xffff  }
0x17e: {  	s25 =	sor.u32 s12, s25;
	s3 =	sadd.s32 $0x12480, s14;
	v16 =	vadd.s32 $0xA00, v5;
	[tilespmem:s7+$0x0] =	vst v10;
	v10 =	vld.idx.msk [tilespmem:v18+s8+$0x0], $0xffff  }
0x17f: {  	s9 =	sor.u32 s13, s3;
	v11 =	vld.idx.msk [tilespmem:v11+s8+$0x0], $0xffff;
	[tilespmem:s25+$0x0] =	vst v14;
	v14 =	vadd.s32 $0x7A00, v7  }
0x180: {  	v18 =	vadd.s32 $0x3000, v4;
	[tilespmem:s9+$0x0] =	vst v19;
	v15 =	vld.idx.msk [tilespmem:v15+s8+$0x0], $0xffff  }
0x181: {  	s25 =	sadd.s32 $0x16600, s24;
	[tilespmem:s5+$0x200] =	vst v12;
	v12 =	vadd.s32 $0x3000, v3;
	v19 =	vld.idx.msk [tilespmem:v20+s8+$0x0], $0xffff  }
0x182: {  	s11 =	sadd.s32 $0xC780, s17;
	s28 =	sor.u32 s23, s25;
	[tilespmem:s2+$0x200] =	vst v17;
	v13 =	vld.idx.msk [tilespmem:v13+s8+$0x0], $0xffff;
	v17 =	vadd.s32 $0x5400, v0  }
0x183: {  	s29 =	sor.u32 s16, s11;
	v20 =	vadd.s32 $0x5600, v1;
	v16 =	vld.idx.msk [tilespmem:v16+s8+$0x0], $0xffff;
	[tilespmem:s28+$0x0] =	vst v9  }
0x184: {  	s26 =	sor.u32 s15, s11;
	v9 =	vadd.s32 $0xC00, v6;
	[tilespmem:s29+$0x0] =	vst v10;
	v10 =	vld.idx.msk [tilespmem:v14+s8+$0x0], $0xffff  }
0x185: {  	s7 =	sor.u32 s12, s3;
	s3 =	sadd.s32 $0x12500, s14;
	v14 =	vadd.s32 $0xC00, v5;
	[tilespmem:s26+$0x0] =	vst v11;
	v11 =	vld.idx.msk [tilespmem:v18+s8+$0x0], $0xffff  }
0x186: {  	s9 =	sor.u32 s13, s3;
	v12 =	vld.idx.msk [tilespmem:v12+s8+$0x0], $0xffff;
	[tilespmem:s7+$0x0] =	vst v15;
	v15 =	vadd.s32 $0x7C00, v7  }
0x187: {  	v18 =	vadd.s32 $0x3200, v4;
	[tilespmem:s9+$0x0] =	vst v19;
	v17 =	vld.idx.msk [tilespmem:v17+s8+$0x0], $0xffff  }
0x188: {  	[tilespmem:s5+$0x280] =	vst v13;
	v13 =	vadd.s32 $0x3200, v3;
	v19 =	vld.idx.msk [tilespmem:v20+s8+$0x0], $0xffff;
	s5 =	sadd.s32 $0x16680, s24  }
0x189: {  	s11 =	sadd.s32 $0xE400, s17;
	s7 =	simm.s32 $0x3;
	s28 =	sor.u32 s23, s5;
	[tilespmem:s2+$0x280] =	vst v16;
	v9 =	vld.idx.msk [tilespmem:v9+s8+$0x0], $0xffff;
	v16 =	vadd.s32 $0x5600, v0  }
0x18a: {  	s29 =	sand.u32 $0x3, s7;
	v14 =	vld.idx.msk [tilespmem:v14+s8+$0x0], $0xffff;
	[tilespmem:s28+$0x0] =	vst v10;
	s28 =	sor.u32 s16, s11;
	v10 =	vadd.s32 $0x5800, v1  }
0x18b: {  	v20 =	vadd.s32 $0xE00, v6;
	s29 =	sshll.u32 s29, $0x5;
	s2 =	sor.u32 s15, s11;
	[tilespmem:s28+$0x0] =	vst v11;
	v11 =	vld.idx.msk [tilespmem:v15+s8+$0x0], $0xffff  }
0x18c: {  	s26 =	sor.u32 s12, s3;
	s28 =	sadd.s32 $0x300, s29;
	v15 =	vadd.s32 $0xE00, v5;
	[tilespmem:s2+$0x0] =	vst v12;
	s29 =	sadd.s32 $0x12580, s14;
	v12 =	vld.idx.msk [tilespmem:v18+s8+$0x0], $0xffff  }
0x18d: {  	v7 =	vadd.s32 $0x7E00, v7;
	s3 =	sadd.s32 $0x10, s28;
	v13 =	vld.idx.msk [tilespmem:v13+s8+$0x0], $0xffff;
	[tilespmem:s26+$0x0] =	vst v17;
	s26 =	sor.u32 s13, s29  }
0x18e: {  	v17 =	vadd.s32 $0x3400, v4;
	[tilespmem:s26+$0x0] =	vst v19;
	s9 =	sor.u32 $0x300, s3;
	v16 =	vld.idx.msk [tilespmem:v16+s8+$0x0], $0xffff  }
0x18f: {  	s11 =	sor.u32 $0x300, s28;
	[tilespmem:s9+$0x8400] =	vst v9;
	v9 =	vadd.s32 $0x3400, v3;
	s9 =	sadd.s32 $0x16700, s24;
	v10 =	vld.idx.msk [tilespmem:v10+s8+$0x0], $0xffff  }
0x190: {  	s28 =	sadd.s32 $0xE480, s17;
	s26 =	sor.u32 s30, s21;
	v19 =	vadd.s32 $0x5800, v0;
	[tilespmem:s11+$0x8400] =	vst v14;
	v18 =	vld.idx.msk [tilespmem:v20+s8+$0x0], $0xffff;
	s11 =	sor.u32 s23, s9  }
0x191: {  	s1 =	sor.u32 s22, s1;
	[tilespmem:s11+$0x0] =	vst v11;
	s11 =	sor.u32 $0x380, s26;
	v11 =	vld.idx.msk [tilespmem:v15+s8+$0x0], $0xffff;
	v15 =	vadd.s32 $0x5A00, v1;
	s26 =	sor.u32 s16, s28  }
0x192: {  	s31 =	sor.u32 s22, s6;
	s6 =	sadd.s32 $0x12600, s14;
	[tilespmem:s26+$0x0] =	vst v12;
	s26 =	sor.u32 s15, s28;
	v12 =	vadd.s32 $0x1000, v6;
	v20 =	vld.idx.msk [tilespmem:v7+s8+$0x0], $0xffff  }
0x193: {  	v21 =	vadd.s32 $0x1000, v5;
	s2 =	sor.u32 s22, s0;
	s0 =	sor.u32 s22, s4;
	[tilespmem:s26+$0x0] =	vst v13;
	s26 =	sor.u32 s12, s29;
	v13 =	vld.idx.msk [tilespmem:v17+s8+$0x0], $0xffff  }
0x194: {  	s3 =	sor.u32 $0x380, s3;
	s28 =	sor.u32 s22, s25;
	[tilespmem:s26+$0x0] =	vst v16;
	v14 =	vld.idx.msk [tilespmem:v9+s8+$0x0], $0xffff;
	s26 =	sor.u32 s13, s6  }
0x195: {  	s25 =	sor.u32 s22, s9;
	s9 =	sadd.s32 $0x16780, s24;
	s24 =	sadd.s32 $0xE500, s17;
	[tilespmem:s26+$0x0] =	vst v10;
	v10 =	vld.idx.msk [tilespmem:v19+s8+$0x0], $0xffff  }
0x196: {  	s29 =	sor.u32 s22, s10;
	s10 =	simm.s32 $0x6;
	s4 =	sor.u32 s15, s24;
	[tilespmem:s3+$0x8400] =	vst v18;
	v7 =	vld.idx.msk [tilespmem:v15+s8+$0x0], $0xffff  }
0x197: {  	s6 =	sor.u32 s12, s6;
	s26 =	sor.u32 s22, s5;
	s3 =	sor.u32 s23, s9;
	v15 =	vadd.s32 $0x3600, v4;
	[tilespmem:s11+$0x8400] =	vst v11;
	v17 =	vld.idx.msk [tilespmem:v12+s8+$0x0], $0xffff  }
0x198: {  	v16 =	vadd.s32 $0x3600, v3;
	v9 =	vadd.s32 $0x5C00, v1;
	s22 =	sor.u32 s22, s9;
	s23 =	simm.s32 $0x80;
	s5 =	sor.u32 s16, s24;
	v11 =	vadd.s32 $0x5A00, v0;
	v18 =	vld.idx.msk [tilespmem:v21+s8+$0x0], $0xffff;
	[tilespmem:s3+$0x0] =	vst v20  }
.LBB2_2:
0x199: {  	_ =	sdelay $0x1  }
0x19a: {  	v12 =	vld [tilespmem:s23+$0x0];
	s24 =	smov.u32 s12;
	[tilespmem:s5+$0x0] =	vst v13  }
0x19b: {  	s3 =	sadd.s32 $0x12680, s14;
	v13 =	vadd.s32 $0x1200, v5;
	[tilespmem:s4+$0x0] =	vst v14;
	v14 =	vld.idx.msk [tilespmem:v15+s8+$0x0], $0xffff;
	s4 =	smov.u32 s13;
	s13 =	smov.u32 s16  }
0x19c: {  	v19 =	vadd.s32 $0x1200, v6;
	s16 =	sadd.s32 $0xA400, s20;
	v15 =	vld.idx.msk [tilespmem:v16+s8+$0x0], $0xffff;
	[tilespmem:s6+$0x0] =	vst v10;
	s6 =	sor.u32 s24, s3;
	s3 =	sor.u32 s4, s3  }
0x19d: {  	s12 =	smov.u32 s15;
	s15 =	smov.u32 s19;
	v10 =	vadd.s32 $0x7000, v2;
	s5 =	sor.u32 s18, s16;
	[tilespmem:s3+$0x0] =	vst v7  }
0x19e: {  	s9 =	sor.u32 s15, s16;
	v11 =	vld.idx.msk [tilespmem:v11+s8+$0x0], $0xffff;
	v7 =	vadd.s32 $0x3800, v3;
	[tilespmem:s5+$0x0] =	vst v17  }
0x19f: {  	s19 =	sadd.s32 $0xE580, s17;
	v16 =	vadd.s32 $0x3800, v4;
	[tilespmem:s9+$0x0] =	vst v18;
	v9 =	vld.idx.msk [tilespmem:v9+s8+$0x0], $0xffff  }
0x1a0: {  	v18 =	vadd.s32 $0x5C00, v0;
	s3 =	sor.u32 s13, s19;
	v13 =	vld.idx.msk [tilespmem:v13+s8+$0x0], $0xffff;
	[tilespmem:s2+$0x0] =	vst v8  }
0x1a1: {  	s5 =	smov.u32 s20;
	s20 =	sor.u32 s12, s19;
	v17 =	vld.idx.msk [tilespmem:v19+s8+$0x0], $0xffff;
	[tilespmem:s3+$0x0] =	vst v14;
	v14 =	vadd.s32 $0x1400, v5  }
0x1a2: {  	s11 =	sadd.s32 $0x12700, s14;
	v19 =	vadd.s32 $0x5E00, v1;
	v10 =	vld.idx.msk [tilespmem:v10+s8+$0x0], $0xffff;
	[tilespmem:s20+$0x0] =	vst v15  }
0x1a3: {  	s16 =	smov.u32 s18;
	v8 =	vadd.s32 $0x1400, v6;
	s18 =	sadd.s32 $0xA480, s5;
	s2 =	sor.u32 s4, s11;
	v7 =	vld.idx.msk [tilespmem:v7+s8+$0x0], $0xffff;
	[tilespmem:s6+$0x0] =	vst v11  }
0x1a4: {  	v15 =	vld.idx.msk [tilespmem:v16+s8+$0x0], $0xffff;
	s20 =	sor.u32 s15, s18;
	v11 =	vadd.s32 $0x7200, v2;
	[tilespmem:s2+$0x0] =	vst v9  }
0x1a5: {  	s3 =	sor.u32 s16, s18;
	v16 =	vadd.s32 $0x3A00, v4;
	v18 =	vld.idx.msk [tilespmem:v18+s8+$0x0], $0xffff;
	[tilespmem:s20+$0x0] =	vst v13  }
0x1a6: {  	v9 =	vadd.s32 $0x3A00, v3;
	[tilespmem:s3+$0x0] =	vst v17;
	v14 =	vld.idx.msk [tilespmem:v14+s8+$0x0], $0xffff  }
0x1a7: {  	v13 =	vadd.s32 $0x5E00, v0;
	s3 =	sadd.s32 $0xE600, s17;
	v17 =	vld.idx.msk [tilespmem:v19+s8+$0x0], $0xffff  }
0x1a8: {  	v8 =	vld.idx.msk [tilespmem:v8+s8+$0x0], $0xffff;
	s2 =	sor.u32 s13, s3;
	[tilespmem:s1+$0x0] =	vst v10  }
0x1a9: {  	s9 =	sor.u32 s12, s3;
	[tilespmem:s2+$0x0] =	vst v15;
	v11 =	vld.idx.msk [tilespmem:v11+s8+$0x0], $0xffff;
	v15 =	vadd.s32 $0x1600, v5  }
0x1aa: {  	s19 =	sor.u32 s24, s11;
	s18 =	sadd.s32 $0xA500, s5;
	v19 =	vadd.s32 $0x6000, v1;
	[tilespmem:s9+$0x0] =	vst v7;
	v7 =	vld.idx.msk [tilespmem:v16+s8+$0x0], $0xffff  }
0x1ab: {  	s11 =	sadd.s32 $0x12780, s14;
	s20 =	sor.u32 s15, s18;
	v10 =	vadd.s32 $0x1600, v6;
	v9 =	vld.idx.msk [tilespmem:v9+s8+$0x0], $0xffff;
	[tilespmem:s19+$0x0] =	vst v18  }
0x1ac: {  	s1 =	sor.u32 s4, s11;
	v16 =	vadd.s32 $0x7400, v2;
	v13 =	vld.idx.msk [tilespmem:v13+s8+$0x0], $0xffff;
	[tilespmem:s20+$0x0] =	vst v14  }
0x1ad: {  	s2 =	sor.u32 s16, s18;
	[tilespmem:s1+$0x0] =	vst v17  }
0x1ae: {  	[tilespmem:s2+$0x0] =	vst v8;
	v8 =	vadd.s32 $0x3C00, v3;
	v15 =	vld.idx.msk [tilespmem:v15+s8+$0x0], $0xffff  }
0x1af: {  	s6 =	sadd.s32 $0xE680, s17;
	v18 =	vadd.s32 $0x3C00, v4;
	v17 =	vld.idx.msk [tilespmem:v19+s8+$0x0], $0xffff  }
0x1b0: {  	v14 =	vadd.s32 $0x6000, v0;
	s1 =	sor.u32 s13, s6;
	[tilespmem:s0+$0x0] =	vst v11;
	v10 =	vld.idx.msk [tilespmem:v10+s8+$0x0], $0xffff  }
0x1b1: {  	s9 =	sor.u32 s12, s6;
	[tilespmem:s1+$0x0] =	vst v7;
	v7 =	vld.idx.msk [tilespmem:v16+s8+$0x0], $0xffff;
	v16 =	vadd.s32 $0x1800, v5  }
0x1b2: {  	s19 =	sor.u32 s24, s11;
	s11 =	sadd.s32 $0x14400, s14;
	v19 =	vadd.s32 $0x6200, v1;
	[tilespmem:s9+$0x0] =	vst v9  }
0x1b3: {  	s18 =	sadd.s32 $0xA580, s5;
	v11 =	vadd.s32 $0x1800, v6;
	s0 =	sor.u32 s4, s11;
	v8 =	vld.idx.msk [tilespmem:v8+s8+$0x0], $0xffff;
	[tilespmem:s19+$0x0] =	vst v13  }
0x1b4: {  	s20 =	sor.u32 s15, s18;
	v9 =	vld.idx.msk [tilespmem:v18+s8+$0x0], $0xffff;
	[tilespmem:s0+$0x0] =	vst v17  }
0x1b5: {  	s1 =	sor.u32 s16, s18;
	v13 =	vadd.s32 $0x7600, v2;
	v14 =	vld.idx.msk [tilespmem:v14+s8+$0x0], $0xffff;
	[tilespmem:s20+$0x0] =	vst v15  }
0x1b6: {  	[tilespmem:s1+$0x0] =	vst v10;
	v10 =	vadd.s32 $0x3E00, v3;
	v16 =	vld.idx.msk [tilespmem:v16+s8+$0x0], $0xffff  }
0x1b7: {  	s6 =	sadd.s32 $0xE700, s17;
	v18 =	vadd.s32 $0x3E00, v4;
	v17 =	vld.idx.msk [tilespmem:v19+s8+$0x0], $0xffff  }
0x1b8: {  	v15 =	vadd.s32 $0x6200, v0;
	s0 =	sor.u32 s13, s6;
	[tilespmem:s31+$0x0] =	vst v7;
	v11 =	vld.idx.msk [tilespmem:v11+s8+$0x0], $0xffff  }
0x1b9: {  	s9 =	sor.u32 s12, s6;
	v19 =	vadd.s32 $0x6400, v1;
	[tilespmem:s0+$0x0] =	vst v9  }
0x1ba: {  	s19 =	sor.u32 s24, s11;
	s11 =	sadd.s32 $0x14480, s14;
	v7 =	vadd.s32 $0x1A00, v6;
	v9 =	vld.idx.msk [tilespmem:v13+s8+$0x0], $0xffff;
	[tilespmem:s9+$0x0] =	vst v8  }
0x1bb: {  	s18 =	sadd.s32 $0xA600, s5;
	s0 =	sor.u32 s4, s11;
	v13 =	vadd.s32 $0x1A00, v5;
	v10 =	vld.idx.msk [tilespmem:v10+s8+$0x0], $0xffff;
	[tilespmem:s19+$0x0] =	vst v14  }
0x1bc: {  	s1 =	sor.u32 s16, s18;
	v8 =	vld.idx.msk [tilespmem:v18+s8+$0x0], $0xffff;
	[tilespmem:s0+$0x0] =	vst v17  }
0x1bd: {  	v14 =	vadd.s32 $0x7800, v2;
	v15 =	vld.idx.msk [tilespmem:v15+s8+$0x0], $0xffff;
	[tilespmem:s1+$0x0] =	vst v11  }
0x1be: {  	s20 =	sor.u32 s15, s18;
	v11 =	vadd.s32 $0x4000, v3;
	v17 =	vld.idx.msk [tilespmem:v19+s8+$0x0], $0xffff  }
0x1bf: {  	s6 =	sadd.s32 $0xE780, s17;
	v18 =	vadd.s32 $0x4000, v4;
	[tilespmem:s20+$0x0] =	vst v16;
	v7 =	vld.idx.msk [tilespmem:v7+s8+$0x0], $0xffff  }
0x1c0: {  	v16 =	vadd.s32 $0x6400, v0;
	s0 =	sor.u32 s13, s6;
	v13 =	vld.idx.msk [tilespmem:v13+s8+$0x0], $0xffff;
	[tilespmem:s29+$0x0] =	vst v9  }
0x1c1: {  	s9 =	sor.u32 s12, s6;
	v19 =	vadd.s32 $0x6600, v1;
	[tilespmem:s0+$0x0] =	vst v8  }
0x1c2: {  	s19 =	sor.u32 s24, s11;
	s11 =	sadd.s32 $0x14500, s14;
	v9 =	vadd.s32 $0x1C00, v6;
	v8 =	vld.idx.msk [tilespmem:v14+s8+$0x0], $0xffff;
	[tilespmem:s9+$0x0] =	vst v10  }
0x1c3: {  	s18 =	sadd.s32 $0xA680, s5;
	s0 =	sor.u32 s4, s11;
	v14 =	vadd.s32 $0x1C00, v5;
	v11 =	vld.idx.msk [tilespmem:v11+s8+$0x0], $0xffff;
	[tilespmem:s19+$0x0] =	vst v15  }
0x1c4: {  	s1 =	sor.u32 s16, s18;
	v10 =	vld.idx.msk [tilespmem:v18+s8+$0x0], $0xffff;
	[tilespmem:s0+$0x0] =	vst v17  }
0x1c5: {  	v15 =	vadd.s32 $0x7A00, v2;
	v16 =	vld.idx.msk [tilespmem:v16+s8+$0x0], $0xffff;
	[tilespmem:s1+$0x0] =	vst v7  }
0x1c6: {  	s20 =	sor.u32 s15, s18;
	v7 =	vadd.s32 $0x4200, v3;
	v17 =	vld.idx.msk [tilespmem:v19+s8+$0x0], $0xffff  }
0x1c7: {  	v18 =	vadd.s32 $0x4200, v4;
	[tilespmem:s20+$0x0] =	vst v13;
	s1 =	sadd.s32 $0x10400, s17;
	v9 =	vld.idx.msk [tilespmem:v9+s8+$0x0], $0xffff  }
0x1c8: {  	v13 =	vadd.s32 $0x6600, v0;
	v14 =	vld.idx.msk [tilespmem:v14+s8+$0x0], $0xffff;
	s0 =	sor.u32 s13, s1;
	[tilespmem:s28+$0x0] =	vst v8  }
0x1c9: {  	s3 =	sor.u32 s12, s1;
	v19 =	vadd.s32 $0x6800, v1;
	[tilespmem:s0+$0x0] =	vst v10  }
0x1ca: {  	s6 =	sadd.s32 $0x14580, s14;
	s19 =	sor.u32 s24, s11;
	v8 =	vadd.s32 $0x1E00, v6;
	v10 =	vld.idx.msk [tilespmem:v15+s8+$0x0], $0xffff;
	[tilespmem:s3+$0x0] =	vst v11  }
0x1cb: {  	s9 =	sadd.s32 $0xA700, s5;
	s0 =	sor.u32 s4, s6;
	v15 =	vadd.s32 $0x1E00, v5;
	v7 =	vld.idx.msk [tilespmem:v7+s8+$0x0], $0xffff;
	[tilespmem:s19+$0x0] =	vst v16  }
0x1cc: {  	s1 =	sor.u32 s16, s9;
	v11 =	vld.idx.msk [tilespmem:v18+s8+$0x0], $0xffff;
	[tilespmem:s0+$0x0] =	vst v17  }
0x1cd: {  	v16 =	vadd.s32 $0x7C00, v2;
	v13 =	vld.idx.msk [tilespmem:v13+s8+$0x0], $0xffff;
	[tilespmem:s1+$0x0] =	vst v9  }
0x1ce: {  	s18 =	sor.u32 s15, s9;
	v9 =	vadd.s32 $0x4400, v3;
	v17 =	vld.idx.msk [tilespmem:v19+s8+$0x0], $0xffff  }
0x1cf: {  	v18 =	vadd.s32 $0x4400, v4;
	s19 =	sadd.s32 $0x10480, s17;
	[tilespmem:s18+$0x0] =	vst v14;
	v8 =	vld.idx.msk [tilespmem:v8+s8+$0x0], $0xffff  }
0x1d0: {  	v14 =	vadd.s32 $0x6800, v0;
	s0 =	sor.u32 s13, s19;
	v15 =	vld.idx.msk [tilespmem:v15+s8+$0x0], $0xffff;
	[tilespmem:s26+$0x0] =	vst v10  }
0x1d1: {  	s20 =	sor.u32 s12, s19;
	v19 =	vadd.s32 $0x6A00, v1;
	[tilespmem:s0+$0x0] =	vst v11  }
0x1d2: {  	s11 =	sor.u32 s24, s6;
	s3 =	sadd.s32 $0x14600, s14;
	v10 =	vadd.s32 $0x2000, v6;
	v11 =	vld.idx.msk [tilespmem:v16+s8+$0x0], $0xffff;
	[tilespmem:s20+$0x0] =	vst v7  }
0x1d3: {  	s6 =	sadd.s32 $0xA780, s5;
	s0 =	sor.u32 s4, s3;
	v16 =	vadd.s32 $0x2000, v5;
	v9 =	vld.idx.msk [tilespmem:v9+s8+$0x0], $0xffff;
	[tilespmem:s11+$0x0] =	vst v13  }
0x1d4: {  	s1 =	sor.u32 s16, s6;
	v7 =	vld.idx.msk [tilespmem:v18+s8+$0x0], $0xffff;
	[tilespmem:s0+$0x0] =	vst v17  }
0x1d5: {  	v13 =	vadd.s32 $0x7E00, v2;
	v2 =	vmov v0;
	v0 =	vmov v3;
	v14 =	vld.idx.msk [tilespmem:v14+s8+$0x0], $0xffff;
	[tilespmem:s1+$0x0] =	vst v8  }
0x1d6: {  	s11 =	sor.u32 s15, s6;
	v8 =	vadd.s32 $0x4600, v0;
	v17 =	vld.idx.msk [tilespmem:v19+s8+$0x0], $0xffff  }
0x1d7: {  	s18 =	sadd.s32 $0x10500, s17;
	v3 =	vmov v5;
	v5 =	vmov v12;
	v12 =	vadd.s32 $0x4600, v4;
	[tilespmem:s11+$0x0] =	vst v15;
	v10 =	vld.idx.msk [tilespmem:v10+s8+$0x0], $0xffff  }
0x1d8: {  	v15 =	vadd.s32 $0x6A00, v2;
	s0 =	sor.u32 s13, s18;
	v16 =	vld.idx.msk [tilespmem:v16+s8+$0x0], $0xffff;
	[tilespmem:s25+$0x0] =	vst v11  }
0x1d9: {  	s19 =	sor.u32 s12, s18;
	v18 =	vadd.s32 $0x6C00, v1;
	[tilespmem:s0+$0x0] =	vst v7  }
0x1da: {  	s9 =	sor.u32 s24, s3;
	s20 =	sadd.s32 $0x14680, s14;
	v11 =	vadd.s32 $0x2200, v6;
	v7 =	vld.idx.msk [tilespmem:v13+s8+$0x0], $0xffff;
	[tilespmem:s19+$0x0] =	vst v9  }
0x1db: {  	s25 =	sadd.s32 $0xC400, s5;
	s0 =	sor.u32 s4, s20;
	v13 =	vadd.s32 $0x2200, v3;
	v8 =	vld.idx.msk [tilespmem:v8+s8+$0x0], $0xffff;
	[tilespmem:s9+$0x0] =	vst v14  }
0x1dc: {  	s1 =	sor.u32 s16, s25;
	v9 =	vld.idx.msk [tilespmem:v12+s8+$0x0], $0xffff;
	[tilespmem:s0+$0x0] =	vst v17  }
0x1dd: {  	s21 =	sadd.s32 $0x20, s21;
	v12 =	vadd.s32 $0x4800, v4;
	v14 =	vld.idx.msk [tilespmem:v15+s8+$0x0], $0xffff;
	[tilespmem:s1+$0x0] =	vst v10  }
0x1de: {  	s2 =	sor.u32 s24, s20;
	s20 =	sand.u32 $0x60, s21;
	s26 =	sor.u32 s15, s25;
	v10 =	vadd.s32 $0x4800, v0;
	v15 =	vld.idx.msk [tilespmem:v18+s8+$0x0], $0xffff  }
0x1df: {  	s6 =	sand.u32 $0x380, s21;
	s18 =	sor.u32 $0x10, s20;
	s9 =	sadd.s32 $0x10580, s17;
	[tilespmem:s26+$0x0] =	vst v16;
	v11 =	vld.idx.msk [tilespmem:v11+s8+$0x0], $0xffff  }
0x1e0: {  	v16 =	vadd.s32 $0x6C00, v2;
	s0 =	sor.u32 s18, s6;
	s11 =	sor.u32 s13, s9;
	v13 =	vld.idx.msk [tilespmem:v13+s8+$0x0], $0xffff;
	[tilespmem:s22+$0x0] =	vst v7  }
0x1e1: {  	v17 =	vadd.s32 $0x6E00, v1;
	s19 =	sor.u32 s12, s9;
	v7 =	vld [tilespmem:s0+$0x0];
	[tilespmem:s11+$0x0] =	vst v9  }
0x1e2: {  	v18 =	vadd.s32 $0x2400, v6;
	s22 =	sadd.s32 $0x14700, s14;
	[tilespmem:s19+$0x0] =	vst v8;
	v8 =	vld.idx.msk [tilespmem:v12+s8+$0x0], $0xffff  }
0x1e3: {  	s25 =	sadd.s32 $0xC480, s5;
	v9 =	vadd.s32 $0x2400, v3;
	s0 =	sor.u32 s4, s22;
	v10 =	vld.idx.msk [tilespmem:v10+s8+$0x0], $0xffff;
	[tilespmem:s2+$0x0] =	vst v14  }
0x1e4: {  	s1 =	sor.u32 s16, s25;
	[tilespmem:s0+$0x0] =	vst v15  }
0x1e5: {  	v12 =	vadd.s32 $0x4A00, v4;
	v14 =	vld.idx.msk [tilespmem:v16+s8+$0x0], $0xffff;
	[tilespmem:s1+$0x0] =	vst v11  }
0x1e6: {  	s6 =	sor.u32 s15, s25;
	s9 =	sadd.s32 $0x10600, s17;
	v11 =	vld.idx.msk [tilespmem:v17+s8+$0x0], $0xffff  }
0x1e7: {  	[tilespmem:s6+$0x0] =	vst v13;
	v15 =	vadd.s32 $0x4A00, v0;
	s0 =	sor.u32 s13, s9;
	v13 =	vld.idx.msk [tilespmem:v18+s8+$0x0], $0xffff  }
0x1e8: {  	s11 =	sor.u32 s12, s9;
	v16 =	vadd.s32 $0x7000, v1;
	v9 =	vld.idx.msk [tilespmem:v9+s8+$0x0], $0xffff;
	[tilespmem:s0+$0x0] =	vst v8  }
0x1e9: {  	s26 =	sor.u32 s24, s22;
	s19 =	sadd.s32 $0x14780, s14;
	v17 =	vld.idx.msk [tilespmem:v5+s8+$0x0], $0xffff;
	v18 =	vadd.s32 $0x2600, v6;
	[tilespmem:s11+$0x0] =	vst v10  }
0x1ea: {  	s22 =	sadd.s32 $0xC500, s5;
	v8 =	vadd.s32 $0x2600, v3;
	s0 =	sor.u32 s4, s19;
	v10 =	vld.idx.msk [tilespmem:v12+s8+$0x0], $0xffff;
	[tilespmem:s26+$0x0] =	vst v14  }
0x1eb: {  	s1 =	sor.u32 s16, s22;
	v12 =	vld.idx.msk [tilespmem:v7+s8+$0x0], $0xffff;
	[tilespmem:s0+$0x0] =	vst v11  }
0x1ec: {  	v14 =	vadd.s32 $0x6E00, v2;
	v15 =	vld.idx.msk [tilespmem:v15+s8+$0x0], $0xffff;
	[tilespmem:s1+$0x0] =	vst v13  }
0x1ed: {  	s30 =	sadd.s32 $0x100, s30;
	v19 =	vadd.s32 $0x4C00, v4;
	s26 =	sor.u32 s15, s22;
	v13 =	vld.idx.msk [tilespmem:v16+s8+$0x0], $0xffff  }
0x1ee: {  	s31 =	sand.u32 $0x1C00, s30;
	s2 =	sadd.s32 $0x10680, s17;
	[tilespmem:s26+$0x0] =	vst v9;
	v11 =	vadd.s32 $0x200, v7;
	v9 =	vld.idx.msk [tilespmem:v18+s8+$0x0], $0xffff  }
0x1ef: {  	s25 =	sor.u32 s24, s19;
	s9 =	sadd.s32 $0x8400, s31;
	s11 =	sor.u32 s13, s2;
	v16 =	vadd.s32 $0x200, v5;
	v18 =	vld.idx.msk [tilespmem:v8+s8+$0x0], $0xffff  }
0x1f0: {  	[dreg:$0x3] =	wrdreg s25;
	s25 =	sor.u32 s18, s9;
	[tilespmem:s11+$0x0] =	vst v10;
	v10 =	vadd.s32 $0x2800, v3  }
0x1f1: {  	v20 =	vadd.s32 $0x7200, v1;
	s6 =	sor.u32 s20, s9;
	s26 =	sadd.s32 $0x16400, s14;
	s1 =	sor.u32 s30, s21;
	v8 =	vld.idx.msk [tilespmem:v14+s8+$0x0], $0xffff;
	[tilespmem:s25+$0x0] =	vst v12  }
0x1f2: {  	v21 =	vadd.s32 $0x2800, v6;
	s0 =	sor.u32 s4, s26;
	s22 =	sor.u32 $0x380, s1;
	s1 =	sadd.s32 $0xC580, s5;
	[tilespmem:s6+$0x0] =	vst v17;
	v12 =	vld.idx.msk [tilespmem:v19+s8+$0x0], $0xffff  }
0x1f3: {  	v14 =	vadd.s32 $0x4C00, v0;
	s11 =	sor.u32 s15, s1;
	v11 =	vld.idx.msk [tilespmem:v11+s8+$0x0], $0xffff;
	[tilespmem:s0+$0x0] =	vst v13  }
0x1f4: {  	s9 =	sor.u32 s16, s1;
	v17 =	vadd.s32 $0x4E00, v4;
	v16 =	vld.idx.msk [tilespmem:v16+s8+$0x0], $0xffff;
	[tilespmem:s11+$0x0] =	vst v18  }
0x1f5: {  	s19 =	sor.u32 s12, s2;
	v13 =	vadd.s32 $0x400, v7;
	s11 =	sadd.s32 $0x10700, s17;
	[tilespmem:s9+$0x0] =	vst v9;
	v10 =	vld.idx.msk [tilespmem:v10+s8+$0x0], $0xffff  }
0x1f6: {  	v19 =	vadd.s32 $0x400, v5;
	[tilespmem:s19+$0x0] =	vst v15;
	s0 =	sor.u32 s13, s11;
	v9 =	vld.idx.msk [tilespmem:v20+s8+$0x0], $0xffff  }
0x1f7: {  	v18 =	vld.idx.msk [tilespmem:v21+s8+$0x0], $0xffff;
	[tilespmem:s0+$0x0] =	vst v12  }
0x1f8: {  	v14 =	vld.idx.msk [tilespmem:v14+s8+$0x0], $0xffff;
	[tilespmem:s25+$0x80] =	vst v11;
	v11 =	vadd.s32 $0x2A00, v3  }
0x1f9: {  	s2 =	sor.u32 s24, s26;
	s26 =	sadd.s32 $0xC600, s5;
	v15 =	vadd.s32 $0x7400, v1;
	v12 =	vld.idx.msk [tilespmem:v17+s8+$0x0], $0xffff  }
0x1fa: {  	s19 =	sadd.s32 $0x16480, s14;
	v20 =	vadd.s32 $0x2A00, v6;
	s0 =	sor.u32 s15, s26;
	[tilespmem:s6+$0x80] =	vst v16;
	v13 =	vld.idx.msk [tilespmem:v13+s8+$0x0], $0xffff  }
0x1fb: {  	s9 =	sor.u32 s4, s19;
	v16 =	vadd.s32 $0x4E00, v0;
	v17 =	vld.idx.msk [tilespmem:v19+s8+$0x0], $0xffff;
	[tilespmem:s0+$0x0] =	vst v10  }
0x1fc: {  	s3 =	sor.u32 s12, s11;
	s11 =	sor.u32 s16, s26;
	v19 =	vadd.s32 $0x5000, v4;
	[tilespmem:s9+$0x0] =	vst v9  }
0x1fd: {  	[tilespmem:s11+$0x0] =	vst v18;
	v18 =	vadd.s32 $0x600, v5;
	s11 =	sadd.s32 $0x10780, s17;
	v11 =	vld.idx.msk [tilespmem:v11+s8+$0x0], $0xffff  }
0x1fe: {  	v9 =	vadd.s32 $0x600, v7;
	[tilespmem:s3+$0x0] =	vst v14;
	v15 =	vld.idx.msk [tilespmem:v15+s8+$0x0], $0xffff;
	s9 =	sor.u32 s13, s11  }
0x1ff: {  	v10 =	vld.idx.msk [tilespmem:v20+s8+$0x0], $0xffff;
	[tilespmem:s9+$0x0] =	vst v12;
	v12 =	vadd.s32 $0x2C00, v3  }
0x200: {  	s1 =	sor.u32 s24, s19;
	s19 =	sadd.s32 $0x16500, s14;
	s26 =	sadd.s32 $0xC680, s5;
	v14 =	vadd.s32 $0x7600, v1;
	v16 =	vld.idx.msk [tilespmem:v16+s8+$0x0], $0xffff;
	[tilespmem:s25+$0x100] =	vst v13  }
0x201: {  	s0 =	sor.u32 s24, s19;
	v20 =	vadd.s32 $0x2C00, v6;
	s9 =	sor.u32 s4, s19;
	s19 =	sor.u32 s15, s26;
	[tilespmem:s6+$0x100] =	vst v17;
	v13 =	vld.idx.msk [tilespmem:v19+s8+$0x0], $0xffff  }
0x202: {  	v18 =	vld.idx.msk [tilespmem:v18+s8+$0x0], $0xffff;
	[tilespmem:s19+$0x0] =	vst v11  }
0x203: {  	s3 =	sor.u32 s12, s11;
	s11 =	sor.u32 s16, s26;
	v17 =	vadd.s32 $0x5000, v0;
	v9 =	vld.idx.msk [tilespmem:v9+s8+$0x0], $0xffff;
	[tilespmem:s9+$0x0] =	vst v15  }
0x204: {  	v19 =	vadd.s32 $0x5200, v4;
	[tilespmem:s11+$0x0] =	vst v10;
	v12 =	vld.idx.msk [tilespmem:v12+s8+$0x0], $0xffff  }
0x205: {  	v15 =	vadd.s32 $0x800, v7;
	s11 =	sadd.s32 $0x12400, s17;
	v10 =	vld.idx.msk [tilespmem:v14+s8+$0x0], $0xffff  }
0x206: {  	[tilespmem:s3+$0x0] =	vst v16;
	v14 =	vadd.s32 $0x800, v5;
	v11 =	vld.idx.msk [tilespmem:v20+s8+$0x0], $0xffff;
	s9 =	sor.u32 s13, s11  }
0x207: {  	v16 =	vadd.s32 $0x7800, v1;
	[tilespmem:s9+$0x0] =	vst v13  }
0x208: {  	s19 =	sadd.s32 $0x16580, s14;
	v17 =	vld.idx.msk [tilespmem:v17+s8+$0x0], $0xffff;
	[tilespmem:s25+$0x180] =	vst v9;
	v9 =	vadd.s32 $0x2E00, v3  }
0x209: {  	s26 =	sadd.s32 $0xC700, s5;
	v20 =	vadd.s32 $0x2E00, v6;
	s9 =	sor.u32 s4, s19;
	[tilespmem:s6+$0x180] =	vst v18;
	v13 =	vld.idx.msk [tilespmem:v19+s8+$0x0], $0xffff  }
0x20a: {  	s3 =	sor.u32 s12, s11;
	s11 =	sor.u32 s16, s26;
	v18 =	vadd.s32 $0x5200, v0;
	v15 =	vld.idx.msk [tilespmem:v15+s8+$0x0], $0xffff;
	[tilespmem:s9+$0x0] =	vst v10  }
0x20b: {  	s29 =	sor.u32 s24, s19;
	s19 =	sor.u32 s15, s26;
	v19 =	vadd.s32 $0x5400, v4;
	v14 =	vld.idx.msk [tilespmem:v14+s8+$0x0], $0xffff;
	[tilespmem:s11+$0x0] =	vst v11  }
0x20c: {  	v10 =	vadd.s32 $0xA00, v7;
	[tilespmem:s19+$0x0] =	vst v12;
	s11 =	sadd.s32 $0x12480, s17;
	v11 =	vld.idx.msk [tilespmem:v16+s8+$0x0], $0xffff  }
0x20d: {  	v16 =	vadd.s32 $0xA00, v5;
	v9 =	vld.idx.msk [tilespmem:v9+s8+$0x0], $0xffff;
	[tilespmem:s3+$0x0] =	vst v17;
	s9 =	sor.u32 s13, s11  }
0x20e: {  	v12 =	vld.idx.msk [tilespmem:v20+s8+$0x0], $0xffff;
	[tilespmem:s9+$0x0] =	vst v13;
	v13 =	vadd.s32 $0x3000, v3  }
0x20f: {  	s19 =	sadd.s32 $0x16600, s14;
	v17 =	vadd.s32 $0x7A00, v1;
	v18 =	vld.idx.msk [tilespmem:v18+s8+$0x0], $0xffff;
	[tilespmem:s25+$0x200] =	vst v15  }
0x210: {  	s26 =	sadd.s32 $0xC780, s5;
	v20 =	vadd.s32 $0x3000, v6;
	s9 =	sor.u32 s4, s19;
	v15 =	vld.idx.msk [tilespmem:v19+s8+$0x0], $0xffff;
	[tilespmem:s6+$0x200] =	vst v14  }
0x211: {  	s28 =	sor.u32 s24, s19;
	s19 =	sor.u32 s15, s26;
	v10 =	vld.idx.msk [tilespmem:v10+s8+$0x0], $0xffff;
	[tilespmem:s9+$0x0] =	vst v11  }
0x212: {  	s3 =	sor.u32 s12, s11;
	s11 =	sor.u32 s16, s26;
	v14 =	vadd.s32 $0x5400, v0;
	v16 =	vld.idx.msk [tilespmem:v16+s8+$0x0], $0xffff;
	[tilespmem:s19+$0x0] =	vst v9  }
0x213: {  	v19 =	vadd.s32 $0x5600, v4;
	[tilespmem:s11+$0x0] =	vst v12;
	v13 =	vld.idx.msk [tilespmem:v13+s8+$0x0], $0xffff  }
0x214: {  	s26 =	sadd.s32 $0x12500, s17;
	v11 =	vadd.s32 $0xC00, v7;
	v12 =	vld.idx.msk [tilespmem:v17+s8+$0x0], $0xffff  }
0x215: {  	s9 =	sor.u32 s13, s26;
	[tilespmem:s3+$0x0] =	vst v18;
	v17 =	vadd.s32 $0xC00, v5;
	v9 =	vld.idx.msk [tilespmem:v20+s8+$0x0], $0xffff  }
0x216: {  	v18 =	vadd.s32 $0x7C00, v1;
	[tilespmem:s9+$0x0] =	vst v15  }
0x217: {  	v20 =	vadd.s32 $0x3200, v6;
	v14 =	vld.idx.msk [tilespmem:v14+s8+$0x0], $0xffff;
	s9 =	sadd.s32 $0x16680, s14;
	[tilespmem:s25+$0x280] =	vst v10  }
0x218: {  	s11 =	sadd.s32 $0xE400, s5;
	v10 =	vadd.s32 $0x3200, v3;
	s25 =	sor.u32 s4, s9;
	v15 =	vld.idx.msk [tilespmem:v19+s8+$0x0], $0xffff;
	[tilespmem:s6+$0x280] =	vst v16  }
0x219: {  	s7 =	sadd.s32 $0x1, s7;
	v11 =	vld.idx.msk [tilespmem:v11+s8+$0x0], $0xffff;
	s6 =	sor.u32 s16, s11;
	[tilespmem:s25+$0x0] =	vst v12  }
0x21a: {  	s3 =	sor.u32 s12, s26;
	s26 =	sand.u32 $0x3, s7;
	v16 =	vadd.s32 $0x5600, v0;
	v17 =	vld.idx.msk [tilespmem:v17+s8+$0x0], $0xffff;
	[tilespmem:s6+$0x0] =	vst v9  }
0x21b: {  	s19 =	sor.u32 s15, s11;
	v19 =	vadd.s32 $0x5800, v4;
	s25 =	sshll.u32 s26, $0x5;
	v9 =	vld.idx.msk [tilespmem:v18+s8+$0x0], $0xffff  }
0x21c: {  	v12 =	vadd.s32 $0xE00, v7;
	s26 =	sor.u32 s24, s9;
	[tilespmem:s19+$0x0] =	vst v13;
	s9 =	sadd.s32 $0x12580, s17;
	s25 =	sadd.s32 s25, s30;
	v13 =	vld.idx.msk [tilespmem:v20+s8+$0x0], $0xffff  }
0x21d: {  	v18 =	vadd.s32 $0xE00, v5;
	s11 =	sor.u32 $0x300, s25;
	s19 =	sadd.s32 $0x10, s25;
	v10 =	vld.idx.msk [tilespmem:v10+s8+$0x0], $0xffff;
	[tilespmem:s3+$0x0] =	vst v14;
	s25 =	sor.u32 s13, s9  }
0x21e: {  	v14 =	vadd.s32 $0x7E00, v1;
	s6 =	sor.u32 $0x300, s19;
	[tilespmem:s25+$0x0] =	vst v15  }
0x21f: {  	v1 =	vmov v4;
	v4 =	vmov v6;
	s3 =	sadd.s32 $0x16700, s14;
	v16 =	vld.idx.msk [tilespmem:v16+s8+$0x0], $0xffff;
	[tilespmem:s6+$0x8400] =	vst v11;
	v11 =	vadd.s32 $0x3400, v3  }
0x220: {  	v6 =	vmov v7;
	v7 =	vadd.s32 $0x3400, v4;
	s25 =	sor.u32 s24, s3;
	s3 =	sor.u32 s4, s3;
	s6 =	sadd.s32 $0xE480, s5;
	v19 =	vld.idx.msk [tilespmem:v19+s8+$0x0], $0xffff;
	[tilespmem:s11+$0x8400] =	vst v17  }
0x221: {  	v12 =	vld.idx.msk [tilespmem:v12+s8+$0x0], $0xffff;
	v17 =	vadd.s32 $0x5800, v0;
	s11 =	sor.u32 s15, s6;
	s6 =	sor.u32 s16, s6;
	[tilespmem:s3+$0x0] =	vst v9  }
0x222: {  	s10 =	sadd.s32 $0x2, s10;
	s23 =	sadd.s32 $0x20, s23;
	v20 =	vadd.s32 $0x5A00, v1;
	v18 =	vld.idx.msk [tilespmem:v18+s8+$0x0], $0xffff;
	[tilespmem:s6+$0x0] =	vst v13  }
0x223: {  	p0 =	slt.u32 s10, $0x3E;
	s9 =	sor.u32 s12, s9;
	v9 =	vadd.s32 $0x1000, v6;
	[tilespmem:s11+$0x0] =	vst v10;
	s11 =	sadd.s32 $0x12600, s17;
	v63 =	vld.idx.msk [tilespmem:v14+s8+$0x0], $0xffff  }
0x224: {  	v22 =	vadd.s32 $0x1000, v5;
	s6 =	sor.u32 s12, s11;
	s3 =	sor.u32 s13, s11;
	s11 =	sor.u32 $0x380, s19;
	v14 =	vld.idx.msk [tilespmem:v11+s8+$0x0], $0xffff;
	[tilespmem:s9+$0x0] =	vst v16  }
.Ltmp0:
0x225: {  	s19 =	smov.u32 s20;
	s20 =	smov.u32 s31;
	v13 =	vld.idx.msk [tilespmem:v7+s8+$0x0], $0xffff;
	[tilespmem:s3+$0x0] =	vst v19;
	(pc) =	sbr.rel @p0 .LBB2_2-.Ltmp0, $4  }
0x226: {  	s31 =	smov.u32 s0;
	s0 =	smov.u32 s1;
	s1 =	smov.u32 s2;
	v10 =	vld.idx.msk [tilespmem:v17+s8+$0x0], $0xffff;
	[tilespmem:s11+$0x8400] =	vst v12  }
0x227: {  	s11 =	sadd.s32 $0x16780, s14;
	s14 =	smov.u32 s17;
	s17 =	smov.u32 s5;
	v7 =	vld.idx.msk [tilespmem:v20+s8+$0x0], $0xffff  }
0x228: {  	v15 =	vadd.s32 $0x3600, v4;
	s2 =	rddreg [dreg:$0x3];
	[tilespmem:s22+$0x8400] =	vst v18;
	v17 =	vld.idx.msk [tilespmem:v9+s8+$0x0], $0xffff;
	s5 =	sadd.s32 $0xE500, s17;
	s3 =	sor.u32 s4, s11  }
0x229: {  	v16 =	vadd.s32 $0x3600, v3;
	v11 =	vadd.s32 $0x5A00, v0;
	s22 =	sor.u32 s24, s11;
	v9 =	vadd.s32 $0x5C00, v1;
	v18 =	vld.idx.msk [tilespmem:v22+s8+$0x0], $0xffff;
	s4 =	sor.u32 s15, s5;
	s5 =	sor.u32 s16, s5;
	[tilespmem:s3+$0x0] =	vst v63  }
0x22a: {  	v12 =	vadd.s32 $0x1200, v6  }
0x22b: {  	v19 =	vadd.s32 $0x1200, v5  }
0x22c: {  	s3 =	sadd.s32 $0xA400, s20  }
0x22d: {  	s7 =	sor.u32 s18, s3  }
0x22e: {  	s3 =	sor.u32 s19, s3;
	[tilespmem:s7+$0x0] =	vst v17  }
0x22f: {  	[tilespmem:s3+$0x0] =	vst v18;
	v12 =	vld.idx.msk [tilespmem:v12+s8+$0x0], $0xffff  }
0x230: {  	v36 =	vadd.s32 $0x1400, v6;
	v35 =	vld.idx.msk [tilespmem:v19+s8+$0x0], $0xffff  }
0x231: {  	v37 =	vadd.s32 $0x1400, v5  }
0x232: {  	s21 =	sadd.s32 $0xA480, s20  }
0x233: {  	s23 =	sor.u32 s18, s21  }
0x234: {  	s3 =	sor.u32 s19, s21;
	[tilespmem:s23+$0x0] =	vst v12  }
0x235: {  	[tilespmem:s3+$0x0] =	vst v35;
	v12 =	vld.idx.msk [tilespmem:v36+s8+$0x0], $0xffff  }
0x236: {  	v38 =	vadd.s32 $0x1600, v6;
	v17 =	vld.idx.msk [tilespmem:v37+s8+$0x0], $0xffff  }
0x237: {  	v39 =	vadd.s32 $0x1600, v5  }
0x238: {  	s24 =	sadd.s32 $0xA500, s20  }
0x239: {  	s30 =	sor.u32 s18, s24  }
0x23a: {  	s3 =	sor.u32 s19, s24;
	[tilespmem:s30+$0x0] =	vst v12  }
0x23b: {  	[tilespmem:s3+$0x0] =	vst v17;
	v12 =	vld.idx.msk [tilespmem:v38+s8+$0x0], $0xffff  }
0x23c: {  	v40 =	vadd.s32 $0x1800, v6;
	v17 =	vld.idx.msk [tilespmem:v39+s8+$0x0], $0xffff  }
0x23d: {  	v41 =	vadd.s32 $0x1800, v5  }
0x23e: {  	s7 =	sadd.s32 $0xA580, s20  }
0x23f: {  	s9 =	sor.u32 s18, s7  }
0x240: {  	s3 =	sor.u32 s19, s7;
	[tilespmem:s9+$0x0] =	vst v12  }
0x241: {  	[tilespmem:s3+$0x0] =	vst v17;
	v12 =	vld.idx.msk [tilespmem:v40+s8+$0x0], $0xffff  }
0x242: {  	v42 =	vadd.s32 $0x1A00, v6;
	v17 =	vld.idx.msk [tilespmem:v41+s8+$0x0], $0xffff  }
0x243: {  	v43 =	vadd.s32 $0x1A00, v5  }
0x244: {  	s10 =	sadd.s32 $0xA600, s20  }
0x245: {  	s11 =	sor.u32 s18, s10  }
0x246: {  	s3 =	sor.u32 s19, s10;
	[tilespmem:s11+$0x0] =	vst v12  }
0x247: {  	[tilespmem:s3+$0x0] =	vst v17;
	v12 =	vld.idx.msk [tilespmem:v42+s8+$0x0], $0xffff  }
0x248: {  	v44 =	vadd.s32 $0x1C00, v6;
	v17 =	vld.idx.msk [tilespmem:v43+s8+$0x0], $0xffff  }
0x249: {  	v45 =	vadd.s32 $0x1C00, v5  }
0x24a: {  	s21 =	sadd.s32 $0xA680, s20  }
0x24b: {  	s23 =	sor.u32 s18, s21  }
0x24c: {  	s3 =	sor.u32 s19, s21;
	[tilespmem:s23+$0x0] =	vst v12  }
0x24d: {  	[tilespmem:s3+$0x0] =	vst v17;
	v12 =	vld.idx.msk [tilespmem:v44+s8+$0x0], $0xffff  }
0x24e: {  	v46 =	vadd.s32 $0x1E00, v6;
	v17 =	vld.idx.msk [tilespmem:v45+s8+$0x0], $0xffff  }
0x24f: {  	v47 =	vadd.s32 $0x1E00, v5  }
0x250: {  	s24 =	sadd.s32 $0xA700, s20  }
0x251: {  	s30 =	sor.u32 s18, s24  }
0x252: {  	s3 =	sor.u32 s19, s24;
	[tilespmem:s30+$0x0] =	vst v12  }
0x253: {  	[tilespmem:s3+$0x0] =	vst v17;
	v12 =	vld.idx.msk [tilespmem:v46+s8+$0x0], $0xffff  }
0x254: {  	v48 =	vadd.s32 $0x2000, v6;
	v17 =	vld.idx.msk [tilespmem:v47+s8+$0x0], $0xffff  }
0x255: {  	v49 =	vadd.s32 $0x2000, v5  }
0x256: {  	s7 =	sadd.s32 $0xA780, s20  }
0x257: {  	s9 =	sor.u32 s18, s7  }
0x258: {  	s3 =	sor.u32 s19, s7;
	[tilespmem:s9+$0x0] =	vst v12  }
0x259: {  	[tilespmem:s3+$0x0] =	vst v17;
	v12 =	vld.idx.msk [tilespmem:v48+s8+$0x0], $0xffff  }
0x25a: {  	v50 =	vadd.s32 $0x2200, v6;
	v17 =	vld.idx.msk [tilespmem:v49+s8+$0x0], $0xffff  }
0x25b: {  	v51 =	vadd.s32 $0x2200, v5  }
0x25c: {  	s10 =	sadd.s32 $0xC400, s20  }
0x25d: {  	s11 =	sor.u32 s18, s10  }
0x25e: {  	s3 =	sor.u32 s19, s10;
	[tilespmem:s11+$0x0] =	vst v12  }
0x25f: {  	[tilespmem:s3+$0x0] =	vst v17;
	v12 =	vld.idx.msk [tilespmem:v50+s8+$0x0], $0xffff  }
0x260: {  	v52 =	vadd.s32 $0x2400, v6;
	v17 =	vld.idx.msk [tilespmem:v51+s8+$0x0], $0xffff  }
0x261: {  	v53 =	vadd.s32 $0x2400, v5  }
0x262: {  	s21 =	sadd.s32 $0xC480, s20  }
0x263: {  	s23 =	sor.u32 s18, s21  }
0x264: {  	s3 =	sor.u32 s19, s21;
	[tilespmem:s23+$0x0] =	vst v12  }
0x265: {  	[tilespmem:s3+$0x0] =	vst v17;
	v12 =	vld.idx.msk [tilespmem:v52+s8+$0x0], $0xffff  }
0x266: {  	v54 =	vadd.s32 $0x2600, v6;
	v17 =	vld.idx.msk [tilespmem:v53+s8+$0x0], $0xffff  }
0x267: {  	v55 =	vadd.s32 $0x2600, v5  }
0x268: {  	s24 =	sadd.s32 $0xC500, s20  }
0x269: {  	s30 =	sor.u32 s18, s24  }
0x26a: {  	s3 =	sor.u32 s19, s24;
	[tilespmem:s30+$0x0] =	vst v12  }
0x26b: {  	[tilespmem:s3+$0x0] =	vst v17;
	v12 =	vld.idx.msk [tilespmem:v54+s8+$0x0], $0xffff  }
0x26c: {  	v56 =	vadd.s32 $0x2800, v6;
	v17 =	vld.idx.msk [tilespmem:v55+s8+$0x0], $0xffff  }
0x26d: {  	v57 =	vadd.s32 $0x2800, v5  }
0x26e: {  	s7 =	sadd.s32 $0xC580, s20  }
0x26f: {  	s9 =	sor.u32 s18, s7  }
0x270: {  	s3 =	sor.u32 s19, s7;
	[tilespmem:s9+$0x0] =	vst v12  }
0x271: {  	[tilespmem:s3+$0x0] =	vst v17;
	v12 =	vld.idx.msk [tilespmem:v56+s8+$0x0], $0xffff  }
0x272: {  	v58 =	vadd.s32 $0x2A00, v6;
	v17 =	vld.idx.msk [tilespmem:v57+s8+$0x0], $0xffff  }
0x273: {  	v59 =	vadd.s32 $0x2A00, v5  }
0x274: {  	s10 =	sadd.s32 $0xC600, s20  }
0x275: {  	s11 =	sor.u32 s18, s10  }
0x276: {  	s3 =	sor.u32 s19, s10;
	[tilespmem:s11+$0x0] =	vst v12  }
0x277: {  	[tilespmem:s3+$0x0] =	vst v17;
	v12 =	vld.idx.msk [tilespmem:v58+s8+$0x0], $0xffff  }
0x278: {  	v60 =	vadd.s32 $0x2C00, v6;
	v17 =	vld.idx.msk [tilespmem:v59+s8+$0x0], $0xffff  }
0x279: {  	v61 =	vadd.s32 $0x2C00, v5  }
0x27a: {  	s21 =	sadd.s32 $0xC680, s20  }
0x27b: {  	s23 =	sor.u32 s18, s21  }
0x27c: {  	s3 =	sor.u32 s19, s21;
	[tilespmem:s23+$0x0] =	vst v12  }
0x27d: {  	[tilespmem:s3+$0x0] =	vst v17;
	v12 =	vld.idx.msk [tilespmem:v60+s8+$0x0], $0xffff  }
0x27e: {  	v62 =	vadd.s32 $0x2E00, v6;
	v17 =	vld.idx.msk [tilespmem:v61+s8+$0x0], $0xffff  }
0x27f: {  	v63 =	vadd.s32 $0x2E00, v5  }
0x280: {  	s24 =	sadd.s32 $0xC700, s20  }
0x281: {  	s30 =	sor.u32 s18, s24  }
0x282: {  	s3 =	sor.u32 s19, s24;
	[tilespmem:s30+$0x0] =	vst v12  }
0x283: {  	[tilespmem:s3+$0x0] =	vst v17;
	v12 =	vld.idx.msk [tilespmem:v62+s8+$0x0], $0xffff  }
0x284: {  	v21 =	vadd.s32 $0x3000, v6;
	v17 =	vld.idx.msk [tilespmem:v63+s8+$0x0], $0xffff  }
0x285: {  	v22 =	vadd.s32 $0x3000, v5  }
0x286: {  	s9 =	sadd.s32 $0xC780, s20  }
0x287: {  	s10 =	sor.u32 s18, s9  }
0x288: {  	s3 =	sor.u32 s19, s9;
	[tilespmem:s10+$0x0] =	vst v12  }
0x289: {  	[tilespmem:s3+$0x0] =	vst v17;
	v12 =	vld.idx.msk [tilespmem:v21+s8+$0x0], $0xffff  }
0x28a: {  	v23 =	vadd.s32 $0x3200, v6;
	v17 =	vld.idx.msk [tilespmem:v22+s8+$0x0], $0xffff  }
0x28b: {  	v24 =	vadd.s32 $0x3200, v5  }
0x28c: {  	s11 =	sadd.s32 $0xE400, s20  }
0x28d: {  	s21 =	sor.u32 s18, s11  }
0x28e: {  	s3 =	sor.u32 s19, s11;
	[tilespmem:s21+$0x0] =	vst v12  }
0x28f: {  	[tilespmem:s3+$0x0] =	vst v17;
	v12 =	vld.idx.msk [tilespmem:v23+s8+$0x0], $0xffff  }
0x290: {  	v25 =	vadd.s32 $0x3400, v6;
	v17 =	vld.idx.msk [tilespmem:v24+s8+$0x0], $0xffff  }
0x291: {  	v26 =	vadd.s32 $0x3400, v5  }
0x292: {  	s23 =	sadd.s32 $0xE480, s20  }
0x293: {  	s24 =	sor.u32 s18, s23  }
0x294: {  	s3 =	sor.u32 s19, s23;
	[tilespmem:s24+$0x0] =	vst v12  }
0x295: {  	[tilespmem:s3+$0x0] =	vst v17;
	v12 =	vld.idx.msk [tilespmem:v25+s8+$0x0], $0xffff  }
0x296: {  	v27 =	vadd.s32 $0x3600, v6;
	v17 =	vld.idx.msk [tilespmem:v26+s8+$0x0], $0xffff  }
0x297: {  	v28 =	vadd.s32 $0x3600, v5  }
0x298: {  	[tilespmem:s5+$0x0] =	vst v13;
	s30 =	sadd.s32 $0xE500, s20  }
0x299: {  	[tilespmem:s4+$0x0] =	vst v14;
	v13 =	vld.idx.msk [tilespmem:v15+s8+$0x0], $0xffff;
	s5 =	sor.u32 s18, s30  }
0x29a: {  	v29 =	vadd.s32 $0x3800, v4;
	v14 =	vld.idx.msk [tilespmem:v16+s8+$0x0], $0xffff;
	s3 =	sor.u32 s19, s30;
	[tilespmem:s5+$0x0] =	vst v12  }
0x29b: {  	v30 =	vadd.s32 $0x3800, v3;
	[tilespmem:s3+$0x0] =	vst v17;
	v31 =	vld.idx.msk [tilespmem:v27+s8+$0x0], $0xffff  }
0x29c: {  	v32 =	vadd.s32 $0x3800, v6;
	s7 =	sadd.s32 $0xE580, s17;
	v17 =	vld.idx.msk [tilespmem:v28+s8+$0x0], $0xffff  }
0x29d: {  	v33 =	vadd.s32 $0x3800, v5;
	s9 =	sor.u32 s16, s7  }
0x29e: {  	[tilespmem:s9+$0x0] =	vst v13;
	s10 =	sadd.s32 $0xE580, s20;
	s3 =	sor.u32 s15, s7  }
0x29f: {  	v13 =	vld.idx.msk [tilespmem:v29+s8+$0x0], $0xffff;
	s11 =	sor.u32 s18, s10;
	[tilespmem:s3+$0x0] =	vst v14  }
0x2a0: {  	v34 =	vadd.s32 $0x3A00, v4;
	s4 =	sor.u32 s19, s10;
	v12 =	vld.idx.msk [tilespmem:v30+s8+$0x0], $0xffff;
	[tilespmem:s11+$0x0] =	vst v31  }
0x2a1: {  	v35 =	vadd.s32 $0x3A00, v3;
	[tilespmem:s4+$0x0] =	vst v17;
	v16 =	vld.idx.msk [tilespmem:v32+s8+$0x0], $0xffff  }
0x2a2: {  	v36 =	vadd.s32 $0x3A00, v6;
	s21 =	sadd.s32 $0xE600, s17;
	v17 =	vld.idx.msk [tilespmem:v33+s8+$0x0], $0xffff  }
0x2a3: {  	v37 =	vadd.s32 $0x3A00, v5;
	s23 =	sor.u32 s16, s21  }
0x2a4: {  	[tilespmem:s23+$0x0] =	vst v13;
	s24 =	sadd.s32 $0xE600, s20;
	s3 =	sor.u32 s15, s21  }
0x2a5: {  	v38 =	vld.idx.msk [tilespmem:v34+s8+$0x0], $0xffff;
	s30 =	sor.u32 s18, s24;
	[tilespmem:s3+$0x0] =	vst v12  }
0x2a6: {  	v40 =	vadd.s32 $0x3C00, v4;
	s4 =	sor.u32 s19, s24;
	v39 =	vld.idx.msk [tilespmem:v35+s8+$0x0], $0xffff;
	[tilespmem:s30+$0x0] =	vst v16  }
0x2a7: {  	v41 =	vadd.s32 $0x3C00, v3;
	[tilespmem:s4+$0x0] =	vst v17;
	v16 =	vld.idx.msk [tilespmem:v36+s8+$0x0], $0xffff  }
0x2a8: {  	v42 =	vadd.s32 $0x3C00, v6;
	s4 =	sadd.s32 $0xE680, s17;
	v17 =	vld.idx.msk [tilespmem:v37+s8+$0x0], $0xffff  }
0x2a9: {  	v43 =	vadd.s32 $0x3C00, v5;
	s5 =	sor.u32 s16, s4  }
0x2aa: {  	s7 =	sadd.s32 $0xE680, s20;
	s3 =	sor.u32 s15, s4;
	[tilespmem:s5+$0x0] =	vst v38  }
0x2ab: {  	s9 =	sor.u32 s18, s7;
	[tilespmem:s3+$0x0] =	vst v39;
	v12 =	vld.idx.msk [tilespmem:v40+s8+$0x0], $0xffff  }
0x2ac: {  	v44 =	vadd.s32 $0x3E00, v4;
	s4 =	sor.u32 s19, s7;
	v13 =	vld.idx.msk [tilespmem:v41+s8+$0x0], $0xffff;
	[tilespmem:s9+$0x0] =	vst v16  }
0x2ad: {  	v45 =	vadd.s32 $0x3E00, v3;
	[tilespmem:s4+$0x0] =	vst v17;
	v16 =	vld.idx.msk [tilespmem:v42+s8+$0x0], $0xffff  }
0x2ae: {  	v46 =	vadd.s32 $0x3E00, v6;
	s10 =	sadd.s32 $0xE700, s17;
	v17 =	vld.idx.msk [tilespmem:v43+s8+$0x0], $0xffff  }
0x2af: {  	v47 =	vadd.s32 $0x3E00, v5;
	s11 =	sor.u32 s16, s10  }
0x2b0: {  	s21 =	sadd.s32 $0xE700, s20;
	s3 =	sor.u32 s15, s10;
	[tilespmem:s11+$0x0] =	vst v12  }
0x2b1: {  	s23 =	sor.u32 s18, s21;
	[tilespmem:s3+$0x0] =	vst v13;
	v12 =	vld.idx.msk [tilespmem:v44+s8+$0x0], $0xffff  }
0x2b2: {  	v48 =	vadd.s32 $0x4000, v4;
	s4 =	sor.u32 s19, s21;
	v13 =	vld.idx.msk [tilespmem:v45+s8+$0x0], $0xffff;
	[tilespmem:s23+$0x0] =	vst v16  }
0x2b3: {  	v49 =	vadd.s32 $0x4000, v3;
	[tilespmem:s4+$0x0] =	vst v17;
	v16 =	vld.idx.msk [tilespmem:v46+s8+$0x0], $0xffff  }
0x2b4: {  	v50 =	vadd.s32 $0x4000, v6;
	s24 =	sadd.s32 $0xE780, s17;
	v17 =	vld.idx.msk [tilespmem:v47+s8+$0x0], $0xffff  }
0x2b5: {  	v51 =	vadd.s32 $0x4000, v5;
	s30 =	sor.u32 s16, s24  }
0x2b6: {  	s5 =	sadd.s32 $0xE780, s20;
	s3 =	sor.u32 s15, s24;
	[tilespmem:s30+$0x0] =	vst v12  }
0x2b7: {  	s7 =	sor.u32 s18, s5;
	[tilespmem:s3+$0x0] =	vst v13;
	v12 =	vld.idx.msk [tilespmem:v48+s8+$0x0], $0xffff  }
0x2b8: {  	v52 =	vadd.s32 $0x4200, v4;
	s4 =	sor.u32 s19, s5;
	v13 =	vld.idx.msk [tilespmem:v49+s8+$0x0], $0xffff;
	[tilespmem:s7+$0x0] =	vst v16  }
0x2b9: {  	v53 =	vadd.s32 $0x4200, v3;
	[tilespmem:s4+$0x0] =	vst v17;
	v16 =	vld.idx.msk [tilespmem:v50+s8+$0x0], $0xffff  }
0x2ba: {  	v54 =	vadd.s32 $0x4200, v6;
	s9 =	sadd.s32 $0x10400, s17;
	v17 =	vld.idx.msk [tilespmem:v51+s8+$0x0], $0xffff  }
0x2bb: {  	v55 =	vadd.s32 $0x4200, v5;
	s10 =	sor.u32 s16, s9  }
0x2bc: {  	s11 =	sadd.s32 $0x10400, s20;
	s3 =	sor.u32 s15, s9;
	[tilespmem:s10+$0x0] =	vst v12  }
0x2bd: {  	s21 =	sor.u32 s18, s11;
	[tilespmem:s3+$0x0] =	vst v13;
	v12 =	vld.idx.msk [tilespmem:v52+s8+$0x0], $0xffff  }
0x2be: {  	v56 =	vadd.s32 $0x4400, v4;
	s4 =	sor.u32 s19, s11;
	v13 =	vld.idx.msk [tilespmem:v53+s8+$0x0], $0xffff;
	[tilespmem:s21+$0x0] =	vst v16  }
0x2bf: {  	v57 =	vadd.s32 $0x4400, v3;
	[tilespmem:s4+$0x0] =	vst v17;
	v16 =	vld.idx.msk [tilespmem:v54+s8+$0x0], $0xffff  }
0x2c0: {  	v58 =	vadd.s32 $0x4400, v6;
	s23 =	sadd.s32 $0x10480, s17;
	v17 =	vld.idx.msk [tilespmem:v55+s8+$0x0], $0xffff  }
0x2c1: {  	v59 =	vadd.s32 $0x4400, v5;
	s24 =	sor.u32 s16, s23  }
0x2c2: {  	s30 =	sadd.s32 $0x10480, s20;
	s3 =	sor.u32 s15, s23;
	[tilespmem:s24+$0x0] =	vst v12  }
0x2c3: {  	s5 =	sor.u32 s18, s30;
	[tilespmem:s3+$0x0] =	vst v13;
	v12 =	vld.idx.msk [tilespmem:v56+s8+$0x0], $0xffff  }
0x2c4: {  	v60 =	vadd.s32 $0x4600, v4;
	s4 =	sor.u32 s19, s30;
	v13 =	vld.idx.msk [tilespmem:v57+s8+$0x0], $0xffff;
	[tilespmem:s5+$0x0] =	vst v16  }
0x2c5: {  	v61 =	vadd.s32 $0x4600, v3;
	[tilespmem:s4+$0x0] =	vst v17;
	v16 =	vld.idx.msk [tilespmem:v58+s8+$0x0], $0xffff  }
0x2c6: {  	v62 =	vadd.s32 $0x4600, v6;
	s7 =	sadd.s32 $0x10500, s17;
	v17 =	vld.idx.msk [tilespmem:v59+s8+$0x0], $0xffff  }
0x2c7: {  	v63 =	vadd.s32 $0x4600, v5;
	s9 =	sor.u32 s16, s7  }
0x2c8: {  	s10 =	sadd.s32 $0x10500, s20;
	s3 =	sor.u32 s15, s7;
	[tilespmem:s9+$0x0] =	vst v12  }
0x2c9: {  	s11 =	sor.u32 s18, s10;
	[tilespmem:s3+$0x0] =	vst v13;
	v12 =	vld.idx.msk [tilespmem:v60+s8+$0x0], $0xffff  }
0x2ca: {  	v21 =	vadd.s32 $0x4800, v4;
	s4 =	sor.u32 s19, s10;
	v13 =	vld.idx.msk [tilespmem:v61+s8+$0x0], $0xffff;
	[tilespmem:s11+$0x0] =	vst v16  }
0x2cb: {  	v22 =	vadd.s32 $0x4800, v3;
	[tilespmem:s4+$0x0] =	vst v17;
	v16 =	vld.idx.msk [tilespmem:v62+s8+$0x0], $0xffff  }
0x2cc: {  	v23 =	vadd.s32 $0x4800, v6;
	s21 =	sadd.s32 $0x10580, s17;
	v17 =	vld.idx.msk [tilespmem:v63+s8+$0x0], $0xffff  }
0x2cd: {  	v24 =	vadd.s32 $0x4800, v5;
	s23 =	sor.u32 s16, s21  }
0x2ce: {  	s24 =	sadd.s32 $0x10580, s20;
	s3 =	sor.u32 s15, s21;
	[tilespmem:s23+$0x0] =	vst v12  }
0x2cf: {  	s30 =	sor.u32 s18, s24;
	[tilespmem:s3+$0x0] =	vst v13;
	v12 =	vld.idx.msk [tilespmem:v21+s8+$0x0], $0xffff  }
0x2d0: {  	v25 =	vadd.s32 $0x4A00, v4;
	s4 =	sor.u32 s19, s24;
	v13 =	vld.idx.msk [tilespmem:v22+s8+$0x0], $0xffff;
	[tilespmem:s30+$0x0] =	vst v16  }
0x2d1: {  	v26 =	vadd.s32 $0x4A00, v3;
	[tilespmem:s4+$0x0] =	vst v17;
	v16 =	vld.idx.msk [tilespmem:v23+s8+$0x0], $0xffff  }
0x2d2: {  	v27 =	vadd.s32 $0x4A00, v6;
	s4 =	sadd.s32 $0x10600, s17;
	v17 =	vld.idx.msk [tilespmem:v24+s8+$0x0], $0xffff  }
0x2d3: {  	v28 =	vadd.s32 $0x4A00, v5;
	s5 =	sor.u32 s16, s4  }
0x2d4: {  	s7 =	sadd.s32 $0x10600, s20;
	s3 =	sor.u32 s15, s4;
	[tilespmem:s5+$0x0] =	vst v12  }
0x2d5: {  	s9 =	sor.u32 s18, s7;
	[tilespmem:s3+$0x0] =	vst v13;
	v12 =	vld.idx.msk [tilespmem:v25+s8+$0x0], $0xffff  }
0x2d6: {  	v29 =	vadd.s32 $0x4C00, v4;
	s4 =	sor.u32 s19, s7;
	v13 =	vld.idx.msk [tilespmem:v26+s8+$0x0], $0xffff;
	[tilespmem:s9+$0x0] =	vst v16  }
0x2d7: {  	v30 =	vadd.s32 $0x4C00, v3;
	[tilespmem:s4+$0x0] =	vst v17;
	v16 =	vld.idx.msk [tilespmem:v27+s8+$0x0], $0xffff  }
0x2d8: {  	v31 =	vadd.s32 $0x4C00, v6;
	s10 =	sadd.s32 $0x10680, s17;
	v17 =	vld.idx.msk [tilespmem:v28+s8+$0x0], $0xffff  }
0x2d9: {  	v32 =	vadd.s32 $0x4C00, v5;
	s11 =	sor.u32 s16, s10  }
0x2da: {  	s21 =	sadd.s32 $0x10680, s20;
	s3 =	sor.u32 s15, s10;
	[tilespmem:s11+$0x0] =	vst v12  }
0x2db: {  	s23 =	sor.u32 s18, s21;
	[tilespmem:s3+$0x0] =	vst v13;
	v12 =	vld.idx.msk [tilespmem:v29+s8+$0x0], $0xffff  }
0x2dc: {  	v33 =	vadd.s32 $0x4E00, v4;
	s4 =	sor.u32 s19, s21;
	v34 =	vld.idx.msk [tilespmem:v30+s8+$0x0], $0xffff;
	[tilespmem:s23+$0x0] =	vst v16  }
0x2dd: {  	v35 =	vadd.s32 $0x4E00, v3;
	[tilespmem:s4+$0x0] =	vst v17;
	v16 =	vld.idx.msk [tilespmem:v31+s8+$0x0], $0xffff  }
0x2de: {  	v36 =	vadd.s32 $0x4E00, v6;
	s24 =	sadd.s32 $0x10700, s17;
	v37 =	vld.idx.msk [tilespmem:v32+s8+$0x0], $0xffff  }
0x2df: {  	v38 =	vadd.s32 $0x4E00, v5;
	s30 =	sor.u32 s16, s24  }
0x2e0: {  	s5 =	sadd.s32 $0x10700, s20;
	s3 =	sor.u32 s15, s24;
	[tilespmem:s30+$0x0] =	vst v12  }
0x2e1: {  	s7 =	sor.u32 s18, s5;
	[tilespmem:s3+$0x0] =	vst v34;
	v12 =	vld.idx.msk [tilespmem:v33+s8+$0x0], $0xffff  }
0x2e2: {  	v39 =	vadd.s32 $0x5000, v4;
	s4 =	sor.u32 s19, s5;
	v14 =	vld.idx.msk [tilespmem:v35+s8+$0x0], $0xffff;
	[tilespmem:s7+$0x0] =	vst v16  }
0x2e3: {  	v40 =	vadd.s32 $0x5000, v3;
	[tilespmem:s4+$0x0] =	vst v37;
	v16 =	vld.idx.msk [tilespmem:v36+s8+$0x0], $0xffff  }
0x2e4: {  	v41 =	vadd.s32 $0x5000, v6;
	s9 =	sadd.s32 $0x10780, s17;
	v18 =	vld.idx.msk [tilespmem:v38+s8+$0x0], $0xffff  }
0x2e5: {  	v42 =	vadd.s32 $0x5000, v5;
	s10 =	sor.u32 s16, s9  }
0x2e6: {  	s11 =	sadd.s32 $0x10780, s20;
	s3 =	sor.u32 s15, s9;
	[tilespmem:s10+$0x0] =	vst v12  }
0x2e7: {  	s21 =	sor.u32 s18, s11;
	[tilespmem:s3+$0x0] =	vst v14;
	v12 =	vld.idx.msk [tilespmem:v39+s8+$0x0], $0xffff  }
0x2e8: {  	v43 =	vadd.s32 $0x5200, v4;
	s4 =	sor.u32 s19, s11;
	v14 =	vld.idx.msk [tilespmem:v40+s8+$0x0], $0xffff;
	[tilespmem:s21+$0x0] =	vst v16  }
0x2e9: {  	v44 =	vadd.s32 $0x5200, v3;
	[tilespmem:s4+$0x0] =	vst v18;
	v16 =	vld.idx.msk [tilespmem:v41+s8+$0x0], $0xffff  }
0x2ea: {  	[tilespmem:s2+$0x0] =	vst v8;
	v45 =	vadd.s32 $0x5200, v6;
	s30 =	sadd.s32 $0x12400, s17;
	v46 =	vld.idx.msk [tilespmem:v42+s8+$0x0], $0xffff  }
0x2eb: {  	[tilespmem:s6+$0x0] =	vst v10;
	v47 =	vadd.s32 $0x5200, v5;
	s6 =	sor.u32 s16, s30  }
0x2ec: {  	v11 =	vld.idx.msk [tilespmem:v11+s8+$0x0], $0xffff;
	s5 =	sor.u32 s15, s30;
	s7 =	sadd.s32 $0x12400, s20;
	[tilespmem:s6+$0x0] =	vst v12  }
0x2ed: {  	v48 =	vadd.s32 $0x7000, v2;
	s9 =	sor.u32 s18, s7;
	[tilespmem:s5+$0x0] =	vst v14;
	v13 =	vld.idx.msk [tilespmem:v43+s8+$0x0], $0xffff  }
0x2ee: {  	v49 =	vadd.s32 $0x5400, v4;
	s23 =	sadd.s32 $0x12680, s14;
	s4 =	sor.u32 s19, s7;
	v15 =	vld.idx.msk [tilespmem:v44+s8+$0x0], $0xffff;
	[tilespmem:s9+$0x0] =	vst v16  }
0x2ef: {  	v50 =	vadd.s32 $0x5400, v3;
	s24 =	sor.u32 s13, s23;
	[tilespmem:s4+$0x0] =	vst v46;
	v10 =	vld.idx.msk [tilespmem:v45+s8+$0x0], $0xffff  }
0x2f0: {  	v51 =	vadd.s32 $0x5400, v6;
	[tilespmem:s24+$0x0] =	vst v7;
	s3 =	sor.u32 s12, s23;
	s10 =	sadd.s32 $0x12480, s17;
	v7 =	vld.idx.msk [tilespmem:v47+s8+$0x0], $0xffff  }
0x2f1: {  	v52 =	vadd.s32 $0x5400, v5;
	v9 =	vld.idx.msk [tilespmem:v9+s8+$0x0], $0xffff;
	[tilespmem:s3+$0x0] =	vst v11;
	s11 =	sor.u32 s16, s10  }
0x2f2: {  	v53 =	vadd.s32 $0x5C00, v0;
	s2 =	sor.u32 s15, s10;
	s21 =	sadd.s32 $0x12480, s20;
	v12 =	vld.idx.msk [tilespmem:v48+s8+$0x0], $0xffff;
	[tilespmem:s11+$0x0] =	vst v13  }
0x2f3: {  	v54 =	vadd.s32 $0x5E00, v1;
	s23 =	sor.u32 s18, s21;
	[tilespmem:s2+$0x0] =	vst v15;
	v14 =	vld.idx.msk [tilespmem:v49+s8+$0x0], $0xffff  }
0x2f4: {  	v55 =	vadd.s32 $0x5600, v4;
	s24 =	sadd.s32 $0x12700, s14;
	s3 =	sor.u32 s19, s21;
	v15 =	vld.idx.msk [tilespmem:v50+s8+$0x0], $0xffff;
	[tilespmem:s23+$0x0] =	vst v10  }
0x2f5: {  	v56 =	vadd.s32 $0x5600, v3;
	s30 =	sor.u32 s13, s24;
	[tilespmem:s3+$0x0] =	vst v7;
	v8 =	vld.idx.msk [tilespmem:v51+s8+$0x0], $0xffff  }
0x2f6: {  	v57 =	vadd.s32 $0x5600, v6;
	[tilespmem:s30+$0x0] =	vst v9;
	s4 =	sadd.s32 $0x12500, s17;
	v11 =	vld.idx.msk [tilespmem:v52+s8+$0x0], $0xffff  }
0x2f7: {  	v59 =	vadd.s32 $0x5600, v5;
	v58 =	vld.idx.msk [tilespmem:v53+s8+$0x0], $0xffff;
	[tilespmem:s1+$0x0] =	vst v12;
	s5 =	sor.u32 s16, s4  }
0x2f8: {  	v60 =	vadd.s32 $0x7200, v2;
	s6 =	sadd.s32 $0x12500, s20;
	v13 =	vld.idx.msk [tilespmem:v54+s8+$0x0], $0xffff;
	s3 =	sor.u32 s15, s4;
	[tilespmem:s5+$0x0] =	vst v14  }
0x2f9: {  	v61 =	vadd.s32 $0x5E00, v0;
	s7 =	sor.u32 s18, s6;
	[tilespmem:s3+$0x0] =	vst v15;
	v10 =	vld.idx.msk [tilespmem:v55+s8+$0x0], $0xffff  }
0x2fa: {  	v62 =	vadd.s32 $0x5800, v4;
	s1 =	sor.u32 s19, s6;
	v7 =	vld.idx.msk [tilespmem:v56+s8+$0x0], $0xffff;
	[tilespmem:s7+$0x0] =	vst v8  }
0x2fb: {  	v63 =	vadd.s32 $0x5800, v3;
	s9 =	sadd.s32 $0x12780, s14;
	s2 =	sor.u32 s12, s24;
	[tilespmem:s1+$0x0] =	vst v11;
	v9 =	vld.idx.msk [tilespmem:v57+s8+$0x0], $0xffff  }
0x2fc: {  	v20 =	vadd.s32 $0x5800, v6;
	s10 =	sor.u32 s13, s9;
	s11 =	sadd.s32 $0x12580, s17;
	[tilespmem:s2+$0x0] =	vst v58;
	v12 =	vld.idx.msk [tilespmem:v59+s8+$0x0], $0xffff  }
0x2fd: {  	v22 =	vadd.s32 $0x5800, v5;
	v21 =	vld.idx.msk [tilespmem:v60+s8+$0x0], $0xffff;
	s21 =	sor.u32 s16, s11;
	[tilespmem:s10+$0x0] =	vst v13  }
0x2fe: {  	v23 =	vadd.s32 $0x6000, v1;
	s2 =	sor.u32 s15, s11;
	s23 =	sadd.s32 $0x12580, s20;
	v14 =	vld.idx.msk [tilespmem:v61+s8+$0x0], $0xffff;
	[tilespmem:s21+$0x0] =	vst v10  }
0x2ff: {  	v24 =	vadd.s32 $0x7400, v2;
	s24 =	sor.u32 s18, s23;
	[tilespmem:s2+$0x0] =	vst v7;
	v15 =	vld.idx.msk [tilespmem:v62+s8+$0x0], $0xffff  }
0x300: {  	v25 =	vadd.s32 $0x5A00, v4;
	s1 =	sor.u32 s19, s23;
	v8 =	vld.idx.msk [tilespmem:v63+s8+$0x0], $0xffff;
	[tilespmem:s24+$0x0] =	vst v9  }
0x301: {  	v26 =	vadd.s32 $0x5A00, v3;
	[tilespmem:s1+$0x0] =	vst v12;
	v11 =	vld.idx.msk [tilespmem:v20+s8+$0x0], $0xffff  }
0x302: {  	v27 =	vadd.s32 $0x5A00, v6;
	s30 =	sor.u32 s12, s9;
	[tilespmem:s0+$0x0] =	vst v21;
	s2 =	sadd.s32 $0x12600, s17;
	v13 =	vld.idx.msk [tilespmem:v22+s8+$0x0], $0xffff  }
0x303: {  	v29 =	vadd.s32 $0x5A00, v5;
	v28 =	vld.idx.msk [tilespmem:v23+s8+$0x0], $0xffff;
	[tilespmem:s30+$0x0] =	vst v14;
	s3 =	sor.u32 s16, s2  }
0x304: {  	v30 =	vadd.s32 $0x6000, v0;
	s4 =	sadd.s32 $0x12600, s20;
	v10 =	vld.idx.msk [tilespmem:v24+s8+$0x0], $0xffff;
	s0 =	sor.u32 s15, s2;
	[tilespmem:s3+$0x0] =	vst v15  }
0x305: {  	v31 =	vadd.s32 $0x6200, v1;
	s5 =	sor.u32 s18, s4;
	[tilespmem:s0+$0x0] =	vst v8;
	v7 =	vld.idx.msk [tilespmem:v25+s8+$0x0], $0xffff  }
0x306: {  	v32 =	vadd.s32 $0x5C00, v4;
	s6 =	sadd.s32 $0x14400, s14;
	s1 =	sor.u32 s19, s4;
	v9 =	vld.idx.msk [tilespmem:v26+s8+$0x0], $0xffff;
	[tilespmem:s5+$0x0] =	vst v11  }
0x307: {  	v33 =	vadd.s32 $0x5C00, v3;
	s7 =	sor.u32 s13, s6;
	[tilespmem:s1+$0x0] =	vst v13;
	v12 =	vld.idx.msk [tilespmem:v27+s8+$0x0], $0xffff  }
0x308: {  	v34 =	vadd.s32 $0x5C00, v6;
	s9 =	sadd.s32 $0x12680, s17;
	[tilespmem:s7+$0x0] =	vst v28;
	v14 =	vld.idx.msk [tilespmem:v29+s8+$0x0], $0xffff  }
0x309: {  	v36 =	vadd.s32 $0x5C00, v5;
	s10 =	sor.u32 s16, s9;
	v35 =	vld.idx.msk [tilespmem:v30+s8+$0x0], $0xffff;
	[tilespmem:s31+$0x0] =	vst v10  }
0x30a: {  	v37 =	vadd.s32 $0x7600, v2;
	s11 =	sadd.s32 $0x12680, s20;
	v15 =	vld.idx.msk [tilespmem:v31+s8+$0x0], $0xffff;
	s1 =	sor.u32 s15, s9;
	[tilespmem:s10+$0x0] =	vst v7  }
0x30b: {  	v38 =	vadd.s32 $0x6200, v0;
	s21 =	sor.u32 s18, s11;
	[tilespmem:s1+$0x0] =	vst v9;
	v8 =	vld.idx.msk [tilespmem:v32+s8+$0x0], $0xffff  }
0x30c: {  	v39 =	vadd.s32 $0x5E00, v4;
	s2 =	sor.u32 s19, s11;
	v11 =	vld.idx.msk [tilespmem:v33+s8+$0x0], $0xffff;
	[tilespmem:s21+$0x0] =	vst v12  }
0x30d: {  	v40 =	vadd.s32 $0x5E00, v3;
	s23 =	sadd.s32 $0x14480, s14;
	s0 =	sor.u32 s12, s6;
	[tilespmem:s2+$0x0] =	vst v14;
	v13 =	vld.idx.msk [tilespmem:v34+s8+$0x0], $0xffff  }
0x30e: {  	v41 =	vadd.s32 $0x5E00, v6;
	s30 =	sadd.s32 $0x12700, s17;
	s24 =	sor.u32 s13, s23;
	[tilespmem:s0+$0x0] =	vst v35;
	v10 =	vld.idx.msk [tilespmem:v36+s8+$0x0], $0xffff  }
0x30f: {  	v43 =	vadd.s32 $0x5E00, v5;
	s31 =	sor.u32 s16, s30;
	v42 =	vld.idx.msk [tilespmem:v37+s8+$0x0], $0xffff;
	[tilespmem:s24+$0x0] =	vst v15  }
0x310: {  	v44 =	vadd.s32 $0x6400, v1;
	s3 =	sadd.s32 $0x12700, s20;
	v7 =	vld.idx.msk [tilespmem:v38+s8+$0x0], $0xffff;
	s2 =	sor.u32 s15, s30;
	[tilespmem:s31+$0x0] =	vst v8  }
0x311: {  	v45 =	vadd.s32 $0x7800, v2;
	s4 =	sor.u32 s18, s3;
	[tilespmem:s2+$0x0] =	vst v11;
	v9 =	vld.idx.msk [tilespmem:v39+s8+$0x0], $0xffff  }
0x312: {  	v46 =	vadd.s32 $0x6000, v4;
	s0 =	sor.u32 s19, s3;
	v12 =	vld.idx.msk [tilespmem:v40+s8+$0x0], $0xffff;
	[tilespmem:s4+$0x0] =	vst v13  }
0x313: {  	v47 =	vadd.s32 $0x6000, v3;
	[tilespmem:s0+$0x0] =	vst v10;
	v13 =	vld.idx.msk [tilespmem:v41+s8+$0x0], $0xffff  }
0x314: {  	v48 =	vadd.s32 $0x6000, v6;
	s6 =	sadd.s32 $0x12780, s17;
	s5 =	sor.u32 s12, s23;
	[tilespmem:s29+$0x0] =	vst v42;
	v15 =	vld.idx.msk [tilespmem:v43+s8+$0x0], $0xffff  }
0x315: {  	v50 =	vadd.s32 $0x6000, v5;
	s7 =	sor.u32 s16, s6;
	v49 =	vld.idx.msk [tilespmem:v44+s8+$0x0], $0xffff;
	[tilespmem:s5+$0x0] =	vst v7  }
0x316: {  	v51 =	vadd.s32 $0x6400, v0;
	s9 =	sadd.s32 $0x12780, s20;
	s1 =	sor.u32 s15, s6;
	v8 =	vld.idx.msk [tilespmem:v45+s8+$0x0], $0xffff;
	[tilespmem:s7+$0x0] =	vst v9  }
0x317: {  	v52 =	vadd.s32 $0x6600, v1;
	s10 =	sor.u32 s18, s9;
	[tilespmem:s1+$0x0] =	vst v12;
	v11 =	vld.idx.msk [tilespmem:v46+s8+$0x0], $0xffff  }
0x318: {  	v53 =	vadd.s32 $0x6200, v4;
	s11 =	sadd.s32 $0x14500, s14;
	s0 =	sor.u32 s19, s9;
	v10 =	vld.idx.msk [tilespmem:v47+s8+$0x0], $0xffff;
	[tilespmem:s10+$0x0] =	vst v13  }
0x319: {  	v54 =	vadd.s32 $0x6200, v3;
	s21 =	sor.u32 s13, s11;
	[tilespmem:s0+$0x0] =	vst v15;
	v14 =	vld.idx.msk [tilespmem:v48+s8+$0x0], $0xffff  }
0x31a: {  	v55 =	vadd.s32 $0x6200, v6;
	s23 =	sadd.s32 $0x14400, s17;
	[tilespmem:s21+$0x0] =	vst v49;
	v7 =	vld.idx.msk [tilespmem:v50+s8+$0x0], $0xffff  }
0x31b: {  	v57 =	vadd.s32 $0x6200, v5;
	s24 =	sor.u32 s16, s23;
	v56 =	vld.idx.msk [tilespmem:v51+s8+$0x0], $0xffff;
	[tilespmem:s28+$0x0] =	vst v8  }
0x31c: {  	v58 =	vadd.s32 $0x7A00, v2;
	s28 =	sadd.s32 $0x14400, s20;
	v9 =	vld.idx.msk [tilespmem:v52+s8+$0x0], $0xffff;
	s0 =	sor.u32 s15, s23;
	[tilespmem:s24+$0x0] =	vst v11  }
0x31d: {  	v59 =	vadd.s32 $0x6600, v0;
	s29 =	sor.u32 s18, s28;
	[tilespmem:s0+$0x0] =	vst v10;
	v12 =	vld.idx.msk [tilespmem:v53+s8+$0x0], $0xffff  }
0x31e: {  	v60 =	vadd.s32 $0x6400, v4;
	s2 =	sor.u32 s19, s28;
	v13 =	vld.idx.msk [tilespmem:v54+s8+$0x0], $0xffff;
	[tilespmem:s29+$0x0] =	vst v14  }
0x31f: {  	v61 =	vadd.s32 $0x6400, v3;
	s30 =	sor.u32 s12, s11;
	s31 =	sadd.s32 $0x14580, s14;
	[tilespmem:s2+$0x0] =	vst v7;
	v15 =	vld.idx.msk [tilespmem:v55+s8+$0x0], $0xffff  }
0x320: {  	v62 =	vadd.s32 $0x6400, v6;
	s3 =	sor.u32 s13, s31;
	s4 =	sadd.s32 $0x14480, s17;
	[tilespmem:s30+$0x0] =	vst v56;
	v8 =	vld.idx.msk [tilespmem:v57+s8+$0x0], $0xffff  }
0x321: {  	v20 =	vadd.s32 $0x6400, v5;
	s5 =	sor.u32 s16, s4;
	v63 =	vld.idx.msk [tilespmem:v58+s8+$0x0], $0xffff;
	[tilespmem:s3+$0x0] =	vst v9  }
0x322: {  	v21 =	vadd.s32 $0x6800, v1;
	s6 =	sadd.s32 $0x14480, s20;
	v11 =	vld.idx.msk [tilespmem:v59+s8+$0x0], $0xffff;
	s2 =	sor.u32 s15, s4;
	[tilespmem:s5+$0x0] =	vst v12  }
0x323: {  	v22 =	vadd.s32 $0x7C00, v2;
	s7 =	sor.u32 s18, s6;
	[tilespmem:s2+$0x0] =	vst v13;
	v10 =	vld.idx.msk [tilespmem:v60+s8+$0x0], $0xffff  }
0x324: {  	v23 =	vadd.s32 $0x6600, v4;
	s0 =	sor.u32 s19, s6;
	v14 =	vld.idx.msk [tilespmem:v61+s8+$0x0], $0xffff;
	[tilespmem:s7+$0x0] =	vst v15  }
0x325: {  	v24 =	vadd.s32 $0x6600, v3;
	[tilespmem:s0+$0x0] =	vst v8;
	v7 =	vld.idx.msk [tilespmem:v62+s8+$0x0], $0xffff  }
0x326: {  	v25 =	vadd.s32 $0x6600, v6;
	s9 =	sor.u32 s12, s31;
	s10 =	sadd.s32 $0x14500, s17;
	[tilespmem:s26+$0x0] =	vst v63;
	v9 =	vld.idx.msk [tilespmem:v20+s8+$0x0], $0xffff  }
0x327: {  	v27 =	vadd.s32 $0x6600, v5;
	s11 =	sor.u32 s16, s10;
	v26 =	vld.idx.msk [tilespmem:v21+s8+$0x0], $0xffff;
	[tilespmem:s9+$0x0] =	vst v11  }
0x328: {  	v28 =	vadd.s32 $0x6800, v0;
	s21 =	sadd.s32 $0x14500, s20;
	s1 =	sor.u32 s15, s10;
	v12 =	vld.idx.msk [tilespmem:v22+s8+$0x0], $0xffff;
	[tilespmem:s11+$0x0] =	vst v10  }
0x329: {  	v29 =	vadd.s32 $0x6A00, v1;
	s23 =	sor.u32 s18, s21;
	[tilespmem:s1+$0x0] =	vst v14;
	v13 =	vld.idx.msk [tilespmem:v23+s8+$0x0], $0xffff  }
0x32a: {  	v30 =	vadd.s32 $0x6800, v4;
	s24 =	sadd.s32 $0x14600, s14;
	s0 =	sor.u32 s19, s21;
	v8 =	vld.idx.msk [tilespmem:v24+s8+$0x0], $0xffff;
	[tilespmem:s23+$0x0] =	vst v7  }
0x32b: {  	v31 =	vadd.s32 $0x6800, v3;
	s26 =	sor.u32 s13, s24;
	[tilespmem:s0+$0x0] =	vst v9;
	v32 =	vld.idx.msk [tilespmem:v25+s8+$0x0], $0xffff  }
0x32c: {  	v33 =	vadd.s32 $0x6800, v6;
	s28 =	sadd.s32 $0x14580, s17;
	[tilespmem:s26+$0x0] =	vst v26;
	v11 =	vld.idx.msk [tilespmem:v27+s8+$0x0], $0xffff  }
0x32d: {  	v35 =	vadd.s32 $0x6800, v5;
	s29 =	sor.u32 s16, s28;
	v34 =	vld.idx.msk [tilespmem:v28+s8+$0x0], $0xffff;
	[tilespmem:s25+$0x0] =	vst v12  }
0x32e: {  	v36 =	vadd.s32 $0x7E00, v2;
	s30 =	sadd.s32 $0x14580, s20;
	v10 =	vld.idx.msk [tilespmem:v29+s8+$0x0], $0xffff;
	s0 =	sor.u32 s15, s28;
	[tilespmem:s29+$0x0] =	vst v13  }
0x32f: {  	v37 =	vadd.s32 $0x6A00, v0;
	s31 =	sor.u32 s18, s30;
	[tilespmem:s0+$0x0] =	vst v8;
	v7 =	vld.idx.msk [tilespmem:v30+s8+$0x0], $0xffff  }
0x330: {  	v38 =	vadd.s32 $0x6A00, v4;
	s2 =	sor.u32 s19, s30;
	v9 =	vld.idx.msk [tilespmem:v31+s8+$0x0], $0xffff;
	[tilespmem:s31+$0x0] =	vst v32  }
0x331: {  	v39 =	vadd.s32 $0x6A00, v3;
	s3 =	sadd.s32 $0x14680, s14;
	s1 =	sor.u32 s12, s24;
	[tilespmem:s2+$0x0] =	vst v11;
	v15 =	vld.idx.msk [tilespmem:v33+s8+$0x0], $0xffff  }
0x332: {  	v40 =	vadd.s32 $0x6A00, v6;
	s4 =	sor.u32 s13, s3;
	s5 =	sadd.s32 $0x14600, s17;
	[tilespmem:s1+$0x0] =	vst v34;
	v12 =	vld.idx.msk [tilespmem:v35+s8+$0x0], $0xffff  }
0x333: {  	v41 =	vadd.s32 $0x6A00, v5;
	s6 =	sor.u32 s16, s5;
	v2 =	vld.idx.msk [tilespmem:v36+s8+$0x0], $0xffff;
	[tilespmem:s4+$0x0] =	vst v10  }
0x334: {  	v42 =	vadd.s32 $0x6C00, v1;
	s7 =	sadd.s32 $0x14600, s20;
	v13 =	vld.idx.msk [tilespmem:v37+s8+$0x0], $0xffff;
	s2 =	sor.u32 s15, s5;
	[tilespmem:s6+$0x0] =	vst v7  }
0x335: {  	v43 =	vadd.s32 $0x6C00, v0;
	s9 =	sor.u32 s18, s7;
	[tilespmem:s2+$0x0] =	vst v9;
	v8 =	vld.idx.msk [tilespmem:v38+s8+$0x0], $0xffff  }
0x336: {  	v44 =	vadd.s32 $0x6C00, v4;
	s0 =	sor.u32 s19, s7;
	v14 =	vld.idx.msk [tilespmem:v39+s8+$0x0], $0xffff;
	[tilespmem:s9+$0x0] =	vst v15  }
0x337: {  	v45 =	vadd.s32 $0x6C00, v3;
	[tilespmem:s0+$0x0] =	vst v12;
	v11 =	vld.idx.msk [tilespmem:v40+s8+$0x0], $0xffff  }
0x338: {  	v46 =	vadd.s32 $0x6C00, v6;
	s10 =	sor.u32 s12, s3;
	s11 =	sadd.s32 $0x14680, s17;
	[tilespmem:s22+$0x0] =	vst v2;
	v10 =	vld.idx.msk [tilespmem:v41+s8+$0x0], $0xffff  }
0x339: {  	v48 =	vadd.s32 $0x6C00, v5;
	s21 =	sor.u32 s16, s11;
	v47 =	vld.idx.msk [tilespmem:v42+s8+$0x0], $0xffff;
	[tilespmem:s10+$0x0] =	vst v13  }
0x33a: {  	v49 =	vadd.s32 $0x6E00, v1;
	s1 =	sor.u32 s15, s11;
	s22 =	sadd.s32 $0x14680, s20;
	v7 =	vld.idx.msk [tilespmem:v43+s8+$0x0], $0xffff;
	[tilespmem:s21+$0x0] =	vst v8  }
0x33b: {  	v50 =	vadd.s32 $0x6E00, v0;
	s23 =	sor.u32 s18, s22;
	[tilespmem:s1+$0x0] =	vst v14;
	v9 =	vld.idx.msk [tilespmem:v44+s8+$0x0], $0xffff  }
0x33c: {  	v51 =	vadd.s32 $0x6E00, v4;
	s24 =	sadd.s32 $0x14700, s14;
	s0 =	sor.u32 s19, s22;
	v12 =	vld.idx.msk [tilespmem:v45+s8+$0x0], $0xffff;
	[tilespmem:s23+$0x0] =	vst v11  }
0x33d: {  	v52 =	vadd.s32 $0x6E00, v3;
	s25 =	sor.u32 s13, s24;
	[tilespmem:s0+$0x0] =	vst v10;
	v2 =	vld.idx.msk [tilespmem:v46+s8+$0x0], $0xffff  }
0x33e: {  	v53 =	vadd.s32 $0x6E00, v6;
	s26 =	sadd.s32 $0x14700, s17;
	[tilespmem:s25+$0x0] =	vst v47;
	s1 =	sor.u32 s12, s24;
	v13 =	vld.idx.msk [tilespmem:v48+s8+$0x0], $0xffff  }
0x33f: {  	v54 =	vadd.s32 $0x6E00, v5;
	s28 =	sor.u32 s16, s26;
	v15 =	vld.idx.msk [tilespmem:v49+s8+$0x0], $0xffff;
	[tilespmem:s1+$0x0] =	vst v7  }
0x340: {  	v55 =	vadd.s32 $0x7000, v1;
	s29 =	sadd.s32 $0x14700, s20;
	v8 =	vld.idx.msk [tilespmem:v50+s8+$0x0], $0xffff;
	s0 =	sor.u32 s15, s26;
	[tilespmem:s28+$0x0] =	vst v9  }
0x341: {  	v56 =	vadd.s32 $0x7000, v0;
	s30 =	sor.u32 s18, s29;
	[tilespmem:s0+$0x0] =	vst v12;
	v11 =	vld.idx.msk [tilespmem:v51+s8+$0x0], $0xffff  }
0x342: {  	v57 =	vadd.s32 $0x7000, v4;
	s31 =	sadd.s32 $0x14780, s14;
	s1 =	sor.u32 s19, s29;
	v10 =	vld.idx.msk [tilespmem:v52+s8+$0x0], $0xffff;
	[tilespmem:s30+$0x0] =	vst v2  }
0x343: {  	v58 =	vadd.s32 $0x7000, v3;
	s2 =	sor.u32 s13, s31;
	[tilespmem:s1+$0x0] =	vst v13;
	v59 =	vld.idx.msk [tilespmem:v53+s8+$0x0], $0xffff  }
0x344: {  	s3 =	sadd.s32 $0x14780, s17;
	v60 =	vadd.s32 $0x7000, v6;
	[tilespmem:s2+$0x0] =	vst v15;
	s0 =	sor.u32 s12, s31;
	v7 =	vld.idx.msk [tilespmem:v54+s8+$0x0], $0xffff  }
0x345: {  	v61 =	vadd.s32 $0x7000, v5;
	s4 =	sor.u32 s16, s3;
	v15 =	vld.idx.msk [tilespmem:v55+s8+$0x0], $0xffff;
	[tilespmem:s0+$0x0] =	vst v8  }
0x346: {  	v62 =	vadd.s32 $0x7200, v1;
	s5 =	sadd.s32 $0x14780, s20;
	v9 =	vld.idx.msk [tilespmem:v56+s8+$0x0], $0xffff;
	s1 =	sor.u32 s15, s3;
	[tilespmem:s4+$0x0] =	vst v11  }
0x347: {  	v63 =	vadd.s32 $0x7200, v0;
	s6 =	sor.u32 s18, s5;
	[tilespmem:s1+$0x0] =	vst v10;
	v2 =	vld.idx.msk [tilespmem:v57+s8+$0x0], $0xffff  }
0x348: {  	v20 =	vadd.s32 $0x7200, v4;
	s7 =	sadd.s32 $0x16400, s14;
	s0 =	sor.u32 s19, s5;
	v12 =	vld.idx.msk [tilespmem:v58+s8+$0x0], $0xffff;
	[tilespmem:s6+$0x0] =	vst v59  }
0x349: {  	v21 =	vadd.s32 $0x7200, v3;
	s9 =	sor.u32 s13, s7;
	[tilespmem:s0+$0x0] =	vst v7;
	v13 =	vld.idx.msk [tilespmem:v60+s8+$0x0], $0xffff  }
0x34a: {  	v22 =	vadd.s32 $0x7200, v6;
	s10 =	sadd.s32 $0x16400, s17;
	[tilespmem:s9+$0x0] =	vst v15;
	s1 =	sor.u32 s12, s7;
	v8 =	vld.idx.msk [tilespmem:v61+s8+$0x0], $0xffff  }
0x34b: {  	v23 =	vadd.s32 $0x7200, v5;
	s11 =	sor.u32 s16, s10;
	v15 =	vld.idx.msk [tilespmem:v62+s8+$0x0], $0xffff;
	[tilespmem:s1+$0x0] =	vst v9  }
0x34c: {  	v24 =	vadd.s32 $0x7400, v1;
	s21 =	sadd.s32 $0x16400, s20;
	v11 =	vld.idx.msk [tilespmem:v63+s8+$0x0], $0xffff;
	s0 =	sor.u32 s15, s10;
	[tilespmem:s11+$0x0] =	vst v2  }
0x34d: {  	v25 =	vadd.s32 $0x7400, v0;
	s22 =	sor.u32 s18, s21;
	[tilespmem:s0+$0x0] =	vst v12;
	v10 =	vld.idx.msk [tilespmem:v20+s8+$0x0], $0xffff  }
0x34e: {  	v26 =	vadd.s32 $0x7400, v4;
	s23 =	sadd.s32 $0x16480, s14;
	s1 =	sor.u32 s19, s21;
	v7 =	vld.idx.msk [tilespmem:v21+s8+$0x0], $0xffff;
	[tilespmem:s22+$0x0] =	vst v13  }
0x34f: {  	v27 =	vadd.s32 $0x7400, v3;
	s24 =	sor.u32 s13, s23;
	[tilespmem:s1+$0x0] =	vst v8;
	v13 =	vld.idx.msk [tilespmem:v22+s8+$0x0], $0xffff  }
0x350: {  	v28 =	vadd.s32 $0x7400, v6;
	s25 =	sadd.s32 $0x16480, s17;
	[tilespmem:s24+$0x0] =	vst v15;
	s0 =	sor.u32 s12, s23;
	v9 =	vld.idx.msk [tilespmem:v23+s8+$0x0], $0xffff  }
0x351: {  	v29 =	vadd.s32 $0x7400, v5;
	s26 =	sor.u32 s16, s25;
	v15 =	vld.idx.msk [tilespmem:v24+s8+$0x0], $0xffff;
	[tilespmem:s0+$0x0] =	vst v11  }
0x352: {  	v30 =	vadd.s32 $0x7600, v1;
	s28 =	sadd.s32 $0x16480, s20;
	v2 =	vld.idx.msk [tilespmem:v25+s8+$0x0], $0xffff;
	s1 =	sor.u32 s15, s25;
	[tilespmem:s26+$0x0] =	vst v10  }
0x353: {  	v31 =	vadd.s32 $0x7600, v0;
	s29 =	sor.u32 s18, s28;
	[tilespmem:s1+$0x0] =	vst v7;
	v12 =	vld.idx.msk [tilespmem:v26+s8+$0x0], $0xffff  }
0x354: {  	v32 =	vadd.s32 $0x7600, v4;
	s30 =	sadd.s32 $0x16500, s14;
	s0 =	sor.u32 s19, s28;
	v8 =	vld.idx.msk [tilespmem:v27+s8+$0x0], $0xffff;
	[tilespmem:s29+$0x0] =	vst v13  }
0x355: {  	v33 =	vadd.s32 $0x7600, v3;
	s31 =	sor.u32 s13, s30;
	[tilespmem:s0+$0x0] =	vst v9;
	v13 =	vld.idx.msk [tilespmem:v28+s8+$0x0], $0xffff  }
0x356: {  	v34 =	vadd.s32 $0x7600, v6;
	s2 =	sadd.s32 $0x16500, s17;
	[tilespmem:s31+$0x0] =	vst v15;
	s1 =	sor.u32 s12, s30;
	v11 =	vld.idx.msk [tilespmem:v29+s8+$0x0], $0xffff  }
0x357: {  	v35 =	vadd.s32 $0x7600, v5;
	s3 =	sor.u32 s16, s2;
	v15 =	vld.idx.msk [tilespmem:v30+s8+$0x0], $0xffff;
	[tilespmem:s1+$0x0] =	vst v2  }
0x358: {  	v36 =	vadd.s32 $0x7800, v1;
	s4 =	sadd.s32 $0x16500, s20;
	v10 =	vld.idx.msk [tilespmem:v31+s8+$0x0], $0xffff;
	s0 =	sor.u32 s15, s2;
	[tilespmem:s3+$0x0] =	vst v12  }
0x359: {  	v37 =	vadd.s32 $0x7800, v0;
	s5 =	sor.u32 s18, s4;
	[tilespmem:s0+$0x0] =	vst v8;
	v7 =	vld.idx.msk [tilespmem:v32+s8+$0x0], $0xffff  }
0x35a: {  	v38 =	vadd.s32 $0x7800, v4;
	s6 =	sadd.s32 $0x16580, s14;
	s1 =	sor.u32 s19, s4;
	v9 =	vld.idx.msk [tilespmem:v33+s8+$0x0], $0xffff;
	[tilespmem:s5+$0x0] =	vst v13  }
0x35b: {  	v39 =	vadd.s32 $0x7800, v3;
	s7 =	sor.u32 s13, s6;
	[tilespmem:s1+$0x0] =	vst v11;
	v13 =	vld.idx.msk [tilespmem:v34+s8+$0x0], $0xffff  }
0x35c: {  	v40 =	vadd.s32 $0x7800, v6;
	s9 =	sadd.s32 $0x16580, s17;
	[tilespmem:s7+$0x0] =	vst v15;
	s0 =	sor.u32 s12, s6;
	v2 =	vld.idx.msk [tilespmem:v35+s8+$0x0], $0xffff  }
0x35d: {  	v41 =	vadd.s32 $0x7800, v5;
	s10 =	sor.u32 s16, s9;
	v15 =	vld.idx.msk [tilespmem:v36+s8+$0x0], $0xffff;
	[tilespmem:s0+$0x0] =	vst v10  }
0x35e: {  	v42 =	vadd.s32 $0x7A00, v1;
	s11 =	sadd.s32 $0x16580, s20;
	v12 =	vld.idx.msk [tilespmem:v37+s8+$0x0], $0xffff;
	s1 =	sor.u32 s15, s9;
	[tilespmem:s10+$0x0] =	vst v7  }
0x35f: {  	v43 =	vadd.s32 $0x7A00, v0;
	s21 =	sor.u32 s18, s11;
	[tilespmem:s1+$0x0] =	vst v9;
	v8 =	vld.idx.msk [tilespmem:v38+s8+$0x0], $0xffff  }
0x360: {  	v44 =	vadd.s32 $0x7A00, v4;
	s22 =	sadd.s32 $0x16600, s14;
	s0 =	sor.u32 s19, s11;
	v11 =	vld.idx.msk [tilespmem:v39+s8+$0x0], $0xffff;
	[tilespmem:s21+$0x0] =	vst v13  }
0x361: {  	v45 =	vadd.s32 $0x7A00, v3;
	s23 =	sor.u32 s13, s22;
	[tilespmem:s0+$0x0] =	vst v2;
	v13 =	vld.idx.msk [tilespmem:v40+s8+$0x0], $0xffff  }
0x362: {  	v46 =	vadd.s32 $0x7A00, v6;
	s24 =	sadd.s32 $0x16600, s17;
	[tilespmem:s23+$0x0] =	vst v15;
	s1 =	sor.u32 s12, s22;
	v10 =	vld.idx.msk [tilespmem:v41+s8+$0x0], $0xffff  }
0x363: {  	v47 =	vadd.s32 $0x7A00, v5;
	s25 =	sor.u32 s16, s24;
	v15 =	vld.idx.msk [tilespmem:v42+s8+$0x0], $0xffff;
	[tilespmem:s1+$0x0] =	vst v12  }
0x364: {  	v48 =	vadd.s32 $0x7C00, v1;
	s26 =	sadd.s32 $0x16600, s20;
	v7 =	vld.idx.msk [tilespmem:v43+s8+$0x0], $0xffff;
	s0 =	sor.u32 s15, s24;
	[tilespmem:s25+$0x0] =	vst v8  }
0x365: {  	v49 =	vadd.s32 $0x7C00, v0;
	s28 =	sor.u32 s18, s26;
	[tilespmem:s0+$0x0] =	vst v11;
	v9 =	vld.idx.msk [tilespmem:v44+s8+$0x0], $0xffff  }
0x366: {  	v50 =	vadd.s32 $0x7C00, v4;
	s29 =	sadd.s32 $0x16680, s14;
	s1 =	sor.u32 s19, s26;
	v2 =	vld.idx.msk [tilespmem:v45+s8+$0x0], $0xffff;
	[tilespmem:s28+$0x0] =	vst v13  }
0x367: {  	v51 =	vadd.s32 $0x7C00, v3;
	s30 =	sor.u32 s13, s29;
	[tilespmem:s1+$0x0] =	vst v10;
	v13 =	vld.idx.msk [tilespmem:v46+s8+$0x0], $0xffff  }
0x368: {  	v52 =	vadd.s32 $0x7C00, v6;
	s31 =	sadd.s32 $0x16680, s17;
	[tilespmem:s30+$0x0] =	vst v15;
	s0 =	sor.u32 s12, s29;
	v12 =	vld.idx.msk [tilespmem:v47+s8+$0x0], $0xffff  }
0x369: {  	v53 =	vadd.s32 $0x7C00, v5;
	s2 =	sor.u32 s16, s31;
	v15 =	vld.idx.msk [tilespmem:v48+s8+$0x0], $0xffff;
	[tilespmem:s0+$0x0] =	vst v7  }
0x36a: {  	v54 =	vadd.s32 $0x7E00, v1;
	s4 =	sadd.s32 $0x16680, s20;
	s3 =	sor.u32 s15, s31;
	v8 =	vld.idx.msk [tilespmem:v49+s8+$0x0], $0xffff;
	[tilespmem:s2+$0x0] =	vst v9  }
0x36b: {  	v55 =	vadd.s32 $0x7E00, v0;
	s5 =	sor.u32 s18, s4;
	[tilespmem:s3+$0x0] =	vst v2;
	v9 =	vld.idx.msk [tilespmem:v50+s8+$0x0], $0xffff  }
0x36c: {  	v56 =	vadd.s32 $0x7E00, v4;
	s6 =	sadd.s32 $0x16700, s14;
	s1 =	sor.u32 s19, s4;
	v57 =	vld.idx.msk [tilespmem:v51+s8+$0x0], $0xffff;
	[tilespmem:s5+$0x0] =	vst v13  }
0x36d: {  	v58 =	vadd.s32 $0x7E00, v3;
	s7 =	sor.u32 s13, s6;
	[tilespmem:s1+$0x0] =	vst v12;
	v59 =	vld.idx.msk [tilespmem:v52+s8+$0x0], $0xffff  }
0x36e: {  	v60 =	vadd.s32 $0x7E00, v6;
	s9 =	sadd.s32 $0x16700, s17;
	s0 =	sor.u32 s12, s6;
	[tilespmem:s7+$0x0] =	vst v15;
	v7 =	vld.idx.msk [tilespmem:v53+s8+$0x0], $0xffff  }
0x36f: {  	v61 =	vadd.s32 $0x7E00, v5;
	s10 =	sor.u32 s16, s9;
	v1 =	vld.idx.msk [tilespmem:v54+s8+$0x0], $0xffff;
	[tilespmem:s0+$0x0] =	vst v8  }
0x370: {  	s11 =	sadd.s32 $0x16700, s20;
	v0 =	vld.idx.msk [tilespmem:v55+s8+$0x0], $0xffff;
	s1 =	sor.u32 s15, s9;
	[tilespmem:s10+$0x0] =	vst v9  }
0x371: {  	s21 =	sor.u32 s18, s11;
	[tilespmem:s1+$0x0] =	vst v57;
	v2 =	vld.idx.msk [tilespmem:v56+s8+$0x0], $0xffff  }
0x372: {  	s22 =	sadd.s32 $0x16780, s14;
	s0 =	sor.u32 s19, s11;
	v3 =	vld.idx.msk [tilespmem:v58+s8+$0x0], $0xffff;
	[tilespmem:s21+$0x0] =	vst v59  }
0x373: {  	s23 =	sor.u32 s13, s22;
	[tilespmem:s0+$0x0] =	vst v7;
	v62 =	vld.idx.msk [tilespmem:v60+s8+$0x0], $0xffff  }
0x374: {  	s24 =	sadd.s32 $0x16780, s17;
	[tilespmem:s23+$0x0] =	vst v1;
	s1 =	sor.u32 s12, s22;
	v63 =	vld.idx.msk [tilespmem:v61+s8+$0x0], $0xffff  }
0x375: {  	s25 =	sor.u32 s16, s24;
	[tilespmem:s1+$0x0] =	vst v0  }
0x376: {  	s26 =	sadd.s32 $0x16780, s20;
	s0 =	sor.u32 s15, s24;
	[tilespmem:s25+$0x0] =	vst v2  }
0x377: {  	s28 =	sor.u32 s18, s26;
	[tilespmem:s0+$0x0] =	vst v3  }
0x378: {  	s1 =	sor.u32 s19, s26;
	[tilespmem:s28+$0x0] =	vst v62  }
0x379: {  	s29 =	simm.s32 $0x8400;
	[tilespmem:s1+$0x0] =	vst v63  }
0x37a: {  	s6 =	simm.s32 $0x0;
	s2 =	simm.s32 $0x1;
	s0 =	rddreg [dreg:$0x5]  }
0x37b: {  	[hbm4b:s0+s6] =	stream.linear.scatter [tilespmem:s29], [sflag:$0x1], $0x10000, $0x38;
	[tilespmem:$0x18400] =	vst v63  }
0x37c: {  	_ =	swait.ge [sflag:s2], $0x10000  }
0x37d: {  	s30 =	rddreg [dreg:$0x7]  }
0x37e: {  	s31 =	rddreg [dreg:$0x6];
	s1 =	sadd.s32 $0x1, s30  }
0x37f: {  	p0 =	sne.s32 s1, s31  }
.Ltmp1:
0x380: {  	_ = 	snop;
	(pc) =	sbr.rel @p0 .LBB2_1-.Ltmp1, $3  }
0x381: {  	_ =	sdelay $0x1  }
0x382: {  	[sflag:s2] =	ssyncset.done $0x0  }
0x383: {  	[sflag:s2] =	ssyncadd.s32 $0xFFFF0000  }
0x384: {  	_ =	sfence.sel $0x180000  }
0x385: {  	[bflag:$0x0] =	sbarrier.arrive $0xFFFF  }
0x386: {  	_ =	strace $0x90000047  }
0x387: {  	s0 =	stileid.u32;
	[bflag:$0x2] =	sbarrier.arrive $0xFFFF  }
0x388: {  	p0 =	sne.s32 s0, $0x0;
	s0 =	rddreg [dreg:$0x2]  }
0x389: {  	s0 =	sadd.s32 @!p0 $0x100000, s0  }
0x38a: {  	[sflag:s0] =	ssyncadd.tile.s32 @!p0 $0x1;
	_ =	shalt  }
.Lfunc_end2:
_tile_overlayer_lowered:
.L_overlay_start_2:
0x38b: {  	(tag) =	ssettag $0x2  }
0x38c: {  	s0 =	rddreg [dreg:$0x0];
	s2 =	stileid.u32  }
0x38d: {  	s1 =	rddreg [dreg:$0x1];
	p0 =	sne.s32 s2, $0x0  }
0x38e: {  	s3 =	rddreg [dreg:$0x2];
	[bflag:$0x3] =	sbarrier.arrive $0xFFFF;
	s2 =	simm.s32 @!p0 $0x1C01  }
0x38f: {  	[timem:s3], [sflag:s2] =	dma.local @!p0 [hbm:s0], s1  }
0x390: {  	s0 =	simm.s32 @!p0 $0x1  }
0x391: {  	_ =	swait.ge @!p0 [sflag:s0], s1  }
0x392: {  	s1 =	ssub.s32 @!p0 $0x0, s1;
	[sflag:s0] =	ssyncset.done @!p0 $0x0  }
0x393: {  	[sflag:s0] =	ssyncadd.s32 @!p0 s1  }
0x394: {  	[bflag:$0x3] =	sbarrier.arrive $0xFFFF  }
0x395: {  	_ =	shalt  }

</sc_bundles>
